<compile_context>
chip_gen: v7x
topology: tpu7x:2x2x1
jax: 0.10.2.dev20260603
libtpu: 0.0.44.dev20260713+nightly
codegen_flags: <defaults>
</compile_context>

<pallas_src>
import functools

import jax
import jax.numpy as jnp
from jax import lax
from jax.experimental import pallas as pl
from jax.experimental.pallas import tpu as pltpu
from jax.experimental.pallas import tpu_sc as plsc

VOCAB = 1000
VPAD = 1024
BT = 1024 * 50
NC, NS, L = 2, 16, 16
NW = NC * NS
ROWS_W = 32
QUART = BT // 4
GUNROLL = 16
PER_W = BT // NW


def _lse_body(x_ref, o_ref):
    x = x_ref[...]
    m = jnp.max(x, axis=1)
    s = jnp.sum(jnp.exp(x - m[:, None]), axis=1)
    o_ref[...] = m + jnp.log(s)


def _row_lse(table):
    return pl.pallas_call(
        _lse_body,
        out_shape=jax.ShapeDtypeStruct((VOCAB,), jnp.float32),
    )(table)


def _loss_body(p_ref, o_ref):
    o_ref[0, 0] = jnp.sum(p_ref[...]) * (1.0 / BT)


def _loss_mean(parts):
    return pl.pallas_call(
        _loss_body,
        out_shape=jax.ShapeDtypeStruct((1, 1), jnp.float32),
        out_specs=pl.BlockSpec(memory_space=pltpu.MemorySpace.SMEM),
    )(parts)


_sc_mesh = plsc.VectorSubcoreMesh(core_axis_name="c", subcore_axis_name="s")


@functools.partial(
    pl.kernel,
    mesh=_sc_mesh,
    compiler_params=pltpu.CompilerParams(needs_layout_passes=False),
    out_type=[
        jax.ShapeDtypeStruct((VOCAB, BT), jnp.float32),
        jax.ShapeDtypeStruct((NW, L), jnp.float32),
    ],
    scratch_types=[
        pltpu.VMEM((BT,), jnp.int32),
        pltpu.VMEM((1, QUART), jnp.float32),
        pltpu.VMEM((1, QUART), jnp.float32),
        pltpu.VMEM((1, QUART), jnp.float32),
        pltpu.VMEM((1, QUART), jnp.float32),
        pltpu.VMEM((VPAD,), jnp.float32),
        pltpu.VMEM((VPAD,), jnp.float32),
        pltpu.VMEM((VOCAB,), jnp.float32),
        pltpu.VMEM((PER_W,), jnp.int32),
        pltpu.VMEM((PER_W,), jnp.int32),
        pltpu.VMEM((PER_W,), jnp.float32),
        pltpu.VMEM((L,), jnp.float32),
        pltpu.SemaphoreType.DMA,
        pltpu.SemaphoreType.DMA,
        pltpu.SemaphoreType.DMA,
        pltpu.SemaphoreType.DMA,
        pltpu.SemaphoreType.DMA,
        pltpu.SemaphoreType.DMA,
        pltpu.SemaphoreType.DMA,
    ],
)
def _sc_cols(idx_hbm, tgt_hbm, ttf_hbm, lse_hbm,
             out_hbm, part_hbm,
             idx_v, qa0_v, qa1_v, qb0_v, qb1_v, ta_v, tb_v, lse_v,
             tgt_v, flat_v, pick_v, acc_v,
             tsa, tsb, wsa0, wsa1, wsb0, wsb1, lsem):
    wid = lax.axis_index("s") * NC + lax.axis_index("c")

    pltpu.async_copy(ttf_hbm.at[pl.ds(wid * VPAD, VPAD)], ta_v, tsa)
    pltpu.async_copy(ttf_hbm.at[pl.ds((wid + NW) * VPAD, VPAD)], tb_v, tsb)
    pltpu.sync_copy(idx_hbm, idx_v)
    pltpu.sync_copy(lse_hbm, lse_v)

    base = wid * PER_W
    pltpu.sync_copy(tgt_hbm.at[pl.ds(base, PER_W)], tgt_v)

    @plsc.parallel_loop(0, PER_W, L, unroll=4)
    def _flat(o):
        flat_v[pl.ds(o, L)] = (tgt_v[pl.ds(o, L)] * VPAD
                               + idx_v[pl.ds(base + o, L)])

    for t in range(0, PER_W, 128):
        sz = min(128, PER_W - t)
        pltpu.async_copy(ttf_hbm.at[flat_v.at[pl.ds(t, sz)]],
                         pick_v.at[pl.ds(t, sz)], lsem)

    def drain(dst_ref, sem):
        pltpu.make_async_copy(out_hbm.at[pl.ds(0, 1), pl.ds(0, QUART)],
                              dst_ref, sem).wait()

    def trow_wait(trow_ref, sem):
        pltpu.make_async_copy(ttf_hbm.at[pl.ds(0, VPAD)], trow_ref,
                              sem).wait()

    def abufs(q):
        return (qa0_v, wsa0) if q % 2 == 0 else (qa1_v, wsa1)

    def bbufs(q):
        return (qb0_v, wsb0) if q % 2 == 0 else (qb1_v, wsb1)

    def fire(buf, v, q, wsem):
        pltpu.async_copy(
            buf, out_hbm.at[pl.ds(v, 1), pl.ds(q * QUART, QUART)], wsem)

    def do_pair(va, vb, first):
        trow_wait(ta_v, tsa)
        trow_wait(tb_v, tsb)
        for q in range(4):
            ba, sa = abufs(q)
            bb, sb = bbufs(q)
            if not (first and q < 2):
                drain(ba, sa)
                drain(bb, sb)

            @plsc.parallel_loop(0, QUART, L, unroll=GUNROLL)
            def body(o):
                vec = idx_v[pl.ds(q * QUART + o, L)]
                ba[0, pl.ds(o, L)] = plsc.load_gather(ta_v, [vec])
                bb[0, pl.ds(o, L)] = plsc.load_gather(tb_v, [vec])

            fire(ba, va, q, sa)
            fire(bb, vb, q, sb)

    def do_single(va):
        trow_wait(ta_v, tsa)
        trow_wait(tb_v, tsb)
        for q in range(4):
            ba, sa = abufs(q)
            drain(ba, sa)

            @plsc.parallel_loop(0, QUART, L, unroll=GUNROLL)
            def body(o):
                vec = idx_v[pl.ds(q * QUART + o, L)]
                ba[0, pl.ds(o, L)] = plsc.load_gather(ta_v, [vec])

            fire(ba, va, q, sa)

    def prefetch(k2next):
        ra = jnp.minimum(wid + 2 * NW * k2next, VOCAB - 1)
        rb = jnp.minimum(wid + 2 * NW * k2next + NW, VOCAB - 1)
        pltpu.async_copy(ttf_hbm.at[pl.ds(ra * VPAD, VPAD)], ta_v, tsa)
        pltpu.async_copy(ttf_hbm.at[pl.ds(rb * VPAD, VPAD)], tb_v, tsb)

    do_pair(wid, wid + NW, True)
    prefetch(1)

    def k2body(k2, _):
        va = wid + 2 * NW * k2
        do_pair(va, va + NW, False)
        prefetch(k2 + 1)
        return 0

    lax.fori_loop(1, ROWS_W // 2 - 1, k2body, 0)

    vlast = wid + 2 * NW * (ROWS_W // 2 - 1)

    @pl.when(vlast + NW < VOCAB)
    def _():
        do_pair(vlast, vlast + NW, False)

    @pl.when(vlast + NW >= VOCAB)
    def _():
        do_single(vlast)

    drain(qa0_v, wsa0)
    drain(qa1_v, wsa1)
    drain(qb0_v, wsb0)
    drain(qb1_v, wsb1)

    pltpu.make_async_copy(ttf_hbm.at[flat_v], pick_v, lsem).wait()

    @plsc.parallel_loop(0, PER_W, L, unroll=4,
                        carry=jnp.zeros((L,), jnp.float32))
    def _acc(o, acc):
        lg = plsc.load_gather(lse_v, [idx_v[pl.ds(base + o, L)]])
        return acc + (lg - pick_v[pl.ds(o, L)])

    acc_v[...] = _acc
    pltpu.sync_copy(acc_v, part_hbm.at[wid])


def kernel(idx, targets, table):
    idxf = idx.reshape(-1).astype(jnp.int32)
    tgtf = targets.reshape(-1).astype(jnp.int32)
    lse = _row_lse(table)
    ttf = jnp.pad(table.T, ((0, 0), (0, VPAD - VOCAB))).reshape(-1)
    out_t, parts = _sc_cols(idxf, tgtf, ttf, lse)
    loss = _loss_mean(parts)[0, 0]
    return out_t.T, loss

# --- scband reference (transcript-rebuilt; emitter-appended) ---
"""Pipeline reference for scband-bigram-language-model-1692217115534 (READ-ONLY COPY).

The authoritative reference and input builder live on the scoring server;
editing this copy changes nothing except your own understanding.
"""

import jax, jax.numpy as jnp
import numpy as np

VOCAB = 1000
B, T = 1024, 50

def setup_inputs(seed: int = 0) -> dict:
    key = jax.random.key(seed)
    k1, k2, k3 = jax.random.split(key, 3)
    idx = jax.random.randint(k1, (B, T), 0, VOCAB, dtype=jnp.int64 if jax.config.jax_enable_x64 else jnp.int32)
    targets = jax.random.randint(k2, (B, T), 0, VOCAB, dtype=jnp.int64 if jax.config.jax_enable_x64 else jnp.int32)
    table = jax.random.normal(k3, (VOCAB, VOCAB), dtype=jnp.float32)
    return {"idx": idx, "targets": targets, "table": table}

def reference(idx, targets, table):
    # logits = token_embedding_table(idx)
    logits = jnp.take(table, idx, axis=0)  # [B, T, V]
    Bx, Tx = idx.shape
    V = table.shape[1]
    logits2 = logits.reshape(Bx * Tx, V)
    t = targets.reshape(Bx * Tx)
    # F.cross_entropy with mean reduction
    lse = jax.scipy.special.logsumexp(logits2, axis=-1)  # [B*T]
    picked = jnp.take_along_axis(logits2, t[:, None], axis=1)[:, 0]
    loss = jnp.mean(lse - picked)
    return (logits2, loss)

if __name__ == "__main__":
    import jax
    _d = setup_inputs()
    print(jax.jit(kernel)(*tuple(_d.values())))

</pallas_src>

<mosaic_0001>
#map = affine_map<(d0, d1) -> (0)>
#map1 = affine_map<(d0, d1) -> (0, 0)>
module attributes {stable_mosaic.version = 14 : i64} {
  func.func @_sc_cols(%arg0: i32, %arg1: i32, %arg2: memref<51200xi32, #tpu.memory_space<hbm>>, %arg3: memref<51200xi32, #tpu.memory_space<hbm>>, %arg4: memref<1024000xf32, #tpu.memory_space<hbm>>, %arg5: memref<1000xf32, #tpu.memory_space<hbm>>, %arg6: memref<1000x51200xf32, #tpu.memory_space<hbm>>, %arg7: memref<32x16xf32, #tpu.memory_space<hbm>>, %arg8: memref<51200xi32, #tpu.memory_space<vmem>>, %arg9: memref<1x12800xf32, #tpu.memory_space<vmem>>, %arg10: memref<1x12800xf32, #tpu.memory_space<vmem>>, %arg11: memref<1x12800xf32, #tpu.memory_space<vmem>>, %arg12: memref<1x12800xf32, #tpu.memory_space<vmem>>, %arg13: memref<1024xf32, #tpu.memory_space<vmem>>, %arg14: memref<1024xf32, #tpu.memory_space<vmem>>, %arg15: memref<1000xf32, #tpu.memory_space<vmem>>, %arg16: memref<1600xi32, #tpu.memory_space<vmem>>, %arg17: memref<1600xi32, #tpu.memory_space<vmem>>, %arg18: memref<1600xf32, #tpu.memory_space<vmem>>, %arg19: memref<16xf32, #tpu.memory_space<vmem>>, %arg20: memref<!tpu.dma_semaphore, #tpu.memory_space<semaphore_mem>>, %arg21: memref<!tpu.dma_semaphore, #tpu.memory_space<semaphore_mem>>, %arg22: memref<!tpu.dma_semaphore, #tpu.memory_space<semaphore_mem>>, %arg23: memref<!tpu.dma_semaphore, #tpu.memory_space<semaphore_mem>>, %arg24: memref<!tpu.dma_semaphore, #tpu.memory_space<semaphore_mem>>, %arg25: memref<!tpu.dma_semaphore, #tpu.memory_space<semaphore_mem>>, %arg26: memref<!tpu.dma_semaphore, #tpu.memory_space<semaphore_mem>>) attributes {dimension_semantics = [#tpu.dimension_semantics<core_parallel>, #tpu.dimension_semantics<subcore_parallel>], iteration_bounds = array<i64: 2, 16>, scalar_prefetch = 0 : i64, scratch_operands = 19 : i64, tpu.core_type = #tpu.core_type<sc_vector_subcore>, window_params = [{transform_indices = #map}, {transform_indices = #map}, {transform_indices = #map}, {transform_indices = #map}, {transform_indices = #map1}, {transform_indices = #map1}]} {
    %mul3A = arith.constant 2 : i32
    %mul3A_0 = arith.muli %arg1, %mul3A : i32
    %add3A = arith.addi %mul3A_0, %arg0 : i32
    %mul3A_1 = arith.constant 1024 : i32
    %mul3A_2 = arith.muli %add3A, %mul3A_1 : i32
    %dma_start3A = tpu.memref_slice %arg4[%mul3A_2] : memref<1024000xf32, #tpu.memory_space<hbm>> -> memref<1024xf32, #tpu.memory_space<hbm>>
    %dma_start3A_3 = tpu.memref_slice %arg4[%mul3A_2] : memref<1024000xf32, #tpu.memory_space<hbm>> -> memref<1024xf32, #tpu.memory_space<hbm>>
    tpu.enqueue_dma source(%dma_start3A_3 : memref<1024xf32, #tpu.memory_space<hbm>>) target(%arg13 : memref<1024xf32, #tpu.memory_space<vmem>>) target_semaphore(%arg20 : memref<!tpu.dma_semaphore, #tpu.memory_space<semaphore_mem>>)
    %add3A_4 = arith.constant 32 : i32
    %add3A_5 = arith.addi %add3A, %add3A_4 : i32
    %mul3A_6 = arith.constant 1024 : i32
    %mul3A_7 = arith.muli %add3A_5, %mul3A_6 : i32
    %dma_start3A_8 = tpu.memref_slice %arg4[%mul3A_7] : memref<1024000xf32, #tpu.memory_space<hbm>> -> memref<1024xf32, #tpu.memory_space<hbm>>
    %dma_start3A_9 = tpu.memref_slice %arg4[%mul3A_7] : memref<1024000xf32, #tpu.memory_space<hbm>> -> memref<1024xf32, #tpu.memory_space<hbm>>
    tpu.enqueue_dma source(%dma_start3A_9 : memref<1024xf32, #tpu.memory_space<hbm>>) target(%arg14 : memref<1024xf32, #tpu.memory_space<vmem>>) target_semaphore(%arg21 : memref<!tpu.dma_semaphore, #tpu.memory_space<semaphore_mem>>)
    "tpu.region"() ({
      %run_scoped3A = tpu.sem_alloc : memref<!tpu.dma_semaphore, #tpu.memory_space<semaphore_mem>>
      tpu.enqueue_dma source(%arg2 : memref<51200xi32, #tpu.memory_space<hbm>>) target(%arg8 : memref<51200xi32, #tpu.memory_space<vmem>>) target_semaphore(%run_scoped3A : memref<!tpu.dma_semaphore, #tpu.memory_space<semaphore_mem>>)
      tpu.wait_dma2 semaphore(%run_scoped3A : memref<!tpu.dma_semaphore, #tpu.memory_space<semaphore_mem>>) src(%arg2 : memref<51200xi32, #tpu.memory_space<hbm>>) dst(%arg8 : memref<51200xi32, #tpu.memory_space<vmem>>)
      tpu.yield
    }) : () -> ()
    "tpu.region"() ({
      %run_scoped3A = tpu.sem_alloc : memref<!tpu.dma_semaphore, #tpu.memory_space<semaphore_mem>>
      tpu.enqueue_dma source(%arg5 : memref<1000xf32, #tpu.memory_space<hbm>>) target(%arg15 : memref<1000xf32, #tpu.memory_space<vmem>>) target_semaphore(%run_scoped3A : memref<!tpu.dma_semaphore, #tpu.memory_space<semaphore_mem>>)
      tpu.wait_dma2 semaphore(%run_scoped3A : memref<!tpu.dma_semaphore, #tpu.memory_space<semaphore_mem>>) src(%arg5 : memref<1000xf32, #tpu.memory_space<hbm>>) dst(%arg15 : memref<1000xf32, #tpu.memory_space<vmem>>)
      tpu.yield
    }) : () -> ()
    %mul3A_10 = arith.constant 1600 : i32
    %mul3A_11 = arith.muli %add3A, %mul3A_10 : i32
    "tpu.region"() ({
      %run_scoped3A = tpu.sem_alloc : memref<!tpu.dma_semaphore, #tpu.memory_space<semaphore_mem>>
      %dma_start3A_236 = tpu.memref_slice %arg3[%mul3A_11] : memref<51200xi32, #tpu.memory_space<hbm>> -> memref<1600xi32, #tpu.memory_space<hbm>>
      %dma_start3A_237 = tpu.memref_slice %arg3[%mul3A_11] : memref<51200xi32, #tpu.memory_space<hbm>> -> memref<1600xi32, #tpu.memory_space<hbm>>
      tpu.enqueue_dma source(%dma_start3A_237 : memref<1600xi32, #tpu.memory_space<hbm>>) target(%arg16 : memref<1600xi32, #tpu.memory_space<vmem>>) target_semaphore(%run_scoped3A : memref<!tpu.dma_semaphore, #tpu.memory_space<semaphore_mem>>)
      %dma_wait3A_238 = tpu.memref_slice %arg3[%mul3A_11] : memref<51200xi32, #tpu.memory_space<hbm>> -> memref<1600xi32, #tpu.memory_space<hbm>>
      %dma_wait3A_239 = tpu.memref_slice %arg3[%mul3A_11] : memref<51200xi32, #tpu.memory_space<hbm>> -> memref<1600xi32, #tpu.memory_space<hbm>>
      tpu.wait_dma2 semaphore(%run_scoped3A : memref<!tpu.dma_semaphore, #tpu.memory_space<semaphore_mem>>) src(%dma_wait3A_239 : memref<1600xi32, #tpu.memory_space<hbm>>) dst(%arg16 : memref<1600xi32, #tpu.memory_space<vmem>>)
      tpu.yield
    }) : () -> ()
    %parallel_loop3A = arith.constant 0 : i32
    %parallel_loop3A_12 = arith.constant 1600 : i32
    %parallel_loop3A_13 = arith.constant 16 : i32
    scf.for %parallel_loop3A_236 = %parallel_loop3A to %parallel_loop3A_12 step %parallel_loop3A_13  : i32 {
      %parallel_loop3A_237 = arith.index_cast %parallel_loop3A_236 : i32 to index
      %parallel_loop3A_238 = tpu.vector_load %arg16[%parallel_loop3A_237] {strides = array<i32>} : memref<1600xi32, #tpu.memory_space<vmem>>, vector<16xi32>,
      %parallel_loop3A_239 = arith.constant 1024 : i32
      %parallel_loop3A_240 = vector.broadcast %parallel_loop3A_239 : i32 to vector<16xi32>
      %parallel_loop3A_241 = arith.muli %parallel_loop3A_238, %parallel_loop3A_240 : vector<16xi32>
      %parallel_loop3A_242 = arith.addi %mul3A_11, %parallel_loop3A_236 : i32
      %parallel_loop3A_243 = arith.index_cast %parallel_loop3A_242 : i32 to index
      %parallel_loop3A_244 = tpu.vector_load %arg8[%parallel_loop3A_243] {strides = array<i32>} : memref<51200xi32, #tpu.memory_space<vmem>>, vector<16xi32>,
      %parallel_loop3A_245 = arith.addi %parallel_loop3A_241, %parallel_loop3A_244 : vector<16xi32>
      %parallel_loop3A_246 = arith.index_cast %parallel_loop3A_236 : i32 to index
      %parallel_loop3A_247 = tpu.vector_load %arg17[%parallel_loop3A_246] {strides = array<i32>} : memref<1600xi32, #tpu.memory_space<vmem>>, vector<16xi32>,
      tpu.vector_store %arg17[%parallel_loop3A_246], %parallel_loop3A_245 {strides = array<i32>} : memref<1600xi32, #tpu.memory_space<vmem>>, vector<16xi32>,
    } {sc.loop_unroll_factor = 4 : i64, sc.parallel_access}
    %dma_start3A_14 = arith.constant 0 : i32
    %dma_start3A_15 = tpu.memref_slice %arg18[%dma_start3A_14] : memref<1600xf32, #tpu.memory_space<vmem>> -> memref<128xf32, #tpu.memory_space<vmem>>
    %dma_start3A_16 = arith.constant 0 : i32
    %dma_start3A_17 = tpu.memref_slice %arg17[%dma_start3A_16] : memref<1600xi32, #tpu.memory_space<vmem>> -> memref<128xi32, #tpu.memory_space<vmem>>
    %dma_start3A_18 = arith.constant 0 : i32
    %dma_start3A_19 = tpu.memref_slice %arg4[%dma_start3A_18] : memref<1024000xf32, #tpu.memory_space<hbm>> -> memref<1024000xf32, #tpu.memory_space<hbm>>
    tpu.enqueue_indirect_dma source(%dma_start3A_19 : memref<1024000xf32, #tpu.memory_space<hbm>>) target(%dma_start3A_15 : memref<128xf32, #tpu.memory_space<vmem>>) offsets(%dma_start3A_17 : memref<128xi32, #tpu.memory_space<vmem>>) semaphore(%arg26 : memref<!tpu.dma_semaphore, #tpu.memory_space<semaphore_mem>>)
    %dma_start3A_20 = arith.constant 128 : i32
    %dma_start3A_21 = tpu.memref_slice %arg18[%dma_start3A_20] : memref<1600xf32, #tpu.memory_space<vmem>> -> memref<128xf32, #tpu.memory_space<vmem>>
    %dma_start3A_22 = arith.constant 128 : i32
    %dma_start3A_23 = tpu.memref_slice %arg17[%dma_start3A_22] : memref<1600xi32, #tpu.memory_space<vmem>> -> memref<128xi32, #tpu.memory_space<vmem>>
    %dma_start3A_24 = arith.constant 0 : i32
    %dma_start3A_25 = tpu.memref_slice %arg4[%dma_start3A_24] : memref<1024000xf32, #tpu.memory_space<hbm>> -> memref<1024000xf32, #tpu.memory_space<hbm>>
    tpu.enqueue_indirect_dma source(%dma_start3A_25 : memref<1024000xf32, #tpu.memory_space<hbm>>) target(%dma_start3A_21 : memref<128xf32, #tpu.memory_space<vmem>>) offsets(%dma_start3A_23 : memref<128xi32, #tpu.memory_space<vmem>>) semaphore(%arg26 : memref<!tpu.dma_semaphore, #tpu.memory_space<semaphore_mem>>)
    %dma_start3A_26 = arith.constant 256 : i32
    %dma_start3A_27 = tpu.memref_slice %arg18[%dma_start3A_26] : memref<1600xf32, #tpu.memory_space<vmem>> -> memref<128xf32, #tpu.memory_space<vmem>>
    %dma_start3A_28 = arith.constant 256 : i32
    %dma_start3A_29 = tpu.memref_slice %arg17[%dma_start3A_28] : memref<1600xi32, #tpu.memory_space<vmem>> -> memref<128xi32, #tpu.memory_space<vmem>>
    %dma_start3A_30 = arith.constant 0 : i32
    %dma_start3A_31 = tpu.memref_slice %arg4[%dma_start3A_30] : memref<1024000xf32, #tpu.memory_space<hbm>> -> memref<1024000xf32, #tpu.memory_space<hbm>>
    tpu.enqueue_indirect_dma source(%dma_start3A_31 : memref<1024000xf32, #tpu.memory_space<hbm>>) target(%dma_start3A_27 : memref<128xf32, #tpu.memory_space<vmem>>) offsets(%dma_start3A_29 : memref<128xi32, #tpu.memory_space<vmem>>) semaphore(%arg26 : memref<!tpu.dma_semaphore, #tpu.memory_space<semaphore_mem>>)
    %dma_start3A_32 = arith.constant 384 : i32
    %dma_start3A_33 = tpu.memref_slice %arg18[%dma_start3A_32] : memref<1600xf32, #tpu.memory_space<vmem>> -> memref<128xf32, #tpu.memory_space<vmem>>
    %dma_start3A_34 = arith.constant 384 : i32
    %dma_start3A_35 = tpu.memref_slice %arg17[%dma_start3A_34] : memref<1600xi32, #tpu.memory_space<vmem>> -> memref<128xi32, #tpu.memory_space<vmem>>
    %dma_start3A_36 = arith.constant 0 : i32
    %dma_start3A_37 = tpu.memref_slice %arg4[%dma_start3A_36] : memref<1024000xf32, #tpu.memory_space<hbm>> -> memref<1024000xf32, #tpu.memory_space<hbm>>
    tpu.enqueue_indirect_dma source(%dma_start3A_37 : memref<1024000xf32, #tpu.memory_space<hbm>>) target(%dma_start3A_33 : memref<128xf32, #tpu.memory_space<vmem>>) offsets(%dma_start3A_35 : memref<128xi32, #tpu.memory_space<vmem>>) semaphore(%arg26 : memref<!tpu.dma_semaphore, #tpu.memory_space<semaphore_mem>>)
    %dma_start3A_38 = arith.constant 512 : i32
    %dma_start3A_39 = tpu.memref_slice %arg18[%dma_start3A_38] : memref<1600xf32, #tpu.memory_space<vmem>> -> memref<128xf32, #tpu.memory_space<vmem>>
    %dma_start3A_40 = arith.constant 512 : i32
    %dma_start3A_41 = tpu.memref_slice %arg17[%dma_start3A_40] : memref<1600xi32, #tpu.memory_space<vmem>> -> memref<128xi32, #tpu.memory_space<vmem>>
    %dma_start3A_42 = arith.constant 0 : i32
    %dma_start3A_43 = tpu.memref_slice %arg4[%dma_start3A_42] : memref<1024000xf32, #tpu.memory_space<hbm>> -> memref<1024000xf32, #tpu.memory_space<hbm>>
    tpu.enqueue_indirect_dma source(%dma_start3A_43 : memref<1024000xf32, #tpu.memory_space<hbm>>) target(%dma_start3A_39 : memref<128xf32, #tpu.memory_space<vmem>>) offsets(%dma_start3A_41 : memref<128xi32, #tpu.memory_space<vmem>>) semaphore(%arg26 : memref<!tpu.dma_semaphore, #tpu.memory_space<semaphore_mem>>)
    %dma_start3A_44 = arith.constant 640 : i32
    %dma_start3A_45 = tpu.memref_slice %arg18[%dma_start3A_44] : memref<1600xf32, #tpu.memory_space<vmem>> -> memref<128xf32, #tpu.memory_space<vmem>>
    %dma_start3A_46 = arith.constant 640 : i32
    %dma_start3A_47 = tpu.memref_slice %arg17[%dma_start3A_46] : memref<1600xi32, #tpu.memory_space<vmem>> -> memref<128xi32, #tpu.memory_space<vmem>>
    %dma_start3A_48 = arith.constant 0 : i32
    %dma_start3A_49 = tpu.memref_slice %arg4[%dma_start3A_48] : memref<1024000xf32, #tpu.memory_space<hbm>> -> memref<1024000xf32, #tpu.memory_space<hbm>>
    tpu.enqueue_indirect_dma source(%dma_start3A_49 : memref<1024000xf32, #tpu.memory_space<hbm>>) target(%dma_start3A_45 : memref<128xf32, #tpu.memory_space<vmem>>) offsets(%dma_start3A_47 : memref<128xi32, #tpu.memory_space<vmem>>) semaphore(%arg26 : memref<!tpu.dma_semaphore, #tpu.memory_space<semaphore_mem>>)
    %dma_start3A_50 = arith.constant 768 : i32
    %dma_start3A_51 = tpu.memref_slice %arg18[%dma_start3A_50] : memref<1600xf32, #tpu.memory_space<vmem>> -> memref<128xf32, #tpu.memory_space<vmem>>
    %dma_start3A_52 = arith.constant 768 : i32
    %dma_start3A_53 = tpu.memref_slice %arg17[%dma_start3A_52] : memref<1600xi32, #tpu.memory_space<vmem>> -> memref<128xi32, #tpu.memory_space<vmem>>
    %dma_start3A_54 = arith.constant 0 : i32
    %dma_start3A_55 = tpu.memref_slice %arg4[%dma_start3A_54] : memref<1024000xf32, #tpu.memory_space<hbm>> -> memref<1024000xf32, #tpu.memory_space<hbm>>
    tpu.enqueue_indirect_dma source(%dma_start3A_55 : memref<1024000xf32, #tpu.memory_space<hbm>>) target(%dma_start3A_51 : memref<128xf32, #tpu.memory_space<vmem>>) offsets(%dma_start3A_53 : memref<128xi32, #tpu.memory_space<vmem>>) semaphore(%arg26 : memref<!tpu.dma_semaphore, #tpu.memory_space<semaphore_mem>>)
    %dma_start3A_56 = arith.constant 896 : i32
    %dma_start3A_57 = tpu.memref_slice %arg18[%dma_start3A_56] : memref<1600xf32, #tpu.memory_space<vmem>> -> memref<128xf32, #tpu.memory_space<vmem>>
    %dma_start3A_58 = arith.constant 896 : i32
    %dma_start3A_59 = tpu.memref_slice %arg17[%dma_start3A_58] : memref<1600xi32, #tpu.memory_space<vmem>> -> memref<128xi32, #tpu.memory_space<vmem>>
    %dma_start3A_60 = arith.constant 0 : i32
    %dma_start3A_61 = tpu.memref_slice %arg4[%dma_start3A_60] : memref<1024000xf32, #tpu.memory_space<hbm>> -> memref<1024000xf32, #tpu.memory_space<hbm>>
    tpu.enqueue_indirect_dma source(%dma_start3A_61 : memref<1024000xf32, #tpu.memory_space<hbm>>) target(%dma_start3A_57 : memref<128xf32, #tpu.memory_space<vmem>>) offsets(%dma_start3A_59 : memref<128xi32, #tpu.memory_space<vmem>>) semaphore(%arg26 : memref<!tpu.dma_semaphore, #tpu.memory_space<semaphore_mem>>)
    %dma_start3A_62 = arith.constant 1024 : i32
    %dma_start3A_63 = tpu.memref_slice %arg18[%dma_start3A_62] : memref<1600xf32, #tpu.memory_space<vmem>> -> memref<128xf32, #tpu.memory_space<vmem>>
    %dma_start3A_64 = arith.constant 1024 : i32
    %dma_start3A_65 = tpu.memref_slice %arg17[%dma_start3A_64] : memref<1600xi32, #tpu.memory_space<vmem>> -> memref<128xi32, #tpu.memory_space<vmem>>
    %dma_start3A_66 = arith.constant 0 : i32
    %dma_start3A_67 = tpu.memref_slice %arg4[%dma_start3A_66] : memref<1024000xf32, #tpu.memory_space<hbm>> -> memref<1024000xf32, #tpu.memory_space<hbm>>
    tpu.enqueue_indirect_dma source(%dma_start3A_67 : memref<1024000xf32, #tpu.memory_space<hbm>>) target(%dma_start3A_63 : memref<128xf32, #tpu.memory_space<vmem>>) offsets(%dma_start3A_65 : memref<128xi32, #tpu.memory_space<vmem>>) semaphore(%arg26 : memref<!tpu.dma_semaphore, #tpu.memory_space<semaphore_mem>>)
    %dma_start3A_68 = arith.constant 1152 : i32
    %dma_start3A_69 = tpu.memref_slice %arg18[%dma_start3A_68] : memref<1600xf32, #tpu.memory_space<vmem>> -> memref<128xf32, #tpu.memory_space<vmem>>
    %dma_start3A_70 = arith.constant 1152 : i32
    %dma_start3A_71 = tpu.memref_slice %arg17[%dma_start3A_70] : memref<1600xi32, #tpu.memory_space<vmem>> -> memref<128xi32, #tpu.memory_space<vmem>>
    %dma_start3A_72 = arith.constant 0 : i32
    %dma_start3A_73 = tpu.memref_slice %arg4[%dma_start3A_72] : memref<1024000xf32, #tpu.memory_space<hbm>> -> memref<1024000xf32, #tpu.memory_space<hbm>>
    tpu.enqueue_indirect_dma source(%dma_start3A_73 : memref<1024000xf32, #tpu.memory_space<hbm>>) target(%dma_start3A_69 : memref<128xf32, #tpu.memory_space<vmem>>) offsets(%dma_start3A_71 : memref<128xi32, #tpu.memory_space<vmem>>) semaphore(%arg26 : memref<!tpu.dma_semaphore, #tpu.memory_space<semaphore_mem>>)
    %dma_start3A_74 = arith.constant 1280 : i32
    %dma_start3A_75 = tpu.memref_slice %arg18[%dma_start3A_74] : memref<1600xf32, #tpu.memory_space<vmem>> -> memref<128xf32, #tpu.memory_space<vmem>>
    %dma_start3A_76 = arith.constant 1280 : i32
    %dma_start3A_77 = tpu.memref_slice %arg17[%dma_start3A_76] : memref<1600xi32, #tpu.memory_space<vmem>> -> memref<128xi32, #tpu.memory_space<vmem>>
    %dma_start3A_78 = arith.constant 0 : i32
    %dma_start3A_79 = tpu.memref_slice %arg4[%dma_start3A_78] : memref<1024000xf32, #tpu.memory_space<hbm>> -> memref<1024000xf32, #tpu.memory_space<hbm>>
    tpu.enqueue_indirect_dma source(%dma_start3A_79 : memref<1024000xf32, #tpu.memory_space<hbm>>) target(%dma_start3A_75 : memref<128xf32, #tpu.memory_space<vmem>>) offsets(%dma_start3A_77 : memref<128xi32, #tpu.memory_space<vmem>>) semaphore(%arg26 : memref<!tpu.dma_semaphore, #tpu.memory_space<semaphore_mem>>)
    %dma_start3A_80 = arith.constant 1408 : i32
    %dma_start3A_81 = tpu.memref_slice %arg18[%dma_start3A_80] : memref<1600xf32, #tpu.memory_space<vmem>> -> memref<128xf32, #tpu.memory_space<vmem>>
    %dma_start3A_82 = arith.constant 1408 : i32
    %dma_start3A_83 = tpu.memref_slice %arg17[%dma_start3A_82] : memref<1600xi32, #tpu.memory_space<vmem>> -> memref<128xi32, #tpu.memory_space<vmem>>
    %dma_start3A_84 = arith.constant 0 : i32
    %dma_start3A_85 = tpu.memref_slice %arg4[%dma_start3A_84] : memref<1024000xf32, #tpu.memory_space<hbm>> -> memref<1024000xf32, #tpu.memory_space<hbm>>
    tpu.enqueue_indirect_dma source(%dma_start3A_85 : memref<1024000xf32, #tpu.memory_space<hbm>>) target(%dma_start3A_81 : memref<128xf32, #tpu.memory_space<vmem>>) offsets(%dma_start3A_83 : memref<128xi32, #tpu.memory_space<vmem>>) semaphore(%arg26 : memref<!tpu.dma_semaphore, #tpu.memory_space<semaphore_mem>>)
    %dma_start3A_86 = arith.constant 1536 : i32
    %dma_start3A_87 = tpu.memref_slice %arg18[%dma_start3A_86] : memref<1600xf32, #tpu.memory_space<vmem>> -> memref<64xf32, #tpu.memory_space<vmem>>
    %dma_start3A_88 = arith.constant 1536 : i32
    %dma_start3A_89 = tpu.memref_slice %arg17[%dma_start3A_88] : memref<1600xi32, #tpu.memory_space<vmem>> -> memref<64xi32, #tpu.memory_space<vmem>>
    %dma_start3A_90 = arith.constant 0 : i32
    %dma_start3A_91 = tpu.memref_slice %arg4[%dma_start3A_90] : memref<1024000xf32, #tpu.memory_space<hbm>> -> memref<1024000xf32, #tpu.memory_space<hbm>>
    tpu.enqueue_indirect_dma source(%dma_start3A_91 : memref<1024000xf32, #tpu.memory_space<hbm>>) target(%dma_start3A_87 : memref<64xf32, #tpu.memory_space<vmem>>) offsets(%dma_start3A_89 : memref<64xi32, #tpu.memory_space<vmem>>) semaphore(%arg26 : memref<!tpu.dma_semaphore, #tpu.memory_space<semaphore_mem>>)
    %add3A_92 = arith.constant 32 : i32
    %add3A_93 = arith.addi %add3A, %add3A_92 : i32
    %dma_wait3A = arith.constant 0 : i32
    %dma_wait3A_94 = tpu.memref_slice %arg4[%dma_wait3A] : memref<1024000xf32, #tpu.memory_space<hbm>> -> memref<1024xf32, #tpu.memory_space<hbm>>
    %dma_wait3A_95 = arith.constant 0 : i32
    %dma_wait3A_96 = tpu.memref_slice %arg4[%dma_wait3A_95] : memref<1024000xf32, #tpu.memory_space<hbm>> -> memref<1024xf32, #tpu.memory_space<hbm>>
    tpu.wait_dma2 semaphore(%arg20 : memref<!tpu.dma_semaphore, #tpu.memory_space<semaphore_mem>>) src(%dma_wait3A_96 : memref<1024xf32, #tpu.memory_space<hbm>>) dst(%arg13 : memref<1024xf32, #tpu.memory_space<vmem>>)
    %dma_wait3A_97 = arith.constant 0 : i32
    %dma_wait3A_98 = tpu.memref_slice %arg4[%dma_wait3A_97] : memref<1024000xf32, #tpu.memory_space<hbm>> -> memref<1024xf32, #tpu.memory_space<hbm>>
    %dma_wait3A_99 = arith.constant 0 : i32
    %dma_wait3A_100 = tpu.memref_slice %arg4[%dma_wait3A_99] : memref<1024000xf32, #tpu.memory_space<hbm>> -> memref<1024xf32, #tpu.memory_space<hbm>>
    tpu.wait_dma2 semaphore(%arg21 : memref<!tpu.dma_semaphore, #tpu.memory_space<semaphore_mem>>) src(%dma_wait3A_100 : memref<1024xf32, #tpu.memory_space<hbm>>) dst(%arg14 : memref<1024xf32, #tpu.memory_space<vmem>>)
    %parallel_loop3A_101 = arith.constant 0 : i32
    %parallel_loop3A_102 = arith.constant 12800 : i32
    %parallel_loop3A_103 = arith.constant 16 : i32
    scf.for %parallel_loop3A_236 = %parallel_loop3A_101 to %parallel_loop3A_102 step %parallel_loop3A_103  : i32 {
      %parallel_loop3A_237 = arith.constant 0 : i32
      %parallel_loop3A_238 = arith.addi %parallel_loop3A_237, %parallel_loop3A_236 : i32
      %parallel_loop3A_239 = arith.index_cast %parallel_loop3A_238 : i32 to index
      %parallel_loop3A_240 = tpu.vector_load %arg8[%parallel_loop3A_239] {strides = array<i32>} : memref<51200xi32, #tpu.memory_space<vmem>>, vector<16xi32>,
      %parallel_loop3A_241 = tpu.vector_load_idx %arg13[%parallel_loop3A_240] : memref<1024xf32, #tpu.memory_space<vmem>>[vector<16xi32>], vector<16xf32>,
      %parallel_loop3A_242 = arith.constant 0 : i32
      %parallel_loop3A_243 = arith.index_cast %parallel_loop3A_242 : i32 to index
      %parallel_loop3A_244 = arith.index_cast %parallel_loop3A_236 : i32 to index
      %parallel_loop3A_245 = tpu.vector_load %arg9[%parallel_loop3A_243, %parallel_loop3A_244] {strides = array<i32>} : memref<1x12800xf32, #tpu.memory_space<vmem>>, vector<16xf32>,
      tpu.vector_store %arg9[%parallel_loop3A_243, %parallel_loop3A_244], %parallel_loop3A_241 {strides = array<i32>} : memref<1x12800xf32, #tpu.memory_space<vmem>>, vector<16xf32>,
      %parallel_loop3A_246 = tpu.vector_load_idx %arg14[%parallel_loop3A_240] : memref<1024xf32, #tpu.memory_space<vmem>>[vector<16xi32>], vector<16xf32>,
      %parallel_loop3A_247 = arith.constant 0 : i32
      %parallel_loop3A_248 = arith.index_cast %parallel_loop3A_247 : i32 to index
      %parallel_loop3A_249 = arith.index_cast %parallel_loop3A_236 : i32 to index
      %parallel_loop3A_250 = tpu.vector_load %arg11[%parallel_loop3A_248, %parallel_loop3A_249] {strides = array<i32>} : memref<1x12800xf32, #tpu.memory_space<vmem>>, vector<16xf32>,
      tpu.vector_store %arg11[%parallel_loop3A_248, %parallel_loop3A_249], %parallel_loop3A_246 {strides = array<i32>} : memref<1x12800xf32, #tpu.memory_space<vmem>>, vector<16xf32>,
    } {sc.loop_unroll_factor = 16 : i64, sc.parallel_access}
    %dma_start3A_104 = arith.constant 0 : i32
    %dma_start3A_105 = tpu.memref_slice %arg6[%add3A, %dma_start3A_104] : memref<1000x51200xf32, #tpu.memory_space<hbm>> -> memref<1x12800xf32, #tpu.memory_space<hbm>>
    %dma_start3A_106 = arith.constant 0 : i32
    %dma_start3A_107 = tpu.memref_slice %arg6[%add3A, %dma_start3A_106] : memref<1000x51200xf32, #tpu.memory_space<hbm>> -> memref<1x12800xf32, #tpu.memory_space<hbm>>
    tpu.enqueue_dma source(%arg9 : memref<1x12800xf32, #tpu.memory_space<vmem>>) target(%dma_start3A_107 : memref<1x12800xf32, #tpu.memory_space<hbm>>) target_semaphore(%arg22 : memref<!tpu.dma_semaphore, #tpu.memory_space<semaphore_mem>>)
    %dma_start3A_108 = arith.constant 0 : i32
    %dma_start3A_109 = tpu.memref_slice %arg6[%add3A_93, %dma_start3A_108] : memref<1000x51200xf32, #tpu.memory_space<hbm>> -> memref<1x12800xf32, #tpu.memory_space<hbm>>
    %dma_start3A_110 = arith.constant 0 : i32
    %dma_start3A_111 = tpu.memref_slice %arg6[%add3A_93, %dma_start3A_110] : memref<1000x51200xf32, #tpu.memory_space<hbm>> -> memref<1x12800xf32, #tpu.memory_space<hbm>>
    tpu.enqueue_dma source(%arg11 : memref<1x12800xf32, #tpu.memory_space<vmem>>) target(%dma_start3A_111 : memref<1x12800xf32, #tpu.memory_space<hbm>>) target_semaphore(%arg24 : memref<!tpu.dma_semaphore, #tpu.memory_space<semaphore_mem>>)
    %parallel_loop3A_112 = arith.constant 0 : i32
    %parallel_loop3A_113 = arith.constant 12800 : i32
    %parallel_loop3A_114 = arith.constant 16 : i32
    scf.for %parallel_loop3A_236 = %parallel_loop3A_112 to %parallel_loop3A_113 step %parallel_loop3A_114  : i32 {
      %parallel_loop3A_237 = arith.constant 12800 : i32
      %parallel_loop3A_238 = arith.addi %parallel_loop3A_237, %parallel_loop3A_236 : i32
      %parallel_loop3A_239 = arith.index_cast %parallel_loop3A_238 : i32 to index
      %parallel_loop3A_240 = tpu.vector_load %arg8[%parallel_loop3A_239] {strides = array<i32>} : memref<51200xi32, #tpu.memory_space<vmem>>, vector<16xi32>,
      %parallel_loop3A_241 = tpu.vector_load_idx %arg13[%parallel_loop3A_240] : memref<1024xf32, #tpu.memory_space<vmem>>[vector<16xi32>], vector<16xf32>,
      %parallel_loop3A_242 = arith.constant 0 : i32
      %parallel_loop3A_243 = arith.index_cast %parallel_loop3A_242 : i32 to index
      %parallel_loop3A_244 = arith.index_cast %parallel_loop3A_236 : i32 to index
      %parallel_loop3A_245 = tpu.vector_load %arg10[%parallel_loop3A_243, %parallel_loop3A_244] {strides = array<i32>} : memref<1x12800xf32, #tpu.memory_space<vmem>>, vector<16xf32>,
      tpu.vector_store %arg10[%parallel_loop3A_243, %parallel_loop3A_244], %parallel_loop3A_241 {strides = array<i32>} : memref<1x12800xf32, #tpu.memory_space<vmem>>, vector<16xf32>,
      %parallel_loop3A_246 = tpu.vector_load_idx %arg14[%parallel_loop3A_240] : memref<1024xf32, #tpu.memory_space<vmem>>[vector<16xi32>], vector<16xf32>,
      %parallel_loop3A_247 = arith.constant 0 : i32
      %parallel_loop3A_248 = arith.index_cast %parallel_loop3A_247 : i32 to index
      %parallel_loop3A_249 = arith.index_cast %parallel_loop3A_236 : i32 to index
      %parallel_loop3A_250 = tpu.vector_load %arg12[%parallel_loop3A_248, %parallel_loop3A_249] {strides = array<i32>} : memref<1x12800xf32, #tpu.memory_space<vmem>>, vector<16xf32>,
      tpu.vector_store %arg12[%parallel_loop3A_248, %parallel_loop3A_249], %parallel_loop3A_246 {strides = array<i32>} : memref<1x12800xf32, #tpu.memory_space<vmem>>, vector<16xf32>,
    } {sc.loop_unroll_factor = 16 : i64, sc.parallel_access}
    %dma_start3A_115 = arith.constant 12800 : i32
    %dma_start3A_116 = tpu.memref_slice %arg6[%add3A, %dma_start3A_115] : memref<1000x51200xf32, #tpu.memory_space<hbm>> -> memref<1x12800xf32, #tpu.memory_space<hbm>>
    %dma_start3A_117 = arith.constant 12800 : i32
    %dma_start3A_118 = tpu.memref_slice %arg6[%add3A, %dma_start3A_117] : memref<1000x51200xf32, #tpu.memory_space<hbm>> -> memref<1x12800xf32, #tpu.memory_space<hbm>>
    tpu.enqueue_dma source(%arg10 : memref<1x12800xf32, #tpu.memory_space<vmem>>) target(%dma_start3A_118 : memref<1x12800xf32, #tpu.memory_space<hbm>>) target_semaphore(%arg23 : memref<!tpu.dma_semaphore, #tpu.memory_space<semaphore_mem>>)
    %dma_start3A_119 = arith.constant 12800 : i32
    %dma_start3A_120 = tpu.memref_slice %arg6[%add3A_93, %dma_start3A_119] : memref<1000x51200xf32, #tpu.memory_space<hbm>> -> memref<1x12800xf32, #tpu.memory_space<hbm>>
    %dma_start3A_121 = arith.constant 12800 : i32
    %dma_start3A_122 = tpu.memref_slice %arg6[%add3A_93, %dma_start3A_121] : memref<1000x51200xf32, #tpu.memory_space<hbm>> -> memref<1x12800xf32, #tpu.memory_space<hbm>>
    tpu.enqueue_dma source(%arg12 : memref<1x12800xf32, #tpu.memory_space<vmem>>) target(%dma_start3A_122 : memref<1x12800xf32, #tpu.memory_space<hbm>>) target_semaphore(%arg25 : memref<!tpu.dma_semaphore, #tpu.memory_space<semaphore_mem>>)
    %dma_wait3A_123 = arith.constant 0 : i32
    %dma_wait3A_124 = arith.constant 0 : i32
    %dma_wait3A_125 = tpu.memref_slice %arg6[%dma_wait3A_123, %dma_wait3A_124] : memref<1000x51200xf32, #tpu.memory_space<hbm>> -> memref<1x12800xf32, #tpu.memory_space<hbm>>
    %dma_wait3A_126 = arith.constant 0 : i32
    %dma_wait3A_127 = arith.constant 0 : i32
    %dma_wait3A_128 = tpu.memref_slice %arg6[%dma_wait3A_126, %dma_wait3A_127] : memref<1000x51200xf32, #tpu.memory_space<hbm>> -> memref<1x12800xf32, #tpu.memory_space<hbm>>
    tpu.wait_dma2 semaphore(%arg22 : memref<!tpu.dma_semaphore, #tpu.memory_space<semaphore_mem>>) src(%dma_wait3A_128 : memref<1x12800xf32, #tpu.memory_space<hbm>>) dst(%arg9 : memref<1x12800xf32, #tpu.memory_space<vmem>>)
    %dma_wait3A_129 = arith.constant 0 : i32
    %dma_wait3A_130 = arith.constant 0 : i32
    %dma_wait3A_131 = tpu.memref_slice %arg6[%dma_wait3A_129, %dma_wait3A_130] : memref<1000x51200xf32, #tpu.memory_space<hbm>> -> memref<1x12800xf32, #tpu.memory_space<hbm>>
    %dma_wait3A_132 = arith.constant 0 : i32
    %dma_wait3A_133 = arith.constant 0 : i32
    %dma_wait3A_134 = tpu.memref_slice %arg6[%dma_wait3A_132, %dma_wait3A_133] : memref<1000x51200xf32, #tpu.memory_space<hbm>> -> memref<1x12800xf32, #tpu.memory_space<hbm>>
    tpu.wait_dma2 semaphore(%arg24 : memref<!tpu.dma_semaphore, #tpu.memory_space<semaphore_mem>>) src(%dma_wait3A_134 : memref<1x12800xf32, #tpu.memory_space<hbm>>) dst(%arg11 : memref<1x12800xf32, #tpu.memory_space<vmem>>)
    %parallel_loop3A_135 = arith.constant 0 : i32
    %parallel_loop3A_136 = arith.constant 12800 : i32
    %parallel_loop3A_137 = arith.constant 16 : i32
    scf.for %parallel_loop3A_236 = %parallel_loop3A_135 to %parallel_loop3A_136 step %parallel_loop3A_137  : i32 {
      %parallel_loop3A_237 = arith.constant 25600 : i32
      %parallel_loop3A_238 = arith.addi %parallel_loop3A_237, %parallel_loop3A_236 : i32
      %parallel_loop3A_239 = arith.index_cast %parallel_loop3A_238 : i32 to index
      %parallel_loop3A_240 = tpu.vector_load %arg8[%parallel_loop3A_239] {strides = array<i32>} : memref<51200xi32, #tpu.memory_space<vmem>>, vector<16xi32>,
      %parallel_loop3A_241 = tpu.vector_load_idx %arg13[%parallel_loop3A_240] : memref<1024xf32, #tpu.memory_space<vmem>>[vector<16xi32>], vector<16xf32>,
      %parallel_loop3A_242 = arith.constant 0 : i32
      %parallel_loop3A_243 = arith.index_cast %parallel_loop3A_242 : i32 to index
      %parallel_loop3A_244 = arith.index_cast %parallel_loop3A_236 : i32 to index
      %parallel_loop3A_245 = tpu.vector_load %arg9[%parallel_loop3A_243, %parallel_loop3A_244] {strides = array<i32>} : memref<1x12800xf32, #tpu.memory_space<vmem>>, vector<16xf32>,
      tpu.vector_store %arg9[%parallel_loop3A_243, %parallel_loop3A_244], %parallel_loop3A_241 {strides = array<i32>} : memref<1x12800xf32, #tpu.memory_space<vmem>>, vector<16xf32>,
      %parallel_loop3A_246 = tpu.vector_load_idx %arg14[%parallel_loop3A_240] : memref<1024xf32, #tpu.memory_space<vmem>>[vector<16xi32>], vector<16xf32>,
      %parallel_loop3A_247 = arith.constant 0 : i32
      %parallel_loop3A_248 = arith.index_cast %parallel_loop3A_247 : i32 to index
      %parallel_loop3A_249 = arith.index_cast %parallel_loop3A_236 : i32 to index
      %parallel_loop3A_250 = tpu.vector_load %arg11[%parallel_loop3A_248, %parallel_loop3A_249] {strides = array<i32>} : memref<1x12800xf32, #tpu.memory_space<vmem>>, vector<16xf32>,
      tpu.vector_store %arg11[%parallel_loop3A_248, %parallel_loop3A_249], %parallel_loop3A_246 {strides = array<i32>} : memref<1x12800xf32, #tpu.memory_space<vmem>>, vector<16xf32>,
    } {sc.loop_unroll_factor = 16 : i64, sc.parallel_access}
    %dma_start3A_138 = arith.constant 25600 : i32
    %dma_start3A_139 = tpu.memref_slice %arg6[%add3A, %dma_start3A_138] : memref<1000x51200xf32, #tpu.memory_space<hbm>> -> memref<1x12800xf32, #tpu.memory_space<hbm>>
    %dma_start3A_140 = arith.constant 25600 : i32
    %dma_start3A_141 = tpu.memref_slice %arg6[%add3A, %dma_start3A_140] : memref<1000x51200xf32, #tpu.memory_space<hbm>> -> memref<1x12800xf32, #tpu.memory_space<hbm>>
    tpu.enqueue_dma source(%arg9 : memref<1x12800xf32, #tpu.memory_space<vmem>>) target(%dma_start3A_141 : memref<1x12800xf32, #tpu.memory_space<hbm>>) target_semaphore(%arg22 : memref<!tpu.dma_semaphore, #tpu.memory_space<semaphore_mem>>)
    %dma_start3A_142 = arith.constant 25600 : i32
    %dma_start3A_143 = tpu.memref_slice %arg6[%add3A_93, %dma_start3A_142] : memref<1000x51200xf32, #tpu.memory_space<hbm>> -> memref<1x12800xf32, #tpu.memory_space<hbm>>
    %dma_start3A_144 = arith.constant 25600 : i32
    %dma_start3A_145 = tpu.memref_slice %arg6[%add3A_93, %dma_start3A_144] : memref<1000x51200xf32, #tpu.memory_space<hbm>> -> memref<1x12800xf32, #tpu.memory_space<hbm>>
    tpu.enqueue_dma source(%arg11 : memref<1x12800xf32, #tpu.memory_space<vmem>>) target(%dma_start3A_145 : memref<1x12800xf32, #tpu.memory_space<hbm>>) target_semaphore(%arg24 : memref<!tpu.dma_semaphore, #tpu.memory_space<semaphore_mem>>)
    %dma_wait3A_146 = arith.constant 0 : i32
    %dma_wait3A_147 = arith.constant 0 : i32
    %dma_wait3A_148 = tpu.memref_slice %arg6[%dma_wait3A_146, %dma_wait3A_147] : memref<1000x51200xf32, #tpu.memory_space<hbm>> -> memref<1x12800xf32, #tpu.memory_space<hbm>>
    %dma_wait3A_149 = arith.constant 0 : i32
    %dma_wait3A_150 = arith.constant 0 : i32
    %dma_wait3A_151 = tpu.memref_slice %arg6[%dma_wait3A_149, %dma_wait3A_150] : memref<1000x51200xf32, #tpu.memory_space<hbm>> -> memref<1x12800xf32, #tpu.memory_space<hbm>>
    tpu.wait_dma2 semaphore(%arg23 : memref<!tpu.dma_semaphore, #tpu.memory_space<semaphore_mem>>) src(%dma_wait3A_151 : memref<1x12800xf32, #tpu.memory_space<hbm>>) dst(%arg10 : memref<1x12800xf32, #tpu.memory_space<vmem>>)
    %dma_wait3A_152 = arith.constant 0 : i32
    %dma_wait3A_153 = arith.constant 0 : i32
    %dma_wait3A_154 = tpu.memref_slice %arg6[%dma_wait3A_152, %dma_wait3A_153] : memref<1000x51200xf32, #tpu.memory_space<hbm>> -> memref<1x12800xf32, #tpu.memory_space<hbm>>
    %dma_wait3A_155 = arith.constant 0 : i32
    %dma_wait3A_156 = arith.constant 0 : i32
    %dma_wait3A_157 = tpu.memref_slice %arg6[%dma_wait3A_155, %dma_wait3A_156] : memref<1000x51200xf32, #tpu.memory_space<hbm>> -> memref<1x12800xf32, #tpu.memory_space<hbm>>
    tpu.wait_dma2 semaphore(%arg25 : memref<!tpu.dma_semaphore, #tpu.memory_space<semaphore_mem>>) src(%dma_wait3A_157 : memref<1x12800xf32, #tpu.memory_space<hbm>>) dst(%arg12 : memref<1x12800xf32, #tpu.memory_space<vmem>>)
    %parallel_loop3A_158 = arith.constant 0 : i32
    %parallel_loop3A_159 = arith.constant 12800 : i32
    %parallel_loop3A_160 = arith.constant 16 : i32
    scf.for %parallel_loop3A_236 = %parallel_loop3A_158 to %parallel_loop3A_159 step %parallel_loop3A_160  : i32 {
      %parallel_loop3A_237 = arith.constant 38400 : i32
      %parallel_loop3A_238 = arith.addi %parallel_loop3A_237, %parallel_loop3A_236 : i32
      %parallel_loop3A_239 = arith.index_cast %parallel_loop3A_238 : i32 to index
      %parallel_loop3A_240 = tpu.vector_load %arg8[%parallel_loop3A_239] {strides = array<i32>} : memref<51200xi32, #tpu.memory_space<vmem>>, vector<16xi32>,
      %parallel_loop3A_241 = tpu.vector_load_idx %arg13[%parallel_loop3A_240] : memref<1024xf32, #tpu.memory_space<vmem>>[vector<16xi32>], vector<16xf32>,
      %parallel_loop3A_242 = arith.constant 0 : i32
      %parallel_loop3A_243 = arith.index_cast %parallel_loop3A_242 : i32 to index
      %parallel_loop3A_244 = arith.index_cast %parallel_loop3A_236 : i32 to index
      %parallel_loop3A_245 = tpu.vector_load %arg10[%parallel_loop3A_243, %parallel_loop3A_244] {strides = array<i32>} : memref<1x12800xf32, #tpu.memory_space<vmem>>, vector<16xf32>,
      tpu.vector_store %arg10[%parallel_loop3A_243, %parallel_loop3A_244], %parallel_loop3A_241 {strides = array<i32>} : memref<1x12800xf32, #tpu.memory_space<vmem>>, vector<16xf32>,
      %parallel_loop3A_246 = tpu.vector_load_idx %arg14[%parallel_loop3A_240] : memref<1024xf32, #tpu.memory_space<vmem>>[vector<16xi32>], vector<16xf32>,
      %parallel_loop3A_247 = arith.constant 0 : i32
      %parallel_loop3A_248 = arith.index_cast %parallel_loop3A_247 : i32 to index
      %parallel_loop3A_249 = arith.index_cast %parallel_loop3A_236 : i32 to index
      %parallel_loop3A_250 = tpu.vector_load %arg12[%parallel_loop3A_248, %parallel_loop3A_249] {strides = array<i32>} : memref<1x12800xf32, #tpu.memory_space<vmem>>, vector<16xf32>,
      tpu.vector_store %arg12[%parallel_loop3A_248, %parallel_loop3A_249], %parallel_loop3A_246 {strides = array<i32>} : memref<1x12800xf32, #tpu.memory_space<vmem>>, vector<16xf32>,
    } {sc.loop_unroll_factor = 16 : i64, sc.parallel_access}
    %dma_start3A_161 = arith.constant 38400 : i32
    %dma_start3A_162 = tpu.memref_slice %arg6[%add3A, %dma_start3A_161] : memref<1000x51200xf32, #tpu.memory_space<hbm>> -> memref<1x12800xf32, #tpu.memory_space<hbm>>
    %dma_start3A_163 = arith.constant 38400 : i32
    %dma_start3A_164 = tpu.memref_slice %arg6[%add3A, %dma_start3A_163] : memref<1000x51200xf32, #tpu.memory_space<hbm>> -> memref<1x12800xf32, #tpu.memory_space<hbm>>
    tpu.enqueue_dma source(%arg10 : memref<1x12800xf32, #tpu.memory_space<vmem>>) target(%dma_start3A_164 : memref<1x12800xf32, #tpu.memory_space<hbm>>) target_semaphore(%arg23 : memref<!tpu.dma_semaphore, #tpu.memory_space<semaphore_mem>>)
    %dma_start3A_165 = arith.constant 38400 : i32
    %dma_start3A_166 = tpu.memref_slice %arg6[%add3A_93, %dma_start3A_165] : memref<1000x51200xf32, #tpu.memory_space<hbm>> -> memref<1x12800xf32, #tpu.memory_space<hbm>>
    %dma_start3A_167 = arith.constant 38400 : i32
    %dma_start3A_168 = tpu.memref_slice %arg6[%add3A_93, %dma_start3A_167] : memref<1000x51200xf32, #tpu.memory_space<hbm>> -> memref<1x12800xf32, #tpu.memory_space<hbm>>
    tpu.enqueue_dma source(%arg12 : memref<1x12800xf32, #tpu.memory_space<vmem>>) target(%dma_start3A_168 : memref<1x12800xf32, #tpu.memory_space<hbm>>) target_semaphore(%arg25 : memref<!tpu.dma_semaphore, #tpu.memory_space<semaphore_mem>>)
    %add3A_169 = arith.constant 64 : i32
    %add3A_170 = arith.addi %add3A, %add3A_169 : i32
    %min3A = arith.constant 999 : i32
    %min3A_171 = arith.minsi %add3A_170, %min3A : i32
    %add3A_172 = arith.constant 64 : i32
    %add3A_173 = arith.addi %add3A, %add3A_172 : i32
    %add3A_174 = arith.constant 32 : i32
    %add3A_175 = arith.addi %add3A_173, %add3A_174 : i32
    %min3A_176 = arith.constant 999 : i32
    %min3A_177 = arith.minsi %add3A_175, %min3A_176 : i32
    %mul3A_178 = arith.constant 1024 : i32
    %mul3A_179 = arith.muli %min3A_171, %mul3A_178 : i32
    %dma_start3A_180 = tpu.memref_slice %arg4[%mul3A_179] : memref<1024000xf32, #tpu.memory_space<hbm>> -> memref<1024xf32, #tpu.memory_space<hbm>>
    %dma_start3A_181 = tpu.memref_slice %arg4[%mul3A_179] : memref<1024000xf32, #tpu.memory_space<hbm>> -> memref<1024xf32, #tpu.memory_space<hbm>>
    tpu.enqueue_dma source(%dma_start3A_181 : memref<1024xf32, #tpu.memory_space<hbm>>) target(%arg13 : memref<1024xf32, #tpu.memory_space<vmem>>) target_semaphore(%arg20 : memref<!tpu.dma_semaphore, #tpu.memory_space<semaphore_mem>>)
    %mul3A_182 = arith.constant 1024 : i32
    %mul3A_183 = arith.muli %min3A_177, %mul3A_182 : i32
    %dma_start3A_184 = tpu.memref_slice %arg4[%mul3A_183] : memref<1024000xf32, #tpu.memory_space<hbm>> -> memref<1024xf32, #tpu.memory_space<hbm>>
    %dma_start3A_185 = tpu.memref_slice %arg4[%mul3A_183] : memref<1024000xf32, #tpu.memory_space<hbm>> -> memref<1024xf32, #tpu.memory_space<hbm>>
    tpu.enqueue_dma source(%dma_start3A_185 : memref<1024xf32, #tpu.memory_space<hbm>>) target(%arg14 : memref<1024xf32, #tpu.memory_space<vmem>>) target_semaphore(%arg21 : memref<!tpu.dma_semaphore, #tpu.memory_space<semaphore_mem>>)
    %scan3A = arith.constant 0 : i32
    %scan3A_186 = arith.constant 1 : i32
    %scan3A_187 = arith.constant 14 : i32
    %scan3A_188 = arith.addi %scan3A_186, %scan3A_187 : i32
    %scan3A_189 = arith.constant 1 : i32
    %scan3A_190 = scf.for %scan3A_236 = %scan3A_186 to %scan3A_188 step %scan3A_189 iter_args(%scan3A_237 = %scan3A) -> (i32)  : i32 {
      %mul3A_238 = arith.constant 64 : i32
      %mul3A_239 = arith.muli %mul3A_238, %scan3A_236 : i32
      %add3A_240 = arith.addi %add3A, %mul3A_239 : i32
      %add3A_241 = arith.constant 32 : i32
      %add3A_242 = arith.addi %add3A_240, %add3A_241 : i32
      %dma_wait3A_243 = arith.constant 0 : i32
      %dma_wait3A_244 = tpu.memref_slice %arg4[%dma_wait3A_243] : memref<1024000xf32, #tpu.memory_space<hbm>> -> memref<1024xf32, #tpu.memory_space<hbm>>
      %dma_wait3A_245 = arith.constant 0 : i32
      %dma_wait3A_246 = tpu.memref_slice %arg4[%dma_wait3A_245] : memref<1024000xf32, #tpu.memory_space<hbm>> -> memref<1024xf32, #tpu.memory_space<hbm>>
      tpu.wait_dma2 semaphore(%arg20 : memref<!tpu.dma_semaphore, #tpu.memory_space<semaphore_mem>>) src(%dma_wait3A_246 : memref<1024xf32, #tpu.memory_space<hbm>>) dst(%arg13 : memref<1024xf32, #tpu.memory_space<vmem>>)
      %dma_wait3A_247 = arith.constant 0 : i32
      %dma_wait3A_248 = tpu.memref_slice %arg4[%dma_wait3A_247] : memref<1024000xf32, #tpu.memory_space<hbm>> -> memref<1024xf32, #tpu.memory_space<hbm>>
      %dma_wait3A_249 = arith.constant 0 : i32
      %dma_wait3A_250 = tpu.memref_slice %arg4[%dma_wait3A_249] : memref<1024000xf32, #tpu.memory_space<hbm>> -> memref<1024xf32, #tpu.memory_space<hbm>>
      tpu.wait_dma2 semaphore(%arg21 : memref<!tpu.dma_semaphore, #tpu.memory_space<semaphore_mem>>) src(%dma_wait3A_250 : memref<1024xf32, #tpu.memory_space<hbm>>) dst(%arg14 : memref<1024xf32, #tpu.memory_space<vmem>>)
      %dma_wait3A_251 = arith.constant 0 : i32
      %dma_wait3A_252 = arith.constant 0 : i32
      %dma_wait3A_253 = tpu.memref_slice %arg6[%dma_wait3A_251, %dma_wait3A_252] : memref<1000x51200xf32, #tpu.memory_space<hbm>> -> memref<1x12800xf32, #tpu.memory_space<hbm>>
      %dma_wait3A_254 = arith.constant 0 : i32
      %dma_wait3A_255 = arith.constant 0 : i32
      %dma_wait3A_256 = tpu.memref_slice %arg6[%dma_wait3A_254, %dma_wait3A_255] : memref<1000x51200xf32, #tpu.memory_space<hbm>> -> memref<1x12800xf32, #tpu.memory_space<hbm>>
      tpu.wait_dma2 semaphore(%arg22 : memref<!tpu.dma_semaphore, #tpu.memory_space<semaphore_mem>>) src(%dma_wait3A_256 : memref<1x12800xf32, #tpu.memory_space<hbm>>) dst(%arg9 : memref<1x12800xf32, #tpu.memory_space<vmem>>)
      %dma_wait3A_257 = arith.constant 0 : i32
      %dma_wait3A_258 = arith.constant 0 : i32
      %dma_wait3A_259 = tpu.memref_slice %arg6[%dma_wait3A_257, %dma_wait3A_258] : memref<1000x51200xf32, #tpu.memory_space<hbm>> -> memref<1x12800xf32, #tpu.memory_space<hbm>>
      %dma_wait3A_260 = arith.constant 0 : i32
      %dma_wait3A_261 = arith.constant 0 : i32
      %dma_wait3A_262 = tpu.memref_slice %arg6[%dma_wait3A_260, %dma_wait3A_261] : memref<1000x51200xf32, #tpu.memory_space<hbm>> -> memref<1x12800xf32, #tpu.memory_space<hbm>>
      tpu.wait_dma2 semaphore(%arg24 : memref<!tpu.dma_semaphore, #tpu.memory_space<semaphore_mem>>) src(%dma_wait3A_262 : memref<1x12800xf32, #tpu.memory_space<hbm>>) dst(%arg11 : memref<1x12800xf32, #tpu.memory_space<vmem>>)
      %parallel_loop3A_263 = arith.constant 0 : i32
      %parallel_loop3A_264 = arith.constant 12800 : i32
      %parallel_loop3A_265 = arith.constant 16 : i32
      scf.for %parallel_loop3A_366 = %parallel_loop3A_263 to %parallel_loop3A_264 step %parallel_loop3A_265  : i32 {
        %parallel_loop3A_367 = arith.constant 0 : i32
        %parallel_loop3A_368 = arith.addi %parallel_loop3A_367, %parallel_loop3A_366 : i32
        %parallel_loop3A_369 = arith.index_cast %parallel_loop3A_368 : i32 to index
        %parallel_loop3A_370 = tpu.vector_load %arg8[%parallel_loop3A_369] {strides = array<i32>} : memref<51200xi32, #tpu.memory_space<vmem>>, vector<16xi32>,
        %parallel_loop3A_371 = tpu.vector_load_idx %arg13[%parallel_loop3A_370] : memref<1024xf32, #tpu.memory_space<vmem>>[vector<16xi32>], vector<16xf32>,
        %parallel_loop3A_372 = arith.constant 0 : i32
        %parallel_loop3A_373 = arith.index_cast %parallel_loop3A_372 : i32 to index
        %parallel_loop3A_374 = arith.index_cast %parallel_loop3A_366 : i32 to index
        %parallel_loop3A_375 = tpu.vector_load %arg9[%parallel_loop3A_373, %parallel_loop3A_374] {strides = array<i32>} : memref<1x12800xf32, #tpu.memory_space<vmem>>, vector<16xf32>,
        tpu.vector_store %arg9[%parallel_loop3A_373, %parallel_loop3A_374], %parallel_loop3A_371 {strides = array<i32>} : memref<1x12800xf32, #tpu.memory_space<vmem>>, vector<16xf32>,
        %parallel_loop3A_376 = tpu.vector_load_idx %arg14[%parallel_loop3A_370] : memref<1024xf32, #tpu.memory_space<vmem>>[vector<16xi32>], vector<16xf32>,
        %parallel_loop3A_377 = arith.constant 0 : i32
        %parallel_loop3A_378 = arith.index_cast %parallel_loop3A_377 : i32 to index
        %parallel_loop3A_379 = arith.index_cast %parallel_loop3A_366 : i32 to index
        %parallel_loop3A_380 = tpu.vector_load %arg11[%parallel_loop3A_378, %parallel_loop3A_379] {strides = array<i32>} : memref<1x12800xf32, #tpu.memory_space<vmem>>, vector<16xf32>,
        tpu.vector_store %arg11[%parallel_loop3A_378, %parallel_loop3A_379], %parallel_loop3A_376 {strides = array<i32>} : memref<1x12800xf32, #tpu.memory_space<vmem>>, vector<16xf32>,
      } {sc.loop_unroll_factor = 16 : i64, sc.parallel_access}
      %dma_start3A_266 = arith.constant 0 : i32
      %dma_start3A_267 = tpu.memref_slice %arg6[%add3A_240, %dma_start3A_266] : memref<1000x51200xf32, #tpu.memory_space<hbm>> -> memref<1x12800xf32, #tpu.memory_space<hbm>>
      %dma_start3A_268 = arith.constant 0 : i32
      %dma_start3A_269 = tpu.memref_slice %arg6[%add3A_240, %dma_start3A_268] : memref<1000x51200xf32, #tpu.memory_space<hbm>> -> memref<1x12800xf32, #tpu.memory_space<hbm>>
      tpu.enqueue_dma source(%arg9 : memref<1x12800xf32, #tpu.memory_space<vmem>>) target(%dma_start3A_269 : memref<1x12800xf32, #tpu.memory_space<hbm>>) target_semaphore(%arg22 : memref<!tpu.dma_semaphore, #tpu.memory_space<semaphore_mem>>)
      %dma_start3A_270 = arith.constant 0 : i32
      %dma_start3A_271 = tpu.memref_slice %arg6[%add3A_242, %dma_start3A_270] : memref<1000x51200xf32, #tpu.memory_space<hbm>> -> memref<1x12800xf32, #tpu.memory_space<hbm>>
      %dma_start3A_272 = arith.constant 0 : i32
      %dma_start3A_273 = tpu.memref_slice %arg6[%add3A_242, %dma_start3A_272] : memref<1000x51200xf32, #tpu.memory_space<hbm>> -> memref<1x12800xf32, #tpu.memory_space<hbm>>
      tpu.enqueue_dma source(%arg11 : memref<1x12800xf32, #tpu.memory_space<vmem>>) target(%dma_start3A_273 : memref<1x12800xf32, #tpu.memory_space<hbm>>) target_semaphore(%arg24 : memref<!tpu.dma_semaphore, #tpu.memory_space<semaphore_mem>>)
      %dma_wait3A_274 = arith.constant 0 : i32
      %dma_wait3A_275 = arith.constant 0 : i32
      %dma_wait3A_276 = tpu.memref_slice %arg6[%dma_wait3A_274, %dma_wait3A_275] : memref<1000x51200xf32, #tpu.memory_space<hbm>> -> memref<1x12800xf32, #tpu.memory_space<hbm>>
      %dma_wait3A_277 = arith.constant 0 : i32
      %dma_wait3A_278 = arith.constant 0 : i32
      %dma_wait3A_279 = tpu.memref_slice %arg6[%dma_wait3A_277, %dma_wait3A_278] : memref<1000x51200xf32, #tpu.memory_space<hbm>> -> memref<1x12800xf32, #tpu.memory_space<hbm>>
      tpu.wait_dma2 semaphore(%arg23 : memref<!tpu.dma_semaphore, #tpu.memory_space<semaphore_mem>>) src(%dma_wait3A_279 : memref<1x12800xf32, #tpu.memory_space<hbm>>) dst(%arg10 : memref<1x12800xf32, #tpu.memory_space<vmem>>)
      %dma_wait3A_280 = arith.constant 0 : i32
      %dma_wait3A_281 = arith.constant 0 : i32
      %dma_wait3A_282 = tpu.memref_slice %arg6[%dma_wait3A_280, %dma_wait3A_281] : memref<1000x51200xf32, #tpu.memory_space<hbm>> -> memref<1x12800xf32, #tpu.memory_space<hbm>>
      %dma_wait3A_283 = arith.constant 0 : i32
      %dma_wait3A_284 = arith.constant 0 : i32
      %dma_wait3A_285 = tpu.memref_slice %arg6[%dma_wait3A_283, %dma_wait3A_284] : memref<1000x51200xf32, #tpu.memory_space<hbm>> -> memref<1x12800xf32, #tpu.memory_space<hbm>>
      tpu.wait_dma2 semaphore(%arg25 : memref<!tpu.dma_semaphore, #tpu.memory_space<semaphore_mem>>) src(%dma_wait3A_285 : memref<1x12800xf32, #tpu.memory_space<hbm>>) dst(%arg12 : memref<1x12800xf32, #tpu.memory_space<vmem>>)
      %parallel_loop3A_286 = arith.constant 0 : i32
      %parallel_loop3A_287 = arith.constant 12800 : i32
      %parallel_loop3A_288 = arith.constant 16 : i32
      scf.for %parallel_loop3A_366 = %parallel_loop3A_286 to %parallel_loop3A_287 step %parallel_loop3A_288  : i32 {
        %parallel_loop3A_367 = arith.constant 12800 : i32
        %parallel_loop3A_368 = arith.addi %parallel_loop3A_367, %parallel_loop3A_366 : i32
        %parallel_loop3A_369 = arith.index_cast %parallel_loop3A_368 : i32 to index
        %parallel_loop3A_370 = tpu.vector_load %arg8[%parallel_loop3A_369] {strides = array<i32>} : memref<51200xi32, #tpu.memory_space<vmem>>, vector<16xi32>,
        %parallel_loop3A_371 = tpu.vector_load_idx %arg13[%parallel_loop3A_370] : memref<1024xf32, #tpu.memory_space<vmem>>[vector<16xi32>], vector<16xf32>,
        %parallel_loop3A_372 = arith.constant 0 : i32
        %parallel_loop3A_373 = arith.index_cast %parallel_loop3A_372 : i32 to index
        %parallel_loop3A_374 = arith.index_cast %parallel_loop3A_366 : i32 to index
        %parallel_loop3A_375 = tpu.vector_load %arg10[%parallel_loop3A_373, %parallel_loop3A_374] {strides = array<i32>} : memref<1x12800xf32, #tpu.memory_space<vmem>>, vector<16xf32>,
        tpu.vector_store %arg10[%parallel_loop3A_373, %parallel_loop3A_374], %parallel_loop3A_371 {strides = array<i32>} : memref<1x12800xf32, #tpu.memory_space<vmem>>, vector<16xf32>,
        %parallel_loop3A_376 = tpu.vector_load_idx %arg14[%parallel_loop3A_370] : memref<1024xf32, #tpu.memory_space<vmem>>[vector<16xi32>], vector<16xf32>,
        %parallel_loop3A_377 = arith.constant 0 : i32
        %parallel_loop3A_378 = arith.index_cast %parallel_loop3A_377 : i32 to index
        %parallel_loop3A_379 = arith.index_cast %parallel_loop3A_366 : i32 to index
        %parallel_loop3A_380 = tpu.vector_load %arg12[%parallel_loop3A_378, %parallel_loop3A_379] {strides = array<i32>} : memref<1x12800xf32, #tpu.memory_space<vmem>>, vector<16xf32>,
        tpu.vector_store %arg12[%parallel_loop3A_378, %parallel_loop3A_379], %parallel_loop3A_376 {strides = array<i32>} : memref<1x12800xf32, #tpu.memory_space<vmem>>, vector<16xf32>,
      } {sc.loop_unroll_factor = 16 : i64, sc.parallel_access}
      %dma_start3A_289 = arith.constant 12800 : i32
      %dma_start3A_290 = tpu.memref_slice %arg6[%add3A_240, %dma_start3A_289] : memref<1000x51200xf32, #tpu.memory_space<hbm>> -> memref<1x12800xf32, #tpu.memory_space<hbm>>
      %dma_start3A_291 = arith.constant 12800 : i32
      %dma_start3A_292 = tpu.memref_slice %arg6[%add3A_240, %dma_start3A_291] : memref<1000x51200xf32, #tpu.memory_space<hbm>> -> memref<1x12800xf32, #tpu.memory_space<hbm>>
      tpu.enqueue_dma source(%arg10 : memref<1x12800xf32, #tpu.memory_space<vmem>>) target(%dma_start3A_292 : memref<1x12800xf32, #tpu.memory_space<hbm>>) target_semaphore(%arg23 : memref<!tpu.dma_semaphore, #tpu.memory_space<semaphore_mem>>)
      %dma_start3A_293 = arith.constant 12800 : i32
      %dma_start3A_294 = tpu.memref_slice %arg6[%add3A_242, %dma_start3A_293] : memref<1000x51200xf32, #tpu.memory_space<hbm>> -> memref<1x12800xf32, #tpu.memory_space<hbm>>
      %dma_start3A_295 = arith.constant 12800 : i32
      %dma_start3A_296 = tpu.memref_slice %arg6[%add3A_242, %dma_start3A_295] : memref<1000x51200xf32, #tpu.memory_space<hbm>> -> memref<1x12800xf32, #tpu.memory_space<hbm>>
      tpu.enqueue_dma source(%arg12 : memref<1x12800xf32, #tpu.memory_space<vmem>>) target(%dma_start3A_296 : memref<1x12800xf32, #tpu.memory_space<hbm>>) target_semaphore(%arg25 : memref<!tpu.dma_semaphore, #tpu.memory_space<semaphore_mem>>)
      %dma_wait3A_297 = arith.constant 0 : i32
      %dma_wait3A_298 = arith.constant 0 : i32
      %dma_wait3A_299 = tpu.memref_slice %arg6[%dma_wait3A_297, %dma_wait3A_298] : memref<1000x51200xf32, #tpu.memory_space<hbm>> -> memref<1x12800xf32, #tpu.memory_space<hbm>>
      %dma_wait3A_300 = arith.constant 0 : i32
      %dma_wait3A_301 = arith.constant 0 : i32
      %dma_wait3A_302 = tpu.memref_slice %arg6[%dma_wait3A_300, %dma_wait3A_301] : memref<1000x51200xf32, #tpu.memory_space<hbm>> -> memref<1x12800xf32, #tpu.memory_space<hbm>>
      tpu.wait_dma2 semaphore(%arg22 : memref<!tpu.dma_semaphore, #tpu.memory_space<semaphore_mem>>) src(%dma_wait3A_302 : memref<1x12800xf32, #tpu.memory_space<hbm>>) dst(%arg9 : memref<1x12800xf32, #tpu.memory_space<vmem>>)
      %dma_wait3A_303 = arith.constant 0 : i32
      %dma_wait3A_304 = arith.constant 0 : i32
      %dma_wait3A_305 = tpu.memref_slice %arg6[%dma_wait3A_303, %dma_wait3A_304] : memref<1000x51200xf32, #tpu.memory_space<hbm>> -> memref<1x12800xf32, #tpu.memory_space<hbm>>
      %dma_wait3A_306 = arith.constant 0 : i32
      %dma_wait3A_307 = arith.constant 0 : i32
      %dma_wait3A_308 = tpu.memref_slice %arg6[%dma_wait3A_306, %dma_wait3A_307] : memref<1000x51200xf32, #tpu.memory_space<hbm>> -> memref<1x12800xf32, #tpu.memory_space<hbm>>
      tpu.wait_dma2 semaphore(%arg24 : memref<!tpu.dma_semaphore, #tpu.memory_space<semaphore_mem>>) src(%dma_wait3A_308 : memref<1x12800xf32, #tpu.memory_space<hbm>>) dst(%arg11 : memref<1x12800xf32, #tpu.memory_space<vmem>>)
      %parallel_loop3A_309 = arith.constant 0 : i32
      %parallel_loop3A_310 = arith.constant 12800 : i32
      %parallel_loop3A_311 = arith.constant 16 : i32
      scf.for %parallel_loop3A_366 = %parallel_loop3A_309 to %parallel_loop3A_310 step %parallel_loop3A_311  : i32 {
        %parallel_loop3A_367 = arith.constant 25600 : i32
        %parallel_loop3A_368 = arith.addi %parallel_loop3A_367, %parallel_loop3A_366 : i32
        %parallel_loop3A_369 = arith.index_cast %parallel_loop3A_368 : i32 to index
        %parallel_loop3A_370 = tpu.vector_load %arg8[%parallel_loop3A_369] {strides = array<i32>} : memref<51200xi32, #tpu.memory_space<vmem>>, vector<16xi32>,
        %parallel_loop3A_371 = tpu.vector_load_idx %arg13[%parallel_loop3A_370] : memref<1024xf32, #tpu.memory_space<vmem>>[vector<16xi32>], vector<16xf32>,
        %parallel_loop3A_372 = arith.constant 0 : i32
        %parallel_loop3A_373 = arith.index_cast %parallel_loop3A_372 : i32 to index
        %parallel_loop3A_374 = arith.index_cast %parallel_loop3A_366 : i32 to index
        %parallel_loop3A_375 = tpu.vector_load %arg9[%parallel_loop3A_373, %parallel_loop3A_374] {strides = array<i32>} : memref<1x12800xf32, #tpu.memory_space<vmem>>, vector<16xf32>,
        tpu.vector_store %arg9[%parallel_loop3A_373, %parallel_loop3A_374], %parallel_loop3A_371 {strides = array<i32>} : memref<1x12800xf32, #tpu.memory_space<vmem>>, vector<16xf32>,
        %parallel_loop3A_376 = tpu.vector_load_idx %arg14[%parallel_loop3A_370] : memref<1024xf32, #tpu.memory_space<vmem>>[vector<16xi32>], vector<16xf32>,
        %parallel_loop3A_377 = arith.constant 0 : i32
        %parallel_loop3A_378 = arith.index_cast %parallel_loop3A_377 : i32 to index
        %parallel_loop3A_379 = arith.index_cast %parallel_loop3A_366 : i32 to index
        %parallel_loop3A_380 = tpu.vector_load %arg11[%parallel_loop3A_378, %parallel_loop3A_379] {strides = array<i32>} : memref<1x12800xf32, #tpu.memory_space<vmem>>, vector<16xf32>,
        tpu.vector_store %arg11[%parallel_loop3A_378, %parallel_loop3A_379], %parallel_loop3A_376 {strides = array<i32>} : memref<1x12800xf32, #tpu.memory_space<vmem>>, vector<16xf32>,
      } {sc.loop_unroll_factor = 16 : i64, sc.parallel_access}
      %dma_start3A_312 = arith.constant 25600 : i32
      %dma_start3A_313 = tpu.memref_slice %arg6[%add3A_240, %dma_start3A_312] : memref<1000x51200xf32, #tpu.memory_space<hbm>> -> memref<1x12800xf32, #tpu.memory_space<hbm>>
      %dma_start3A_314 = arith.constant 25600 : i32
      %dma_start3A_315 = tpu.memref_slice %arg6[%add3A_240, %dma_start3A_314] : memref<1000x51200xf32, #tpu.memory_space<hbm>> -> memref<1x12800xf32, #tpu.memory_space<hbm>>
      tpu.enqueue_dma source(%arg9 : memref<1x12800xf32, #tpu.memory_space<vmem>>) target(%dma_start3A_315 : memref<1x12800xf32, #tpu.memory_space<hbm>>) target_semaphore(%arg22 : memref<!tpu.dma_semaphore, #tpu.memory_space<semaphore_mem>>)
      %dma_start3A_316 = arith.constant 25600 : i32
      %dma_start3A_317 = tpu.memref_slice %arg6[%add3A_242, %dma_start3A_316] : memref<1000x51200xf32, #tpu.memory_space<hbm>> -> memref<1x12800xf32, #tpu.memory_space<hbm>>
      %dma_start3A_318 = arith.constant 25600 : i32
      %dma_start3A_319 = tpu.memref_slice %arg6[%add3A_242, %dma_start3A_318] : memref<1000x51200xf32, #tpu.memory_space<hbm>> -> memref<1x12800xf32, #tpu.memory_space<hbm>>
      tpu.enqueue_dma source(%arg11 : memref<1x12800xf32, #tpu.memory_space<vmem>>) target(%dma_start3A_319 : memref<1x12800xf32, #tpu.memory_space<hbm>>) target_semaphore(%arg24 : memref<!tpu.dma_semaphore, #tpu.memory_space<semaphore_mem>>)
      %dma_wait3A_320 = arith.constant 0 : i32
      %dma_wait3A_321 = arith.constant 0 : i32
      %dma_wait3A_322 = tpu.memref_slice %arg6[%dma_wait3A_320, %dma_wait3A_321] : memref<1000x51200xf32, #tpu.memory_space<hbm>> -> memref<1x12800xf32, #tpu.memory_space<hbm>>
      %dma_wait3A_323 = arith.constant 0 : i32
      %dma_wait3A_324 = arith.constant 0 : i32
      %dma_wait3A_325 = tpu.memref_slice %arg6[%dma_wait3A_323, %dma_wait3A_324] : memref<1000x51200xf32, #tpu.memory_space<hbm>> -> memref<1x12800xf32, #tpu.memory_space<hbm>>
      tpu.wait_dma2 semaphore(%arg23 : memref<!tpu.dma_semaphore, #tpu.memory_space<semaphore_mem>>) src(%dma_wait3A_325 : memref<1x12800xf32, #tpu.memory_space<hbm>>) dst(%arg10 : memref<1x12800xf32, #tpu.memory_space<vmem>>)
      %dma_wait3A_326 = arith.constant 0 : i32
      %dma_wait3A_327 = arith.constant 0 : i32
      %dma_wait3A_328 = tpu.memref_slice %arg6[%dma_wait3A_326, %dma_wait3A_327] : memref<1000x51200xf32, #tpu.memory_space<hbm>> -> memref<1x12800xf32, #tpu.memory_space<hbm>>
      %dma_wait3A_329 = arith.constant 0 : i32
      %dma_wait3A_330 = arith.constant 0 : i32
      %dma_wait3A_331 = tpu.memref_slice %arg6[%dma_wait3A_329, %dma_wait3A_330] : memref<1000x51200xf32, #tpu.memory_space<hbm>> -> memref<1x12800xf32, #tpu.memory_space<hbm>>
      tpu.wait_dma2 semaphore(%arg25 : memref<!tpu.dma_semaphore, #tpu.memory_space<semaphore_mem>>) src(%dma_wait3A_331 : memref<1x12800xf32, #tpu.memory_space<hbm>>) dst(%arg12 : memref<1x12800xf32, #tpu.memory_space<vmem>>)
      %parallel_loop3A_332 = arith.constant 0 : i32
      %parallel_loop3A_333 = arith.constant 12800 : i32
      %parallel_loop3A_334 = arith.constant 16 : i32
      scf.for %parallel_loop3A_366 = %parallel_loop3A_332 to %parallel_loop3A_333 step %parallel_loop3A_334  : i32 {
        %parallel_loop3A_367 = arith.constant 38400 : i32
        %parallel_loop3A_368 = arith.addi %parallel_loop3A_367, %parallel_loop3A_366 : i32
        %parallel_loop3A_369 = arith.index_cast %parallel_loop3A_368 : i32 to index
        %parallel_loop3A_370 = tpu.vector_load %arg8[%parallel_loop3A_369] {strides = array<i32>} : memref<51200xi32, #tpu.memory_space<vmem>>, vector<16xi32>,
        %parallel_loop3A_371 = tpu.vector_load_idx %arg13[%parallel_loop3A_370] : memref<1024xf32, #tpu.memory_space<vmem>>[vector<16xi32>], vector<16xf32>,
        %parallel_loop3A_372 = arith.constant 0 : i32
        %parallel_loop3A_373 = arith.index_cast %parallel_loop3A_372 : i32 to index
        %parallel_loop3A_374 = arith.index_cast %parallel_loop3A_366 : i32 to index
        %parallel_loop3A_375 = tpu.vector_load %arg10[%parallel_loop3A_373, %parallel_loop3A_374] {strides = array<i32>} : memref<1x12800xf32, #tpu.memory_space<vmem>>, vector<16xf32>,
        tpu.vector_store %arg10[%parallel_loop3A_373, %parallel_loop3A_374], %parallel_loop3A_371 {strides = array<i32>} : memref<1x12800xf32, #tpu.memory_space<vmem>>, vector<16xf32>,
        %parallel_loop3A_376 = tpu.vector_load_idx %arg14[%parallel_loop3A_370] : memref<1024xf32, #tpu.memory_space<vmem>>[vector<16xi32>], vector<16xf32>,
        %parallel_loop3A_377 = arith.constant 0 : i32
        %parallel_loop3A_378 = arith.index_cast %parallel_loop3A_377 : i32 to index
        %parallel_loop3A_379 = arith.index_cast %parallel_loop3A_366 : i32 to index
        %parallel_loop3A_380 = tpu.vector_load %arg12[%parallel_loop3A_378, %parallel_loop3A_379] {strides = array<i32>} : memref<1x12800xf32, #tpu.memory_space<vmem>>, vector<16xf32>,
        tpu.vector_store %arg12[%parallel_loop3A_378, %parallel_loop3A_379], %parallel_loop3A_376 {strides = array<i32>} : memref<1x12800xf32, #tpu.memory_space<vmem>>, vector<16xf32>,
      } {sc.loop_unroll_factor = 16 : i64, sc.parallel_access}
      %dma_start3A_335 = arith.constant 38400 : i32
      %dma_start3A_336 = tpu.memref_slice %arg6[%add3A_240, %dma_start3A_335] : memref<1000x51200xf32, #tpu.memory_space<hbm>> -> memref<1x12800xf32, #tpu.memory_space<hbm>>
      %dma_start3A_337 = arith.constant 38400 : i32
      %dma_start3A_338 = tpu.memref_slice %arg6[%add3A_240, %dma_start3A_337] : memref<1000x51200xf32, #tpu.memory_space<hbm>> -> memref<1x12800xf32, #tpu.memory_space<hbm>>
      tpu.enqueue_dma source(%arg10 : memref<1x12800xf32, #tpu.memory_space<vmem>>) target(%dma_start3A_338 : memref<1x12800xf32, #tpu.memory_space<hbm>>) target_semaphore(%arg23 : memref<!tpu.dma_semaphore, #tpu.memory_space<semaphore_mem>>)
      %dma_start3A_339 = arith.constant 38400 : i32
      %dma_start3A_340 = tpu.memref_slice %arg6[%add3A_242, %dma_start3A_339] : memref<1000x51200xf32, #tpu.memory_space<hbm>> -> memref<1x12800xf32, #tpu.memory_space<hbm>>
      %dma_start3A_341 = arith.constant 38400 : i32
      %dma_start3A_342 = tpu.memref_slice %arg6[%add3A_242, %dma_start3A_341] : memref<1000x51200xf32, #tpu.memory_space<hbm>> -> memref<1x12800xf32, #tpu.memory_space<hbm>>
      tpu.enqueue_dma source(%arg12 : memref<1x12800xf32, #tpu.memory_space<vmem>>) target(%dma_start3A_342 : memref<1x12800xf32, #tpu.memory_space<hbm>>) target_semaphore(%arg25 : memref<!tpu.dma_semaphore, #tpu.memory_space<semaphore_mem>>)
      %add3A_343 = arith.constant 1 : i32
      %add3A_344 = arith.addi %scan3A_236, %add3A_343 : i32
      %mul3A_345 = arith.constant 64 : i32
      %mul3A_346 = arith.muli %mul3A_345, %add3A_344 : i32
      %add3A_347 = arith.addi %add3A, %mul3A_346 : i32
      %min3A_348 = arith.constant 999 : i32
      %min3A_349 = arith.minsi %add3A_347, %min3A_348 : i32
      %mul3A_350 = arith.constant 64 : i32
      %mul3A_351 = arith.muli %mul3A_350, %add3A_344 : i32
      %add3A_352 = arith.addi %add3A, %mul3A_351 : i32
      %add3A_353 = arith.constant 32 : i32
      %add3A_354 = arith.addi %add3A_352, %add3A_353 : i32
      %min3A_355 = arith.constant 999 : i32
      %min3A_356 = arith.minsi %add3A_354, %min3A_355 : i32
      %mul3A_357 = arith.constant 1024 : i32
      %mul3A_358 = arith.muli %min3A_349, %mul3A_357 : i32
      %dma_start3A_359 = tpu.memref_slice %arg4[%mul3A_358] : memref<1024000xf32, #tpu.memory_space<hbm>> -> memref<1024xf32, #tpu.memory_space<hbm>>
      %dma_start3A_360 = tpu.memref_slice %arg4[%mul3A_358] : memref<1024000xf32, #tpu.memory_space<hbm>> -> memref<1024xf32, #tpu.memory_space<hbm>>
      tpu.enqueue_dma source(%dma_start3A_360 : memref<1024xf32, #tpu.memory_space<hbm>>) target(%arg13 : memref<1024xf32, #tpu.memory_space<vmem>>) target_semaphore(%arg20 : memref<!tpu.dma_semaphore, #tpu.memory_space<semaphore_mem>>)
      %mul3A_361 = arith.constant 1024 : i32
      %mul3A_362 = arith.muli %min3A_356, %mul3A_361 : i32
      %dma_start3A_363 = tpu.memref_slice %arg4[%mul3A_362] : memref<1024000xf32, #tpu.memory_space<hbm>> -> memref<1024xf32, #tpu.memory_space<hbm>>
      %dma_start3A_364 = tpu.memref_slice %arg4[%mul3A_362] : memref<1024000xf32, #tpu.memory_space<hbm>> -> memref<1024xf32, #tpu.memory_space<hbm>>
      tpu.enqueue_dma source(%dma_start3A_364 : memref<1024xf32, #tpu.memory_space<hbm>>) target(%arg14 : memref<1024xf32, #tpu.memory_space<vmem>>) target_semaphore(%arg21 : memref<!tpu.dma_semaphore, #tpu.memory_space<semaphore_mem>>)
      %scan3A_365 = arith.constant 0 : i32
      scf.yield %scan3A_365 : i32
    }
    %scan3A_191 = arith.constant 14 : i32
    %add3A_192 = arith.constant 960 : i32
    %add3A_193 = arith.addi %add3A, %add3A_192 : i32
    %add3A_194 = arith.constant 32 : i32
    %add3A_195 = arith.addi %add3A_193, %add3A_194 : i32
    %lt3A = arith.constant 1000 : i32
    %lt3A_196 = arith.cmpi slt, %add3A_195, %lt3A : i32
    %convert_element_type3A = arith.extui %lt3A_196 : i1 to i32
    %cond3A = arith.constant 0 : i32
    %cond3A_197 = arith.cmpi ne, %convert_element_type3A, %cond3A : i32
    scf.if %cond3A_197 {
      %add3A_236 = arith.constant 32 : i32
      %add3A_237 = arith.addi %add3A_193, %add3A_236 : i32
      %dma_wait3A_238 = arith.constant 0 : i32
      %dma_wait3A_239 = tpu.memref_slice %arg4[%dma_wait3A_238] : memref<1024000xf32, #tpu.memory_space<hbm>> -> memref<1024xf32, #tpu.memory_space<hbm>>
      %dma_wait3A_240 = arith.constant 0 : i32
      %dma_wait3A_241 = tpu.memref_slice %arg4[%dma_wait3A_240] : memref<1024000xf32, #tpu.memory_space<hbm>> -> memref<1024xf32, #tpu.memory_space<hbm>>
      tpu.wait_dma2 semaphore(%arg20 : memref<!tpu.dma_semaphore, #tpu.memory_space<semaphore_mem>>) src(%dma_wait3A_241 : memref<1024xf32, #tpu.memory_space<hbm>>) dst(%arg13 : memref<1024xf32, #tpu.memory_space<vmem>>)
      %dma_wait3A_242 = arith.constant 0 : i32
      %dma_wait3A_243 = tpu.memref_slice %arg4[%dma_wait3A_242] : memref<1024000xf32, #tpu.memory_space<hbm>> -> memref<1024xf32, #tpu.memory_space<hbm>>
      %dma_wait3A_244 = arith.constant 0 : i32
      %dma_wait3A_245 = tpu.memref_slice %arg4[%dma_wait3A_244] : memref<1024000xf32, #tpu.memory_space<hbm>> -> memref<1024xf32, #tpu.memory_space<hbm>>
      tpu.wait_dma2 semaphore(%arg21 : memref<!tpu.dma_semaphore, #tpu.memory_space<semaphore_mem>>) src(%dma_wait3A_245 : memref<1024xf32, #tpu.memory_space<hbm>>) dst(%arg14 : memref<1024xf32, #tpu.memory_space<vmem>>)
      %dma_wait3A_246 = arith.constant 0 : i32
      %dma_wait3A_247 = arith.constant 0 : i32
      %dma_wait3A_248 = tpu.memref_slice %arg6[%dma_wait3A_246, %dma_wait3A_247] : memref<1000x51200xf32, #tpu.memory_space<hbm>> -> memref<1x12800xf32, #tpu.memory_space<hbm>>
      %dma_wait3A_249 = arith.constant 0 : i32
      %dma_wait3A_250 = arith.constant 0 : i32
      %dma_wait3A_251 = tpu.memref_slice %arg6[%dma_wait3A_249, %dma_wait3A_250] : memref<1000x51200xf32, #tpu.memory_space<hbm>> -> memref<1x12800xf32, #tpu.memory_space<hbm>>
      tpu.wait_dma2 semaphore(%arg22 : memref<!tpu.dma_semaphore, #tpu.memory_space<semaphore_mem>>) src(%dma_wait3A_251 : memref<1x12800xf32, #tpu.memory_space<hbm>>) dst(%arg9 : memref<1x12800xf32, #tpu.memory_space<vmem>>)
      %dma_wait3A_252 = arith.constant 0 : i32
      %dma_wait3A_253 = arith.constant 0 : i32
      %dma_wait3A_254 = tpu.memref_slice %arg6[%dma_wait3A_252, %dma_wait3A_253] : memref<1000x51200xf32, #tpu.memory_space<hbm>> -> memref<1x12800xf32, #tpu.memory_space<hbm>>
      %dma_wait3A_255 = arith.constant 0 : i32
      %dma_wait3A_256 = arith.constant 0 : i32
      %dma_wait3A_257 = tpu.memref_slice %arg6[%dma_wait3A_255, %dma_wait3A_256] : memref<1000x51200xf32, #tpu.memory_space<hbm>> -> memref<1x12800xf32, #tpu.memory_space<hbm>>
      tpu.wait_dma2 semaphore(%arg24 : memref<!tpu.dma_semaphore, #tpu.memory_space<semaphore_mem>>) src(%dma_wait3A_257 : memref<1x12800xf32, #tpu.memory_space<hbm>>) dst(%arg11 : memref<1x12800xf32, #tpu.memory_space<vmem>>)
      %parallel_loop3A_258 = arith.constant 0 : i32
      %parallel_loop3A_259 = arith.constant 12800 : i32
      %parallel_loop3A_260 = arith.constant 16 : i32
      scf.for %parallel_loop3A_338 = %parallel_loop3A_258 to %parallel_loop3A_259 step %parallel_loop3A_260  : i32 {
        %parallel_loop3A_339 = arith.constant 0 : i32
        %parallel_loop3A_340 = arith.addi %parallel_loop3A_339, %parallel_loop3A_338 : i32
        %parallel_loop3A_341 = arith.index_cast %parallel_loop3A_340 : i32 to index
        %parallel_loop3A_342 = tpu.vector_load %arg8[%parallel_loop3A_341] {strides = array<i32>} : memref<51200xi32, #tpu.memory_space<vmem>>, vector<16xi32>,
        %parallel_loop3A_343 = tpu.vector_load_idx %arg13[%parallel_loop3A_342] : memref<1024xf32, #tpu.memory_space<vmem>>[vector<16xi32>], vector<16xf32>,
        %parallel_loop3A_344 = arith.constant 0 : i32
        %parallel_loop3A_345 = arith.index_cast %parallel_loop3A_344 : i32 to index
        %parallel_loop3A_346 = arith.index_cast %parallel_loop3A_338 : i32 to index
        %parallel_loop3A_347 = tpu.vector_load %arg9[%parallel_loop3A_345, %parallel_loop3A_346] {strides = array<i32>} : memref<1x12800xf32, #tpu.memory_space<vmem>>, vector<16xf32>,
        tpu.vector_store %arg9[%parallel_loop3A_345, %parallel_loop3A_346], %parallel_loop3A_343 {strides = array<i32>} : memref<1x12800xf32, #tpu.memory_space<vmem>>, vector<16xf32>,
        %parallel_loop3A_348 = tpu.vector_load_idx %arg14[%parallel_loop3A_342] : memref<1024xf32, #tpu.memory_space<vmem>>[vector<16xi32>], vector<16xf32>,
        %parallel_loop3A_349 = arith.constant 0 : i32
        %parallel_loop3A_350 = arith.index_cast %parallel_loop3A_349 : i32 to index
        %parallel_loop3A_351 = arith.index_cast %parallel_loop3A_338 : i32 to index
        %parallel_loop3A_352 = tpu.vector_load %arg11[%parallel_loop3A_350, %parallel_loop3A_351] {strides = array<i32>} : memref<1x12800xf32, #tpu.memory_space<vmem>>, vector<16xf32>,
        tpu.vector_store %arg11[%parallel_loop3A_350, %parallel_loop3A_351], %parallel_loop3A_348 {strides = array<i32>} : memref<1x12800xf32, #tpu.memory_space<vmem>>, vector<16xf32>,
      } {sc.loop_unroll_factor = 16 : i64, sc.parallel_access}
      %dma_start3A_261 = arith.constant 0 : i32
      %dma_start3A_262 = tpu.memref_slice %arg6[%add3A_193, %dma_start3A_261] : memref<1000x51200xf32, #tpu.memory_space<hbm>> -> memref<1x12800xf32, #tpu.memory_space<hbm>>
      %dma_start3A_263 = arith.constant 0 : i32
      %dma_start3A_264 = tpu.memref_slice %arg6[%add3A_193, %dma_start3A_263] : memref<1000x51200xf32, #tpu.memory_space<hbm>> -> memref<1x12800xf32, #tpu.memory_space<hbm>>
      tpu.enqueue_dma source(%arg9 : memref<1x12800xf32, #tpu.memory_space<vmem>>) target(%dma_start3A_264 : memref<1x12800xf32, #tpu.memory_space<hbm>>) target_semaphore(%arg22 : memref<!tpu.dma_semaphore, #tpu.memory_space<semaphore_mem>>)
      %dma_start3A_265 = arith.constant 0 : i32
      %dma_start3A_266 = tpu.memref_slice %arg6[%add3A_237, %dma_start3A_265] : memref<1000x51200xf32, #tpu.memory_space<hbm>> -> memref<1x12800xf32, #tpu.memory_space<hbm>>
      %dma_start3A_267 = arith.constant 0 : i32
      %dma_start3A_268 = tpu.memref_slice %arg6[%add3A_237, %dma_start3A_267] : memref<1000x51200xf32, #tpu.memory_space<hbm>> -> memref<1x12800xf32, #tpu.memory_space<hbm>>
      tpu.enqueue_dma source(%arg11 : memref<1x12800xf32, #tpu.memory_space<vmem>>) target(%dma_start3A_268 : memref<1x12800xf32, #tpu.memory_space<hbm>>) target_semaphore(%arg24 : memref<!tpu.dma_semaphore, #tpu.memory_space<semaphore_mem>>)
      %dma_wait3A_269 = arith.constant 0 : i32
      %dma_wait3A_270 = arith.constant 0 : i32
      %dma_wait3A_271 = tpu.memref_slice %arg6[%dma_wait3A_269, %dma_wait3A_270] : memref<1000x51200xf32, #tpu.memory_space<hbm>> -> memref<1x12800xf32, #tpu.memory_space<hbm>>
      %dma_wait3A_272 = arith.constant 0 : i32
      %dma_wait3A_273 = arith.constant 0 : i32
      %dma_wait3A_274 = tpu.memref_slice %arg6[%dma_wait3A_272, %dma_wait3A_273] : memref<1000x51200xf32, #tpu.memory_space<hbm>> -> memref<1x12800xf32, #tpu.memory_space<hbm>>
      tpu.wait_dma2 semaphore(%arg23 : memref<!tpu.dma_semaphore, #tpu.memory_space<semaphore_mem>>) src(%dma_wait3A_274 : memref<1x12800xf32, #tpu.memory_space<hbm>>) dst(%arg10 : memref<1x12800xf32, #tpu.memory_space<vmem>>)
      %dma_wait3A_275 = arith.constant 0 : i32
      %dma_wait3A_276 = arith.constant 0 : i32
      %dma_wait3A_277 = tpu.memref_slice %arg6[%dma_wait3A_275, %dma_wait3A_276] : memref<1000x51200xf32, #tpu.memory_space<hbm>> -> memref<1x12800xf32, #tpu.memory_space<hbm>>
      %dma_wait3A_278 = arith.constant 0 : i32
      %dma_wait3A_279 = arith.constant 0 : i32
      %dma_wait3A_280 = tpu.memref_slice %arg6[%dma_wait3A_278, %dma_wait3A_279] : memref<1000x51200xf32, #tpu.memory_space<hbm>> -> memref<1x12800xf32, #tpu.memory_space<hbm>>
      tpu.wait_dma2 semaphore(%arg25 : memref<!tpu.dma_semaphore, #tpu.memory_space<semaphore_mem>>) src(%dma_wait3A_280 : memref<1x12800xf32, #tpu.memory_space<hbm>>) dst(%arg12 : memref<1x12800xf32, #tpu.memory_space<vmem>>)
      %parallel_loop3A_281 = arith.constant 0 : i32
      %parallel_loop3A_282 = arith.constant 12800 : i32
      %parallel_loop3A_283 = arith.constant 16 : i32
      scf.for %parallel_loop3A_338 = %parallel_loop3A_281 to %parallel_loop3A_282 step %parallel_loop3A_283  : i32 {
        %parallel_loop3A_339 = arith.constant 12800 : i32
        %parallel_loop3A_340 = arith.addi %parallel_loop3A_339, %parallel_loop3A_338 : i32
        %parallel_loop3A_341 = arith.index_cast %parallel_loop3A_340 : i32 to index
        %parallel_loop3A_342 = tpu.vector_load %arg8[%parallel_loop3A_341] {strides = array<i32>} : memref<51200xi32, #tpu.memory_space<vmem>>, vector<16xi32>,
        %parallel_loop3A_343 = tpu.vector_load_idx %arg13[%parallel_loop3A_342] : memref<1024xf32, #tpu.memory_space<vmem>>[vector<16xi32>], vector<16xf32>,
        %parallel_loop3A_344 = arith.constant 0 : i32
        %parallel_loop3A_345 = arith.index_cast %parallel_loop3A_344 : i32 to index
        %parallel_loop3A_346 = arith.index_cast %parallel_loop3A_338 : i32 to index
        %parallel_loop3A_347 = tpu.vector_load %arg10[%parallel_loop3A_345, %parallel_loop3A_346] {strides = array<i32>} : memref<1x12800xf32, #tpu.memory_space<vmem>>, vector<16xf32>,
        tpu.vector_store %arg10[%parallel_loop3A_345, %parallel_loop3A_346], %parallel_loop3A_343 {strides = array<i32>} : memref<1x12800xf32, #tpu.memory_space<vmem>>, vector<16xf32>,
        %parallel_loop3A_348 = tpu.vector_load_idx %arg14[%parallel_loop3A_342] : memref<1024xf32, #tpu.memory_space<vmem>>[vector<16xi32>], vector<16xf32>,
        %parallel_loop3A_349 = arith.constant 0 : i32
        %parallel_loop3A_350 = arith.index_cast %parallel_loop3A_349 : i32 to index
        %parallel_loop3A_351 = arith.index_cast %parallel_loop3A_338 : i32 to index
        %parallel_loop3A_352 = tpu.vector_load %arg12[%parallel_loop3A_350, %parallel_loop3A_351] {strides = array<i32>} : memref<1x12800xf32, #tpu.memory_space<vmem>>, vector<16xf32>,
        tpu.vector_store %arg12[%parallel_loop3A_350, %parallel_loop3A_351], %parallel_loop3A_348 {strides = array<i32>} : memref<1x12800xf32, #tpu.memory_space<vmem>>, vector<16xf32>,
      } {sc.loop_unroll_factor = 16 : i64, sc.parallel_access}
      %dma_start3A_284 = arith.constant 12800 : i32
      %dma_start3A_285 = tpu.memref_slice %arg6[%add3A_193, %dma_start3A_284] : memref<1000x51200xf32, #tpu.memory_space<hbm>> -> memref<1x12800xf32, #tpu.memory_space<hbm>>
      %dma_start3A_286 = arith.constant 12800 : i32
      %dma_start3A_287 = tpu.memref_slice %arg6[%add3A_193, %dma_start3A_286] : memref<1000x51200xf32, #tpu.memory_space<hbm>> -> memref<1x12800xf32, #tpu.memory_space<hbm>>
      tpu.enqueue_dma source(%arg10 : memref<1x12800xf32, #tpu.memory_space<vmem>>) target(%dma_start3A_287 : memref<1x12800xf32, #tpu.memory_space<hbm>>) target_semaphore(%arg23 : memref<!tpu.dma_semaphore, #tpu.memory_space<semaphore_mem>>)
      %dma_start3A_288 = arith.constant 12800 : i32
      %dma_start3A_289 = tpu.memref_slice %arg6[%add3A_237, %dma_start3A_288] : memref<1000x51200xf32, #tpu.memory_space<hbm>> -> memref<1x12800xf32, #tpu.memory_space<hbm>>
      %dma_start3A_290 = arith.constant 12800 : i32
      %dma_start3A_291 = tpu.memref_slice %arg6[%add3A_237, %dma_start3A_290] : memref<1000x51200xf32, #tpu.memory_space<hbm>> -> memref<1x12800xf32, #tpu.memory_space<hbm>>
      tpu.enqueue_dma source(%arg12 : memref<1x12800xf32, #tpu.memory_space<vmem>>) target(%dma_start3A_291 : memref<1x12800xf32, #tpu.memory_space<hbm>>) target_semaphore(%arg25 : memref<!tpu.dma_semaphore, #tpu.memory_space<semaphore_mem>>)
      %dma_wait3A_292 = arith.constant 0 : i32
      %dma_wait3A_293 = arith.constant 0 : i32
      %dma_wait3A_294 = tpu.memref_slice %arg6[%dma_wait3A_292, %dma_wait3A_293] : memref<1000x51200xf32, #tpu.memory_space<hbm>> -> memref<1x12800xf32, #tpu.memory_space<hbm>>
      %dma_wait3A_295 = arith.constant 0 : i32
      %dma_wait3A_296 = arith.constant 0 : i32
      %dma_wait3A_297 = tpu.memref_slice %arg6[%dma_wait3A_295, %dma_wait3A_296] : memref<1000x51200xf32, #tpu.memory_space<hbm>> -> memref<1x12800xf32, #tpu.memory_space<hbm>>
      tpu.wait_dma2 semaphore(%arg22 : memref<!tpu.dma_semaphore, #tpu.memory_space<semaphore_mem>>) src(%dma_wait3A_297 : memref<1x12800xf32, #tpu.memory_space<hbm>>) dst(%arg9 : memref<1x12800xf32, #tpu.memory_space<vmem>>)
      %dma_wait3A_298 = arith.constant 0 : i32
      %dma_wait3A_299 = arith.constant 0 : i32
      %dma_wait3A_300 = tpu.memref_slice %arg6[%dma_wait3A_298, %dma_wait3A_299] : memref<1000x51200xf32, #tpu.memory_space<hbm>> -> memref<1x12800xf32, #tpu.memory_space<hbm>>
      %dma_wait3A_301 = arith.constant 0 : i32
      %dma_wait3A_302 = arith.constant 0 : i32
      %dma_wait3A_303 = tpu.memref_slice %arg6[%dma_wait3A_301, %dma_wait3A_302] : memref<1000x51200xf32, #tpu.memory_space<hbm>> -> memref<1x12800xf32, #tpu.memory_space<hbm>>
      tpu.wait_dma2 semaphore(%arg24 : memref<!tpu.dma_semaphore, #tpu.memory_space<semaphore_mem>>) src(%dma_wait3A_303 : memref<1x12800xf32, #tpu.memory_space<hbm>>) dst(%arg11 : memref<1x12800xf32, #tpu.memory_space<vmem>>)
      %parallel_loop3A_304 = arith.constant 0 : i32
      %parallel_loop3A_305 = arith.constant 12800 : i32
      %parallel_loop3A_306 = arith.constant 16 : i32
      scf.for %parallel_loop3A_338 = %parallel_loop3A_304 to %parallel_loop3A_305 step %parallel_loop3A_306  : i32 {
        %parallel_loop3A_339 = arith.constant 25600 : i32
        %parallel_loop3A_340 = arith.addi %parallel_loop3A_339, %parallel_loop3A_338 : i32
        %parallel_loop3A_341 = arith.index_cast %parallel_loop3A_340 : i32 to index
        %parallel_loop3A_342 = tpu.vector_load %arg8[%parallel_loop3A_341] {strides = array<i32>} : memref<51200xi32, #tpu.memory_space<vmem>>, vector<16xi32>,
        %parallel_loop3A_343 = tpu.vector_load_idx %arg13[%parallel_loop3A_342] : memref<1024xf32, #tpu.memory_space<vmem>>[vector<16xi32>], vector<16xf32>,
        %parallel_loop3A_344 = arith.constant 0 : i32
        %parallel_loop3A_345 = arith.index_cast %parallel_loop3A_344 : i32 to index
        %parallel_loop3A_346 = arith.index_cast %parallel_loop3A_338 : i32 to index
        %parallel_loop3A_347 = tpu.vector_load %arg9[%parallel_loop3A_345, %parallel_loop3A_346] {strides = array<i32>} : memref<1x12800xf32, #tpu.memory_space<vmem>>, vector<16xf32>,
        tpu.vector_store %arg9[%parallel_loop3A_345, %parallel_loop3A_346], %parallel_loop3A_343 {strides = array<i32>} : memref<1x12800xf32, #tpu.memory_space<vmem>>, vector<16xf32>,
        %parallel_loop3A_348 = tpu.vector_load_idx %arg14[%parallel_loop3A_342] : memref<1024xf32, #tpu.memory_space<vmem>>[vector<16xi32>], vector<16xf32>,
        %parallel_loop3A_349 = arith.constant 0 : i32
        %parallel_loop3A_350 = arith.index_cast %parallel_loop3A_349 : i32 to index
        %parallel_loop3A_351 = arith.index_cast %parallel_loop3A_338 : i32 to index
        %parallel_loop3A_352 = tpu.vector_load %arg11[%parallel_loop3A_350, %parallel_loop3A_351] {strides = array<i32>} : memref<1x12800xf32, #tpu.memory_space<vmem>>, vector<16xf32>,
        tpu.vector_store %arg11[%parallel_loop3A_350, %parallel_loop3A_351], %parallel_loop3A_348 {strides = array<i32>} : memref<1x12800xf32, #tpu.memory_space<vmem>>, vector<16xf32>,
      } {sc.loop_unroll_factor = 16 : i64, sc.parallel_access}
      %dma_start3A_307 = arith.constant 25600 : i32
      %dma_start3A_308 = tpu.memref_slice %arg6[%add3A_193, %dma_start3A_307] : memref<1000x51200xf32, #tpu.memory_space<hbm>> -> memref<1x12800xf32, #tpu.memory_space<hbm>>
      %dma_start3A_309 = arith.constant 25600 : i32
      %dma_start3A_310 = tpu.memref_slice %arg6[%add3A_193, %dma_start3A_309] : memref<1000x51200xf32, #tpu.memory_space<hbm>> -> memref<1x12800xf32, #tpu.memory_space<hbm>>
      tpu.enqueue_dma source(%arg9 : memref<1x12800xf32, #tpu.memory_space<vmem>>) target(%dma_start3A_310 : memref<1x12800xf32, #tpu.memory_space<hbm>>) target_semaphore(%arg22 : memref<!tpu.dma_semaphore, #tpu.memory_space<semaphore_mem>>)
      %dma_start3A_311 = arith.constant 25600 : i32
      %dma_start3A_312 = tpu.memref_slice %arg6[%add3A_237, %dma_start3A_311] : memref<1000x51200xf32, #tpu.memory_space<hbm>> -> memref<1x12800xf32, #tpu.memory_space<hbm>>
      %dma_start3A_313 = arith.constant 25600 : i32
      %dma_start3A_314 = tpu.memref_slice %arg6[%add3A_237, %dma_start3A_313] : memref<1000x51200xf32, #tpu.memory_space<hbm>> -> memref<1x12800xf32, #tpu.memory_space<hbm>>
      tpu.enqueue_dma source(%arg11 : memref<1x12800xf32, #tpu.memory_space<vmem>>) target(%dma_start3A_314 : memref<1x12800xf32, #tpu.memory_space<hbm>>) target_semaphore(%arg24 : memref<!tpu.dma_semaphore, #tpu.memory_space<semaphore_mem>>)
      %dma_wait3A_315 = arith.constant 0 : i32
      %dma_wait3A_316 = arith.constant 0 : i32
      %dma_wait3A_317 = tpu.memref_slice %arg6[%dma_wait3A_315, %dma_wait3A_316] : memref<1000x51200xf32, #tpu.memory_space<hbm>> -> memref<1x12800xf32, #tpu.memory_space<hbm>>
      %dma_wait3A_318 = arith.constant 0 : i32
      %dma_wait3A_319 = arith.constant 0 : i32
      %dma_wait3A_320 = tpu.memref_slice %arg6[%dma_wait3A_318, %dma_wait3A_319] : memref<1000x51200xf32, #tpu.memory_space<hbm>> -> memref<1x12800xf32, #tpu.memory_space<hbm>>
      tpu.wait_dma2 semaphore(%arg23 : memref<!tpu.dma_semaphore, #tpu.memory_space<semaphore_mem>>) src(%dma_wait3A_320 : memref<1x12800xf32, #tpu.memory_space<hbm>>) dst(%arg10 : memref<1x12800xf32, #tpu.memory_space<vmem>>)
      %dma_wait3A_321 = arith.constant 0 : i32
      %dma_wait3A_322 = arith.constant 0 : i32
      %dma_wait3A_323 = tpu.memref_slice %arg6[%dma_wait3A_321, %dma_wait3A_322] : memref<1000x51200xf32, #tpu.memory_space<hbm>> -> memref<1x12800xf32, #tpu.memory_space<hbm>>
      %dma_wait3A_324 = arith.constant 0 : i32
      %dma_wait3A_325 = arith.constant 0 : i32
      %dma_wait3A_326 = tpu.memref_slice %arg6[%dma_wait3A_324, %dma_wait3A_325] : memref<1000x51200xf32, #tpu.memory_space<hbm>> -> memref<1x12800xf32, #tpu.memory_space<hbm>>
      tpu.wait_dma2 semaphore(%arg25 : memref<!tpu.dma_semaphore, #tpu.memory_space<semaphore_mem>>) src(%dma_wait3A_326 : memref<1x12800xf32, #tpu.memory_space<hbm>>) dst(%arg12 : memref<1x12800xf32, #tpu.memory_space<vmem>>)
      %parallel_loop3A_327 = arith.constant 0 : i32
      %parallel_loop3A_328 = arith.constant 12800 : i32
      %parallel_loop3A_329 = arith.constant 16 : i32
      scf.for %parallel_loop3A_338 = %parallel_loop3A_327 to %parallel_loop3A_328 step %parallel_loop3A_329  : i32 {
        %parallel_loop3A_339 = arith.constant 38400 : i32
        %parallel_loop3A_340 = arith.addi %parallel_loop3A_339, %parallel_loop3A_338 : i32
        %parallel_loop3A_341 = arith.index_cast %parallel_loop3A_340 : i32 to index
        %parallel_loop3A_342 = tpu.vector_load %arg8[%parallel_loop3A_341] {strides = array<i32>} : memref<51200xi32, #tpu.memory_space<vmem>>, vector<16xi32>,
        %parallel_loop3A_343 = tpu.vector_load_idx %arg13[%parallel_loop3A_342] : memref<1024xf32, #tpu.memory_space<vmem>>[vector<16xi32>], vector<16xf32>,
        %parallel_loop3A_344 = arith.constant 0 : i32
        %parallel_loop3A_345 = arith.index_cast %parallel_loop3A_344 : i32 to index
        %parallel_loop3A_346 = arith.index_cast %parallel_loop3A_338 : i32 to index
        %parallel_loop3A_347 = tpu.vector_load %arg10[%parallel_loop3A_345, %parallel_loop3A_346] {strides = array<i32>} : memref<1x12800xf32, #tpu.memory_space<vmem>>, vector<16xf32>,
        tpu.vector_store %arg10[%parallel_loop3A_345, %parallel_loop3A_346], %parallel_loop3A_343 {strides = array<i32>} : memref<1x12800xf32, #tpu.memory_space<vmem>>, vector<16xf32>,
        %parallel_loop3A_348 = tpu.vector_load_idx %arg14[%parallel_loop3A_342] : memref<1024xf32, #tpu.memory_space<vmem>>[vector<16xi32>], vector<16xf32>,
        %parallel_loop3A_349 = arith.constant 0 : i32
        %parallel_loop3A_350 = arith.index_cast %parallel_loop3A_349 : i32 to index
        %parallel_loop3A_351 = arith.index_cast %parallel_loop3A_338 : i32 to index
        %parallel_loop3A_352 = tpu.vector_load %arg12[%parallel_loop3A_350, %parallel_loop3A_351] {strides = array<i32>} : memref<1x12800xf32, #tpu.memory_space<vmem>>, vector<16xf32>,
        tpu.vector_store %arg12[%parallel_loop3A_350, %parallel_loop3A_351], %parallel_loop3A_348 {strides = array<i32>} : memref<1x12800xf32, #tpu.memory_space<vmem>>, vector<16xf32>,
      } {sc.loop_unroll_factor = 16 : i64, sc.parallel_access}
      %dma_start3A_330 = arith.constant 38400 : i32
      %dma_start3A_331 = tpu.memref_slice %arg6[%add3A_193, %dma_start3A_330] : memref<1000x51200xf32, #tpu.memory_space<hbm>> -> memref<1x12800xf32, #tpu.memory_space<hbm>>
      %dma_start3A_332 = arith.constant 38400 : i32
      %dma_start3A_333 = tpu.memref_slice %arg6[%add3A_193, %dma_start3A_332] : memref<1000x51200xf32, #tpu.memory_space<hbm>> -> memref<1x12800xf32, #tpu.memory_space<hbm>>
      tpu.enqueue_dma source(%arg10 : memref<1x12800xf32, #tpu.memory_space<vmem>>) target(%dma_start3A_333 : memref<1x12800xf32, #tpu.memory_space<hbm>>) target_semaphore(%arg23 : memref<!tpu.dma_semaphore, #tpu.memory_space<semaphore_mem>>)
      %dma_start3A_334 = arith.constant 38400 : i32
      %dma_start3A_335 = tpu.memref_slice %arg6[%add3A_237, %dma_start3A_334] : memref<1000x51200xf32, #tpu.memory_space<hbm>> -> memref<1x12800xf32, #tpu.memory_space<hbm>>
      %dma_start3A_336 = arith.constant 38400 : i32
      %dma_start3A_337 = tpu.memref_slice %arg6[%add3A_237, %dma_start3A_336] : memref<1000x51200xf32, #tpu.memory_space<hbm>> -> memref<1x12800xf32, #tpu.memory_space<hbm>>
      tpu.enqueue_dma source(%arg12 : memref<1x12800xf32, #tpu.memory_space<vmem>>) target(%dma_start3A_337 : memref<1x12800xf32, #tpu.memory_space<hbm>>) target_semaphore(%arg25 : memref<!tpu.dma_semaphore, #tpu.memory_space<semaphore_mem>>)
    } else {
    }
    %add3A_198 = arith.constant 32 : i32
    %add3A_199 = arith.addi %add3A_193, %add3A_198 : i32
    %ge3A = arith.constant 1000 : i32
    %ge3A_200 = arith.cmpi sge, %add3A_199, %ge3A : i32
    %convert_element_type3A_201 = arith.extui %ge3A_200 : i1 to i32
    %cond3A_202 = arith.constant 0 : i32
    %cond3A_203 = arith.cmpi ne, %convert_element_type3A_201, %cond3A_202 : i32
    scf.if %cond3A_203 {
      %dma_wait3A_236 = arith.constant 0 : i32
      %dma_wait3A_237 = tpu.memref_slice %arg4[%dma_wait3A_236] : memref<1024000xf32, #tpu.memory_space<hbm>> -> memref<1024xf32, #tpu.memory_space<hbm>>
      %dma_wait3A_238 = arith.constant 0 : i32
      %dma_wait3A_239 = tpu.memref_slice %arg4[%dma_wait3A_238] : memref<1024000xf32, #tpu.memory_space<hbm>> -> memref<1024xf32, #tpu.memory_space<hbm>>
      tpu.wait_dma2 semaphore(%arg20 : memref<!tpu.dma_semaphore, #tpu.memory_space<semaphore_mem>>) src(%dma_wait3A_239 : memref<1024xf32, #tpu.memory_space<hbm>>) dst(%arg13 : memref<1024xf32, #tpu.memory_space<vmem>>)
      %dma_wait3A_240 = arith.constant 0 : i32
      %dma_wait3A_241 = tpu.memref_slice %arg4[%dma_wait3A_240] : memref<1024000xf32, #tpu.memory_space<hbm>> -> memref<1024xf32, #tpu.memory_space<hbm>>
      %dma_wait3A_242 = arith.constant 0 : i32
      %dma_wait3A_243 = tpu.memref_slice %arg4[%dma_wait3A_242] : memref<1024000xf32, #tpu.memory_space<hbm>> -> memref<1024xf32, #tpu.memory_space<hbm>>
      tpu.wait_dma2 semaphore(%arg21 : memref<!tpu.dma_semaphore, #tpu.memory_space<semaphore_mem>>) src(%dma_wait3A_243 : memref<1024xf32, #tpu.memory_space<hbm>>) dst(%arg14 : memref<1024xf32, #tpu.memory_space<vmem>>)
      %dma_wait3A_244 = arith.constant 0 : i32
      %dma_wait3A_245 = arith.constant 0 : i32
      %dma_wait3A_246 = tpu.memref_slice %arg6[%dma_wait3A_244, %dma_wait3A_245] : memref<1000x51200xf32, #tpu.memory_space<hbm>> -> memref<1x12800xf32, #tpu.memory_space<hbm>>
      %dma_wait3A_247 = arith.constant 0 : i32
      %dma_wait3A_248 = arith.constant 0 : i32
      %dma_wait3A_249 = tpu.memref_slice %arg6[%dma_wait3A_247, %dma_wait3A_248] : memref<1000x51200xf32, #tpu.memory_space<hbm>> -> memref<1x12800xf32, #tpu.memory_space<hbm>>
      tpu.wait_dma2 semaphore(%arg22 : memref<!tpu.dma_semaphore, #tpu.memory_space<semaphore_mem>>) src(%dma_wait3A_249 : memref<1x12800xf32, #tpu.memory_space<hbm>>) dst(%arg9 : memref<1x12800xf32, #tpu.memory_space<vmem>>)
      %parallel_loop3A_250 = arith.constant 0 : i32
      %parallel_loop3A_251 = arith.constant 12800 : i32
      %parallel_loop3A_252 = arith.constant 16 : i32
      scf.for %parallel_loop3A_296 = %parallel_loop3A_250 to %parallel_loop3A_251 step %parallel_loop3A_252  : i32 {
        %parallel_loop3A_297 = arith.constant 0 : i32
        %parallel_loop3A_298 = arith.addi %parallel_loop3A_297, %parallel_loop3A_296 : i32
        %parallel_loop3A_299 = arith.index_cast %parallel_loop3A_298 : i32 to index
        %parallel_loop3A_300 = tpu.vector_load %arg8[%parallel_loop3A_299] {strides = array<i32>} : memref<51200xi32, #tpu.memory_space<vmem>>, vector<16xi32>,
        %parallel_loop3A_301 = tpu.vector_load_idx %arg13[%parallel_loop3A_300] : memref<1024xf32, #tpu.memory_space<vmem>>[vector<16xi32>], vector<16xf32>,
        %parallel_loop3A_302 = arith.constant 0 : i32
        %parallel_loop3A_303 = arith.index_cast %parallel_loop3A_302 : i32 to index
        %parallel_loop3A_304 = arith.index_cast %parallel_loop3A_296 : i32 to index
        %parallel_loop3A_305 = tpu.vector_load %arg9[%parallel_loop3A_303, %parallel_loop3A_304] {strides = array<i32>} : memref<1x12800xf32, #tpu.memory_space<vmem>>, vector<16xf32>,
        tpu.vector_store %arg9[%parallel_loop3A_303, %parallel_loop3A_304], %parallel_loop3A_301 {strides = array<i32>} : memref<1x12800xf32, #tpu.memory_space<vmem>>, vector<16xf32>,
      } {sc.loop_unroll_factor = 16 : i64, sc.parallel_access}
      %dma_start3A_253 = arith.constant 0 : i32
      %dma_start3A_254 = tpu.memref_slice %arg6[%add3A_193, %dma_start3A_253] : memref<1000x51200xf32, #tpu.memory_space<hbm>> -> memref<1x12800xf32, #tpu.memory_space<hbm>>
      %dma_start3A_255 = arith.constant 0 : i32
      %dma_start3A_256 = tpu.memref_slice %arg6[%add3A_193, %dma_start3A_255] : memref<1000x51200xf32, #tpu.memory_space<hbm>> -> memref<1x12800xf32, #tpu.memory_space<hbm>>
      tpu.enqueue_dma source(%arg9 : memref<1x12800xf32, #tpu.memory_space<vmem>>) target(%dma_start3A_256 : memref<1x12800xf32, #tpu.memory_space<hbm>>) target_semaphore(%arg22 : memref<!tpu.dma_semaphore, #tpu.memory_space<semaphore_mem>>)
      %dma_wait3A_257 = arith.constant 0 : i32
      %dma_wait3A_258 = arith.constant 0 : i32
      %dma_wait3A_259 = tpu.memref_slice %arg6[%dma_wait3A_257, %dma_wait3A_258] : memref<1000x51200xf32, #tpu.memory_space<hbm>> -> memref<1x12800xf32, #tpu.memory_space<hbm>>
      %dma_wait3A_260 = arith.constant 0 : i32
      %dma_wait3A_261 = arith.constant 0 : i32
      %dma_wait3A_262 = tpu.memref_slice %arg6[%dma_wait3A_260, %dma_wait3A_261] : memref<1000x51200xf32, #tpu.memory_space<hbm>> -> memref<1x12800xf32, #tpu.memory_space<hbm>>
      tpu.wait_dma2 semaphore(%arg23 : memref<!tpu.dma_semaphore, #tpu.memory_space<semaphore_mem>>) src(%dma_wait3A_262 : memref<1x12800xf32, #tpu.memory_space<hbm>>) dst(%arg10 : memref<1x12800xf32, #tpu.memory_space<vmem>>)
      %parallel_loop3A_263 = arith.constant 0 : i32
      %parallel_loop3A_264 = arith.constant 12800 : i32
      %parallel_loop3A_265 = arith.constant 16 : i32
      scf.for %parallel_loop3A_296 = %parallel_loop3A_263 to %parallel_loop3A_264 step %parallel_loop3A_265  : i32 {
        %parallel_loop3A_297 = arith.constant 12800 : i32
        %parallel_loop3A_298 = arith.addi %parallel_loop3A_297, %parallel_loop3A_296 : i32
        %parallel_loop3A_299 = arith.index_cast %parallel_loop3A_298 : i32 to index
        %parallel_loop3A_300 = tpu.vector_load %arg8[%parallel_loop3A_299] {strides = array<i32>} : memref<51200xi32, #tpu.memory_space<vmem>>, vector<16xi32>,
        %parallel_loop3A_301 = tpu.vector_load_idx %arg13[%parallel_loop3A_300] : memref<1024xf32, #tpu.memory_space<vmem>>[vector<16xi32>], vector<16xf32>,
        %parallel_loop3A_302 = arith.constant 0 : i32
        %parallel_loop3A_303 = arith.index_cast %parallel_loop3A_302 : i32 to index
        %parallel_loop3A_304 = arith.index_cast %parallel_loop3A_296 : i32 to index
        %parallel_loop3A_305 = tpu.vector_load %arg10[%parallel_loop3A_303, %parallel_loop3A_304] {strides = array<i32>} : memref<1x12800xf32, #tpu.memory_space<vmem>>, vector<16xf32>,
        tpu.vector_store %arg10[%parallel_loop3A_303, %parallel_loop3A_304], %parallel_loop3A_301 {strides = array<i32>} : memref<1x12800xf32, #tpu.memory_space<vmem>>, vector<16xf32>,
      } {sc.loop_unroll_factor = 16 : i64, sc.parallel_access}
      %dma_start3A_266 = arith.constant 12800 : i32
      %dma_start3A_267 = tpu.memref_slice %arg6[%add3A_193, %dma_start3A_266] : memref<1000x51200xf32, #tpu.memory_space<hbm>> -> memref<1x12800xf32, #tpu.memory_space<hbm>>
      %dma_start3A_268 = arith.constant 12800 : i32
      %dma_start3A_269 = tpu.memref_slice %arg6[%add3A_193, %dma_start3A_268] : memref<1000x51200xf32, #tpu.memory_space<hbm>> -> memref<1x12800xf32, #tpu.memory_space<hbm>>
      tpu.enqueue_dma source(%arg10 : memref<1x12800xf32, #tpu.memory_space<vmem>>) target(%dma_start3A_269 : memref<1x12800xf32, #tpu.memory_space<hbm>>) target_semaphore(%arg23 : memref<!tpu.dma_semaphore, #tpu.memory_space<semaphore_mem>>)
      %dma_wait3A_270 = arith.constant 0 : i32
      %dma_wait3A_271 = arith.constant 0 : i32
      %dma_wait3A_272 = tpu.memref_slice %arg6[%dma_wait3A_270, %dma_wait3A_271] : memref<1000x51200xf32, #tpu.memory_space<hbm>> -> memref<1x12800xf32, #tpu.memory_space<hbm>>
      %dma_wait3A_273 = arith.constant 0 : i32
      %dma_wait3A_274 = arith.constant 0 : i32
      %dma_wait3A_275 = tpu.memref_slice %arg6[%dma_wait3A_273, %dma_wait3A_274] : memref<1000x51200xf32, #tpu.memory_space<hbm>> -> memref<1x12800xf32, #tpu.memory_space<hbm>>
      tpu.wait_dma2 semaphore(%arg22 : memref<!tpu.dma_semaphore, #tpu.memory_space<semaphore_mem>>) src(%dma_wait3A_275 : memref<1x12800xf32, #tpu.memory_space<hbm>>) dst(%arg9 : memref<1x12800xf32, #tpu.memory_space<vmem>>)
      %parallel_loop3A_276 = arith.constant 0 : i32
      %parallel_loop3A_277 = arith.constant 12800 : i32
      %parallel_loop3A_278 = arith.constant 16 : i32
      scf.for %parallel_loop3A_296 = %parallel_loop3A_276 to %parallel_loop3A_277 step %parallel_loop3A_278  : i32 {
        %parallel_loop3A_297 = arith.constant 25600 : i32
        %parallel_loop3A_298 = arith.addi %parallel_loop3A_297, %parallel_loop3A_296 : i32
        %parallel_loop3A_299 = arith.index_cast %parallel_loop3A_298 : i32 to index
        %parallel_loop3A_300 = tpu.vector_load %arg8[%parallel_loop3A_299] {strides = array<i32>} : memref<51200xi32, #tpu.memory_space<vmem>>, vector<16xi32>,
        %parallel_loop3A_301 = tpu.vector_load_idx %arg13[%parallel_loop3A_300] : memref<1024xf32, #tpu.memory_space<vmem>>[vector<16xi32>], vector<16xf32>,
        %parallel_loop3A_302 = arith.constant 0 : i32
        %parallel_loop3A_303 = arith.index_cast %parallel_loop3A_302 : i32 to index
        %parallel_loop3A_304 = arith.index_cast %parallel_loop3A_296 : i32 to index
        %parallel_loop3A_305 = tpu.vector_load %arg9[%parallel_loop3A_303, %parallel_loop3A_304] {strides = array<i32>} : memref<1x12800xf32, #tpu.memory_space<vmem>>, vector<16xf32>,
        tpu.vector_store %arg9[%parallel_loop3A_303, %parallel_loop3A_304], %parallel_loop3A_301 {strides = array<i32>} : memref<1x12800xf32, #tpu.memory_space<vmem>>, vector<16xf32>,
      } {sc.loop_unroll_factor = 16 : i64, sc.parallel_access}
      %dma_start3A_279 = arith.constant 25600 : i32
      %dma_start3A_280 = tpu.memref_slice %arg6[%add3A_193, %dma_start3A_279] : memref<1000x51200xf32, #tpu.memory_space<hbm>> -> memref<1x12800xf32, #tpu.memory_space<hbm>>
      %dma_start3A_281 = arith.constant 25600 : i32
      %dma_start3A_282 = tpu.memref_slice %arg6[%add3A_193, %dma_start3A_281] : memref<1000x51200xf32, #tpu.memory_space<hbm>> -> memref<1x12800xf32, #tpu.memory_space<hbm>>
      tpu.enqueue_dma source(%arg9 : memref<1x12800xf32, #tpu.memory_space<vmem>>) target(%dma_start3A_282 : memref<1x12800xf32, #tpu.memory_space<hbm>>) target_semaphore(%arg22 : memref<!tpu.dma_semaphore, #tpu.memory_space<semaphore_mem>>)
      %dma_wait3A_283 = arith.constant 0 : i32
      %dma_wait3A_284 = arith.constant 0 : i32
      %dma_wait3A_285 = tpu.memref_slice %arg6[%dma_wait3A_283, %dma_wait3A_284] : memref<1000x51200xf32, #tpu.memory_space<hbm>> -> memref<1x12800xf32, #tpu.memory_space<hbm>>
      %dma_wait3A_286 = arith.constant 0 : i32
      %dma_wait3A_287 = arith.constant 0 : i32
      %dma_wait3A_288 = tpu.memref_slice %arg6[%dma_wait3A_286, %dma_wait3A_287] : memref<1000x51200xf32, #tpu.memory_space<hbm>> -> memref<1x12800xf32, #tpu.memory_space<hbm>>
      tpu.wait_dma2 semaphore(%arg23 : memref<!tpu.dma_semaphore, #tpu.memory_space<semaphore_mem>>) src(%dma_wait3A_288 : memref<1x12800xf32, #tpu.memory_space<hbm>>) dst(%arg10 : memref<1x12800xf32, #tpu.memory_space<vmem>>)
      %parallel_loop3A_289 = arith.constant 0 : i32
      %parallel_loop3A_290 = arith.constant 12800 : i32
      %parallel_loop3A_291 = arith.constant 16 : i32
      scf.for %parallel_loop3A_296 = %parallel_loop3A_289 to %parallel_loop3A_290 step %parallel_loop3A_291  : i32 {
        %parallel_loop3A_297 = arith.constant 38400 : i32
        %parallel_loop3A_298 = arith.addi %parallel_loop3A_297, %parallel_loop3A_296 : i32
        %parallel_loop3A_299 = arith.index_cast %parallel_loop3A_298 : i32 to index
        %parallel_loop3A_300 = tpu.vector_load %arg8[%parallel_loop3A_299] {strides = array<i32>} : memref<51200xi32, #tpu.memory_space<vmem>>, vector<16xi32>,
        %parallel_loop3A_301 = tpu.vector_load_idx %arg13[%parallel_loop3A_300] : memref<1024xf32, #tpu.memory_space<vmem>>[vector<16xi32>], vector<16xf32>,
        %parallel_loop3A_302 = arith.constant 0 : i32
        %parallel_loop3A_303 = arith.index_cast %parallel_loop3A_302 : i32 to index
        %parallel_loop3A_304 = arith.index_cast %parallel_loop3A_296 : i32 to index
        %parallel_loop3A_305 = tpu.vector_load %arg10[%parallel_loop3A_303, %parallel_loop3A_304] {strides = array<i32>} : memref<1x12800xf32, #tpu.memory_space<vmem>>, vector<16xf32>,
        tpu.vector_store %arg10[%parallel_loop3A_303, %parallel_loop3A_304], %parallel_loop3A_301 {strides = array<i32>} : memref<1x12800xf32, #tpu.memory_space<vmem>>, vector<16xf32>,
      } {sc.loop_unroll_factor = 16 : i64, sc.parallel_access}
      %dma_start3A_292 = arith.constant 38400 : i32
      %dma_start3A_293 = tpu.memref_slice %arg6[%add3A_193, %dma_start3A_292] : memref<1000x51200xf32, #tpu.memory_space<hbm>> -> memref<1x12800xf32, #tpu.memory_space<hbm>>
      %dma_start3A_294 = arith.constant 38400 : i32
      %dma_start3A_295 = tpu.memref_slice %arg6[%add3A_193, %dma_start3A_294] : memref<1000x51200xf32, #tpu.memory_space<hbm>> -> memref<1x12800xf32, #tpu.memory_space<hbm>>
      tpu.enqueue_dma source(%arg10 : memref<1x12800xf32, #tpu.memory_space<vmem>>) target(%dma_start3A_295 : memref<1x12800xf32, #tpu.memory_space<hbm>>) target_semaphore(%arg23 : memref<!tpu.dma_semaphore, #tpu.memory_space<semaphore_mem>>)
    } else {
    }
    %dma_wait3A_204 = arith.constant 0 : i32
    %dma_wait3A_205 = arith.constant 0 : i32
    %dma_wait3A_206 = tpu.memref_slice %arg6[%dma_wait3A_204, %dma_wait3A_205] : memref<1000x51200xf32, #tpu.memory_space<hbm>> -> memref<1x12800xf32, #tpu.memory_space<hbm>>
    %dma_wait3A_207 = arith.constant 0 : i32
    %dma_wait3A_208 = arith.constant 0 : i32
    %dma_wait3A_209 = tpu.memref_slice %arg6[%dma_wait3A_207, %dma_wait3A_208] : memref<1000x51200xf32, #tpu.memory_space<hbm>> -> memref<1x12800xf32, #tpu.memory_space<hbm>>
    tpu.wait_dma2 semaphore(%arg22 : memref<!tpu.dma_semaphore, #tpu.memory_space<semaphore_mem>>) src(%dma_wait3A_209 : memref<1x12800xf32, #tpu.memory_space<hbm>>) dst(%arg9 : memref<1x12800xf32, #tpu.memory_space<vmem>>)
    %dma_wait3A_210 = arith.constant 0 : i32
    %dma_wait3A_211 = arith.constant 0 : i32
    %dma_wait3A_212 = tpu.memref_slice %arg6[%dma_wait3A_210, %dma_wait3A_211] : memref<1000x51200xf32, #tpu.memory_space<hbm>> -> memref<1x12800xf32, #tpu.memory_space<hbm>>
    %dma_wait3A_213 = arith.constant 0 : i32
    %dma_wait3A_214 = arith.constant 0 : i32
    %dma_wait3A_215 = tpu.memref_slice %arg6[%dma_wait3A_213, %dma_wait3A_214] : memref<1000x51200xf32, #tpu.memory_space<hbm>> -> memref<1x12800xf32, #tpu.memory_space<hbm>>
    tpu.wait_dma2 semaphore(%arg23 : memref<!tpu.dma_semaphore, #tpu.memory_space<semaphore_mem>>) src(%dma_wait3A_215 : memref<1x12800xf32, #tpu.memory_space<hbm>>) dst(%arg10 : memref<1x12800xf32, #tpu.memory_space<vmem>>)
    %dma_wait3A_216 = arith.constant 0 : i32
    %dma_wait3A_217 = arith.constant 0 : i32
    %dma_wait3A_218 = tpu.memref_slice %arg6[%dma_wait3A_216, %dma_wait3A_217] : memref<1000x51200xf32, #tpu.memory_space<hbm>> -> memref<1x12800xf32, #tpu.memory_space<hbm>>
    %dma_wait3A_219 = arith.constant 0 : i32
    %dma_wait3A_220 = arith.constant 0 : i32
    %dma_wait3A_221 = tpu.memref_slice %arg6[%dma_wait3A_219, %dma_wait3A_220] : memref<1000x51200xf32, #tpu.memory_space<hbm>> -> memref<1x12800xf32, #tpu.memory_space<hbm>>
    tpu.wait_dma2 semaphore(%arg24 : memref<!tpu.dma_semaphore, #tpu.memory_space<semaphore_mem>>) src(%dma_wait3A_221 : memref<1x12800xf32, #tpu.memory_space<hbm>>) dst(%arg11 : memref<1x12800xf32, #tpu.memory_space<vmem>>)
    %dma_wait3A_222 = arith.constant 0 : i32
    %dma_wait3A_223 = arith.constant 0 : i32
    %dma_wait3A_224 = tpu.memref_slice %arg6[%dma_wait3A_222, %dma_wait3A_223] : memref<1000x51200xf32, #tpu.memory_space<hbm>> -> memref<1x12800xf32, #tpu.memory_space<hbm>>
    %dma_wait3A_225 = arith.constant 0 : i32
    %dma_wait3A_226 = arith.constant 0 : i32
    %dma_wait3A_227 = tpu.memref_slice %arg6[%dma_wait3A_225, %dma_wait3A_226] : memref<1000x51200xf32, #tpu.memory_space<hbm>> -> memref<1x12800xf32, #tpu.memory_space<hbm>>
    tpu.wait_dma2 semaphore(%arg25 : memref<!tpu.dma_semaphore, #tpu.memory_space<semaphore_mem>>) src(%dma_wait3A_227 : memref<1x12800xf32, #tpu.memory_space<hbm>>) dst(%arg12 : memref<1x12800xf32, #tpu.memory_space<vmem>>)
    %dma_wait3A_228 = arith.constant 0 : i32
    %dma_wait3A_229 = tpu.memref_slice %arg4[%dma_wait3A_228] : memref<1024000xf32, #tpu.memory_space<hbm>> -> memref<1024000xf32, #tpu.memory_space<hbm>>
    tpu.wait_indirect_dma semaphore(%arg26 : memref<!tpu.dma_semaphore, #tpu.memory_space<semaphore_mem>>) src(%dma_wait3A_229 : memref<1024000xf32, #tpu.memory_space<hbm>>) dst(%arg18 : memref<1600xf32, #tpu.memory_space<vmem>>)
    %broadcast_in_dim3A = arith.constant 0.000000e+00 : f32
    %broadcast_in_dim3A_230 = vector.broadcast %broadcast_in_dim3A : f32 to vector<16xf32>
    %parallel_loop3A_231 = arith.constant 0 : i32
    %parallel_loop3A_232 = arith.constant 1600 : i32
    %parallel_loop3A_233 = arith.constant 16 : i32
    %parallel_loop3A_234 = scf.for %parallel_loop3A_236 = %parallel_loop3A_231 to %parallel_loop3A_232 step %parallel_loop3A_233 iter_args(%parallel_loop3A_237 = %broadcast_in_dim3A_230) -> (vector<16xf32>)  : i32 {
      %parallel_loop3A_238 = arith.addi %mul3A_11, %parallel_loop3A_236 : i32
      %parallel_loop3A_239 = arith.index_cast %parallel_loop3A_238 : i32 to index
      %parallel_loop3A_240 = tpu.vector_load %arg8[%parallel_loop3A_239] {strides = array<i32>} : memref<51200xi32, #tpu.memory_space<vmem>>, vector<16xi32>,
      %parallel_loop3A_241 = tpu.vector_load_idx %arg15[%parallel_loop3A_240] : memref<1000xf32, #tpu.memory_space<vmem>>[vector<16xi32>], vector<16xf32>,
      %parallel_loop3A_242 = arith.index_cast %parallel_loop3A_236 : i32 to index
      %parallel_loop3A_243 = tpu.vector_load %arg18[%parallel_loop3A_242] {strides = array<i32>} : memref<1600xf32, #tpu.memory_space<vmem>>, vector<16xf32>,
      %parallel_loop3A_244 = arith.subf %parallel_loop3A_241, %parallel_loop3A_243 : vector<16xf32>
      %parallel_loop3A_245 = arith.addf %parallel_loop3A_237, %parallel_loop3A_244 : vector<16xf32>
      scf.yield %parallel_loop3A_245 : vector<16xf32>
    } {sc.loop_unroll_factor = 4 : i64, sc.parallel_access}
    %swap3A = arith.constant 0 : index
    %swap3A_235 = tpu.vector_load %arg19[%swap3A] {strides = array<i32>} : memref<16xf32, #tpu.memory_space<vmem>>, vector<16xf32>,
    tpu.vector_store %arg19[%swap3A], %parallel_loop3A_234 {strides = array<i32>} : memref<16xf32, #tpu.memory_space<vmem>>, vector<16xf32>,
    "tpu.region"() ({
      %run_scoped3A = tpu.sem_alloc : memref<!tpu.dma_semaphore, #tpu.memory_space<semaphore_mem>>
      %dma_start3A_236 = arith.constant 0 : i32
      %dma_start3A_237 = tpu.memref_slice %arg7[%add3A, %dma_start3A_236] : memref<32x16xf32, #tpu.memory_space<hbm>> -> memref<1x16xf32, #tpu.memory_space<hbm>>
      %dma_start3A_238 = tpu.memref_squeeze %dma_start3A_237 : memref<1x16xf32, #tpu.memory_space<hbm>> -> memref<16xf32, #tpu.memory_space<hbm>>
      %dma_start3A_239 = arith.constant 0 : i32
      %dma_start3A_240 = tpu.memref_slice %arg7[%add3A, %dma_start3A_239] : memref<32x16xf32, #tpu.memory_space<hbm>> -> memref<1x16xf32, #tpu.memory_space<hbm>>
      %dma_start3A_241 = tpu.memref_squeeze %dma_start3A_240 : memref<1x16xf32, #tpu.memory_space<hbm>> -> memref<16xf32, #tpu.memory_space<hbm>>
      tpu.enqueue_dma source(%arg19 : memref<16xf32, #tpu.memory_space<vmem>>) target(%dma_start3A_241 : memref<16xf32, #tpu.memory_space<hbm>>) target_semaphore(%run_scoped3A : memref<!tpu.dma_semaphore, #tpu.memory_space<semaphore_mem>>)
      %dma_wait3A_242 = arith.constant 0 : i32
      %dma_wait3A_243 = tpu.memref_slice %arg7[%add3A, %dma_wait3A_242] : memref<32x16xf32, #tpu.memory_space<hbm>> -> memref<1x16xf32, #tpu.memory_space<hbm>>
      %dma_wait3A_244 = tpu.memref_squeeze %dma_wait3A_243 : memref<1x16xf32, #tpu.memory_space<hbm>> -> memref<16xf32, #tpu.memory_space<hbm>>
      %dma_wait3A_245 = arith.constant 0 : i32
      %dma_wait3A_246 = tpu.memref_slice %arg7[%add3A, %dma_wait3A_245] : memref<32x16xf32, #tpu.memory_space<hbm>> -> memref<1x16xf32, #tpu.memory_space<hbm>>
      %dma_wait3A_247 = tpu.memref_squeeze %dma_wait3A_246 : memref<1x16xf32, #tpu.memory_space<hbm>> -> memref<16xf32, #tpu.memory_space<hbm>>
      tpu.wait_dma2 semaphore(%run_scoped3A : memref<!tpu.dma_semaphore, #tpu.memory_space<semaphore_mem>>) src(%arg19 : memref<16xf32, #tpu.memory_space<vmem>>) dst(%dma_wait3A_247 : memref<16xf32, #tpu.memory_space<hbm>>)
      tpu.yield
    }) : () -> ()
    return
  }
}

module attributes {stable_mosaic.version = 14 : i64} {
  func.func @_lse_body(%arg0: memref<1000x1000xf32, #tpu.memory_space<vmem>>, %arg1: memref<1000xf32, #tpu.memory_space<vmem>>) attributes {dimension_semantics = [], scalar_prefetch = 0 : i64, scratch_operands = 0 : i64, tpu.core_type = #tpu.core_type<tc>} {
    %get3A = arith.constant 0 : index
    %get3A_0 = arith.constant 0 : index
    %get3A_1 = vector.load %arg0[%get3A, %get3A_0] : memref<1000x1000xf32, #tpu.memory_space<vmem>>, vector<1000x1000xf32>
    %reduce_max3A = arith.constant dense<0xFF800000> : vector<1000xf32>
    %reduce_max3A_2 = vector.multi_reduction <maximumf>, %get3A_1, %reduce_max3A [1] : vector<1000x1000xf32> to vector<1000xf32>
    %broadcast_in_dim3A = vector.shape_cast %reduce_max3A_2 : vector<1000xf32> to vector<1000x1xf32>
    %sub3A = vector.broadcast %broadcast_in_dim3A : vector<1000x1xf32> to vector<1000x1000xf32>
    %sub3A_3 = arith.subf %get3A_1, %sub3A : vector<1000x1000xf32>
    %exp3A = math.exp %sub3A_3 : vector<1000x1000xf32>
    %reduce_sum3A = arith.constant dense<0.000000e+00> : vector<1000xf32>
    %reduce_sum3A_4 = vector.multi_reduction <add>, %exp3A, %reduce_sum3A [1] : vector<1000x1000xf32> to vector<1000xf32>
    %log3A = math.log %reduce_sum3A_4 : vector<1000xf32>
    %add3A = arith.addf %reduce_max3A_2, %log3A : vector<1000xf32>
    %swap3A = arith.constant 0 : index
    %swap3A_5 = vector.load %arg1[%swap3A] : memref<1000xf32, #tpu.memory_space<vmem>>, vector<1000xf32>
    tpu.vector_store %arg1[%swap3A], %add3A {strides = array<i32>} : memref<1000xf32, #tpu.memory_space<vmem>>, vector<1000xf32>,
    return
  }
}

module attributes {stable_mosaic.version = 14 : i64} {
  func.func @_loss_body(%arg0: memref<32x16xf32, #tpu.memory_space<vmem>>, %arg1: memref<1x1xf32, #tpu.memory_space<smem>>) attributes {dimension_semantics = [], scalar_prefetch = 0 : i64, scratch_operands = 0 : i64, tpu.core_type = #tpu.core_type<tc>} {
    %get3A = arith.constant 0 : index
    %get3A_0 = arith.constant 0 : index
    %get3A_1 = vector.load %arg0[%get3A, %get3A_0] : memref<32x16xf32, #tpu.memory_space<vmem>>, vector<32x16xf32>
    %reduce_sum3A = vector.shape_cast %get3A_1 : vector<32x16xf32> to vector<1x32x16xf32>
    %reduce_sum3A_2 = arith.constant dense<0.000000e+00> : vector<1xf32>
    %reduce_sum3A_3 = vector.multi_reduction <add>, %reduce_sum3A, %reduce_sum3A_2 [1, 2] : vector<1x32x16xf32> to vector<1xf32>
    %reduce_sum3A_4 = vector.shape_cast %reduce_sum3A_3 : vector<1xf32> to vector<1x1x1xf32>
    %reduce_sum3A_5 = vector.extract %reduce_sum3A_4[0, 0, 0] : f32 from vector<1x1x1xf32>
    %mul3A = arith.constant 1.95312496E-5 : f32
    %mul3A_6 = arith.mulf %reduce_sum3A_5, %mul3A : f32
    %swap3A = arith.constant 0 : index
    %swap3A_7 = arith.constant 0 : index
    %swap3A_8 = memref.load %arg1[%swap3A, %swap3A_7] : memref<1x1xf32, #tpu.memory_space<smem>>
    memref.store %mul3A_6, %arg1[%swap3A, %swap3A_7] : memref<1x1xf32, #tpu.memory_space<smem>>
    return
  }
}

</mosaic_0001>

<sc_bundles>
// kernel: kernel.5.cloned.1.call-start
scs
__scs_entry_jumppad:
0x0: {  	(pc) =	sbr.rel $0x88, $3  }
0x1: {  	(tag) =	ssettag $0x0;
	lr =	simm.s32 $0x1  }
0x2: {  	[smem:$0x3F9E] =	sst lr;
	_ =	strace $0xD0000000  }
0x3: {  	_ = 	snop  }
0x4: {  	_ = 	snop  }
0x5: {  	_ = 	snop  }
0x6: {  	_ = 	snop  }
0x7: {  	_ = 	snop  }
__scs_overlays_trampoline_lowered:
0x8: {  	[smem:$0x3FAD] =	sst s0  }
0x9: {  	[smem:$0x3FAE] =	sst s1  }
0xa: {  	[smem:$0x3FAF] =	sst s2  }
0xb: {  	[smem:$0x3FB0] =	sst s3  }
0xc: {  	[smem:$0x3FB1] =	sst s4  }
0xd: {  	[smem:$0x3FB2] =	sst s5  }
0xe: {  	[smem:$0x3FB3] =	sst s6  }
0xf: {  	[smem:$0x3FB4] =	sst s7  }
0x10: {  	[smem:$0x3FB5] =	sst s8  }
0x11: {  	[smem:$0x3FB6] =	sst s9;
	s0 =	simm.s32 @!p0 $0x0  }
0x12: {  	s1 =	sld [smem:$0x3F9C];
	s0 =	simm.s32 @p0 $0x1  }
0x13: {  	[smem:$0x3FB7] =	sst s0;
	s0 =	simm.s32 @!p1 $0x0  }
0x14: {  	s2 =	sld [smem:$0x3F9B];
	s0 =	simm.s32 @p1 $0x1  }
0x15: {  	[smem:$0x3FB8] =	sst s0;
	s0 =	simm.s32 @!p2 $0x0  }
0x16: {  	s3 =	sld [smem:$0x3FDB];
	s0 =	simm.s32 @p2 $0x1  }
0x17: {  	s4 =	simm.s32 $0x1BF5;
	[smem:$0x3FBA] =	sst s0  }
0x18: {  	s0 =	sld [smem:$0x3F9D];
	_ =	swait.ge [sflag:s4], $0x0  }
0x19: {  	s7 =	sld [smem:$0x3F9E]  }
0x1a: {  	s8 =	sadd.s32 $0xFFFFE003, lr  }
0x1b: {  	s9 =	sadd.s32 $0xFFFFFEF7, lr;
	s5 =	simm.s32 $0xFFFFFFFF;
	p2 =	slt.u32 s8, $0xFFFFF086  }
0x1c: {  	p1 =	slt.u32 s9, $0xF7A;
	s5 =	simm.s32 @!p2 $0x0  }
0x1d: {  	s5 =	simm.s32 @p1 $0x1;
	p0 =	seq.s32 s7, s2  }
0x1e: {  	s7 =	smul.u32 @!p0 $0xF7A, s2;
	p2 =	seq.s32 @!p0 s5, $0x0  }
0x1f: {  	s9 =	smul.u32 $0xF7A, s1;
	s8 =	simm.s32 @!p0 $0x1BF5;
	p2 =	por !p2, p0  }
0x20: {  	[sflag:s8] =	ssyncset.s32 @!p0 $0xFFFFF086;
	s6 =	sadd.s32 @!p0 s3, s7;
	s7 =	simm.s32 @!p0 $0x108  }
0x21: {  	s3 =	sadd.s32 s3, s9;
	s6 =	sadd.s32 @!p0 $0x88, s6;
	s7 =	simm.s32 @p2 $0x1082  }
0x22: {  	[simem:s7], [sflag:s8] =	dma.local @!p0 [hbm:s6], $0xF7A  }
0x23: {  	s9 =	sor.u32 $0xD0000000, s2;
	s6 =	simm.s32 $0x108;
	_ =	swait.ge @!p0 [sflag:s8], $0x0  }
0x24: {  	s3 =	sadd.s32 $0x88, s3;
	s6 =	simm.s32 @!p1 $0x1082;
	[sflag:s4] =	ssyncset.s32 $0xFFFFF086  }
0x25: {  	[simem:s6], [sflag:s4] =	dma.local [hbm:s3], $0xF7A  }
0x26: {  	[smem:$0x3F9E] =	sst s1;
	(tag) =	ssettag s2;
	_ =	strace s9  }
0x27: {  	s1 =	sld [smem:$0x3FAE]  }
0x28: {  	s2 =	sld [smem:$0x3FAF]  }
0x29: {  	s4 =	sld [smem:$0x3FB1]  }
0x2a: {  	p0 =	seq.s32 s5, $0x0;
	s5 =	sld [smem:$0x3FB2]  }
0x2b: {  	s6 =	sld [smem:$0x3FB3]  }
0x2c: {  	s7 =	sld [smem:$0x3FB4]  }
0x2d: {  	s3 =	simm.s32 $0x108;
	s8 =	sld [smem:$0x3FB5]  }
0x2e: {  	s3 =	simm.s32 @!p0 $0x1082;
	s9 =	sld [smem:$0x3FB6]  }
0x2f: {  	lr =	sadd.s32 s0, s3;
	s0 =	sld [smem:$0x3FAD]  }
0x30: {  	s3 =	sld [smem:$0x3FB0]  }
0x31: {  	[smem:$0x3FB9] =	sst s10  }
0x32: {  	s10 =	sld [smem:$0x3FB7];
	_ =	sdelay $0x3  }
0x33: {  	p0 =	seq.s32 s10, $0x1;
	s10 =	sld [smem:$0x3FB9];
	_ =	sdelay $0x3  }
0x34: {  	[smem:$0x3FB9] =	sst s10  }
0x35: {  	s10 =	sld [smem:$0x3FB8];
	_ =	sdelay $0x3  }
0x36: {  	p1 =	seq.s32 s10, $0x1;
	s10 =	sld [smem:$0x3FB9];
	_ =	sdelay $0x3  }
0x37: {  	[smem:$0x3FB9] =	sst s10  }
0x38: {  	s10 =	sld [smem:$0x3FBA]  }
0x39: {  	_ = 	snop;
	(pc) =	sbr.ind lr, $3  }
0x3a: {  	_ = 	snop  }
0x3b: {  	_ = 	snop  }
0x3c: {  	p2 =	seq.s32 s10, $0x1;
	s10 =	sld [smem:$0x3FB9]  }
0x3d: {  	_ =	shalt  }
0x3e: {  	_ =	shalt  }
0x3f: {  	_ =	shalt  }
0x40: {  	_ =	shalt  }
0x41: {  	_ =	shalt  }
0x42: {  	_ =	shalt  }
0x43: {  	_ =	shalt  }
0x44: {  	_ =	shalt  }
0x45: {  	_ =	shalt  }
0x46: {  	_ =	shalt  }
0x47: {  	_ =	shalt  }
0x48: {  	_ =	shalt  }
0x49: {  	_ =	shalt  }
0x4a: {  	_ =	shalt  }
0x4b: {  	_ =	shalt  }
0x4c: {  	_ =	shalt  }
0x4d: {  	_ =	shalt  }
0x4e: {  	_ =	shalt  }
0x4f: {  	_ =	shalt  }
0x50: {  	_ =	shalt  }
0x51: {  	_ =	shalt  }
0x52: {  	_ =	shalt  }
0x53: {  	_ =	shalt  }
0x54: {  	_ =	shalt  }
0x55: {  	_ =	shalt  }
0x56: {  	_ =	shalt  }
0x57: {  	_ =	shalt  }
0x58: {  	_ =	shalt  }
0x59: {  	_ =	shalt  }
0x5a: {  	_ =	shalt  }
0x5b: {  	_ =	shalt  }
0x5c: {  	_ =	shalt  }
0x5d: {  	_ =	shalt  }
0x5e: {  	_ =	shalt  }
0x5f: {  	_ =	shalt  }
0x60: {  	_ =	shalt  }
0x61: {  	_ =	shalt  }
0x62: {  	_ =	shalt  }
0x63: {  	_ =	shalt  }
0x64: {  	_ =	shalt  }
0x65: {  	_ =	shalt  }
0x66: {  	_ =	shalt  }
0x67: {  	_ =	shalt  }
0x68: {  	_ =	shalt  }
0x69: {  	_ =	shalt  }
0x6a: {  	_ =	shalt  }
0x6b: {  	_ =	shalt  }
0x6c: {  	_ =	shalt  }
0x6d: {  	_ =	shalt  }
0x6e: {  	_ =	shalt  }
0x6f: {  	_ =	shalt  }
0x70: {  	_ =	shalt  }
0x71: {  	_ =	shalt  }
0x72: {  	_ =	shalt  }
0x73: {  	_ =	shalt  }
0x74: {  	_ =	shalt  }
0x75: {  	_ =	shalt  }
0x76: {  	_ =	shalt  }
0x77: {  	_ =	shalt  }
0x78: {  	_ =	shalt  }
0x79: {  	_ =	shalt  }
0x7a: {  	_ =	shalt  }
0x7b: {  	_ =	shalt  }
0x7c: {  	_ =	shalt  }
0x7d: {  	_ =	shalt  }
0x7e: {  	_ =	shalt  }
0x7f: {  	_ =	shalt  }
0x80: {  	_ =	shalt  }
0x81: {  	_ =	shalt  }
0x82: {  	_ =	shalt  }
0x83: {  	_ =	shalt  }
0x84: {  	_ =	shalt  }
0x85: {  	_ =	shalt  }
0x86: {  	_ =	shalt  }
0x87: {  	_ =	shalt  }
.Lfunc_end0:
.L_simem_size_0:
called_computation_lowered:
.L_overlay_start_0:
0x88: {  	s2 =	sld [smem:$0x3FD9]  }
0x89: {  	s3 =	sld [smem:$0x3FFE];
	_ =	sdelay $0x1  }
0x8a: {  	s1 =	srdreg.scid  }
0x8b: {  	s0 =	sand.u32 $0x1, s1  }
0x8c: {  	s14 =	sshll.u32 s0, $0xA;
	s2 =	sadd.s32 s3, s2  }
0x8d: {  	s2 =	sadd.s32 s2, s14  }
0x8e: {  	[smem:$0x3FC5] =	sst s2  }
0x8f: {  	_ = 	snop  }
0x90: {  	s2 =	sld [smem:$0x3FD0];
	_ =	sdelay $0x2  }
0x91: {  	s15 =	simm.s32 $0xA;
	s4 =	simm.s32 $0x10  }
0x92: {  	[smem:s4], [sflag:s15] =	dma.local [hbm:s2], $0x1  }
0x93: {  	_ =	swait.eq [sflag:s15], $0x1  }
0x94: {  	[sflag:s15] =	ssyncset.done $0x0  }
0x95: {  	[sflag:s15] =	ssyncadd.s32 $0xFFFFFFFF  }
0x96: {  	s16 =	sld [smem:$0x10];
	(tm) =	ssettm $0x1  }
0x97: {  	s17 =	sld [smem:$0x3FFB];
	_ =	sdelay $0x3  }
0x98: {  	_ =	strace s17  }
0x99: {  	s3 =	sld [smem:$0x3FFC];
	_ =	sdelay $0x3  }
0x9a: {  	_ =	strace s3  }
0x9b: {  	s3 =	sld [smem:$0x3FFD];
	_ =	sdelay $0x3  }
0x9c: {  	_ =	strace s3  }
0x9d: {  	_ =	strace $0x8FFFFFFF  }
0x9e: {  	s18 =	sld [smem:$0x3FDB];
	_ =	sdelay $0x1  }
0x9f: {  	s19 =	simm.s32 $_scs_section_size  }
0xa0: {  	s5 =	simm.s32 $_size__tile_overlayer_lowered;
	s6 =	simm.s32 $_tile_overlayer_lowered  }
0xa1: {  	s22 =	simm.s32 $0x1BFF;
	s21 =	sshll.u32 s6, $0x1;
	s3 =	sadd.s32 s19, s18  }
0xa2: {  	s7 =	simm.s32 $0x0;
	s20 =	sshll.u32 s5, $0x1;
	s5 =	sadd.s32 s21, s3  }
0xa3: {  	[timem:s7], [sflag:s22] =	dma.local [hbm:s5], s20  }
0xa4: {  	_ =	swait.ge [sflag:s22], s20  }
0xa5: {  	s4 =	ssub.s32 $0x0, s20;
	[sflag:s22] =	ssyncset.done $0x0  }
0xa6: {  	[sflag:s22] =	ssyncadd.s32 s4;
	_ =	sdelay $0x1  }
0xa7: {  	s23 =	simm.s32 $0x1B8B  }
0xa8: {  	_ =	swait.ge [sflag:s23], $0x1  }
0xa9: {  	[sflag:s23] =	ssyncset.done $0x0  }
0xaa: {  	s25 =	simm.s32 $0x1B8E;
	s24 =	sld [smem:$0x3FFE];
	[sflag:s23] =	ssyncadd.s32 $0xFFFFFFFF  }
0xab: {  	s26 =	simm.s32 $execute0_lowered;
	[smem:$0x3FD2] =	sst s25  }
0xac: {  	s5 =	sshll.u32 s26, $0x1;
	_ =	strace $0x80000046;
	[dreg:$0x1] =	wrdreg $0xFFFFFFFF  }
0xad: {  	s28 =	simm.s32 $_size_execute0_lowered;
	s3 =	sadd.s32 s3, s5;
	[dreg:$0x0] =	wrdreg $0x0  }
0xae: {  	s5 =	sshll.u32 s28, $0x1;
	[dreg:$0x2] =	wrdreg s3  }
0xaf: {  	[dreg:$0x3] =	wrdreg s5  }
0xb0: {  	[dreg:$0x4] =	wrdreg $0xC0  }
0xb1: {  	_ =	task [dreg:s7], $0x5FFFF  }
0xb2: {  	[dreg:$0x1] =	wrdreg $0xFFFFFFFF  }
0xb3: {  	[dreg:$0x0] =	wrdreg $0x60  }
0xb4: {  	[dreg:$0x2] =	wrdreg s24  }
0xb5: {  	[dreg:$0x3] =	wrdreg s16  }
0xb6: {  	[dreg:$0x4] =	wrdreg $0x9  }
0xb7: {  	_ =	task.clear_ibuf [dreg:s7], $0x5FFFF;
	_ =	strace $0x90000046  }
0xb8: {  	s29 =	simm.s32 $0x9;
	_ =	strace $0x80000048  }
0xb9: {  	_ =	swait.ge [sflag:s29], $0x1  }
0xba: {  	[sflag:s29] =	ssyncadd.s32 $0xFFFFFFFF  }
0xbb: {  	_ =	strace $0x90000048  }
0xbc: {  	_ =	sfence  }
0xbd: {  	s30 =	sld [smem:$0x0];
	_ =	sdelay $0x2  }
0xbe: {  	s31 =	sshll.u32 s1, $0xD;
	s1 =	sshrl.u32 s1, $0x2  }
0xbf: {  	s3 =	sand.u32 $0x4000, s31;
	s1 =	sadd.s32 s1, s30  }
0xc0: {  	s0 =	sor.u32 s3, s0;
	s1 =	sshll.u32 s1, $0x11  }
0xc1: {  	s0 =	sor.u32 s1, s0  }
0xc2: {  	s0 =	sadd.s32 $0x8F2B, s0  }
0xc3: {  	[sflag:s0] =	ssyncadd.remote.s32 $0x1  }
0xc4: {  	_ =	sfence.sel $0xFFFF  }
0xc5: {  	[dreg:$0x0] =	wrdreg $0xFFFFFFFF;
	(pc) =	sbr.abs _section_cstart, $3  }
0xc6: {  	[dreg:$0x1] =	wrdreg $0xFFFFFFFF  }
0xc7: {  	_ =	task.clear_ibuf [dreg:s7], $0x2FFFF;
	_ =	strace $0x9FFFFFFF  }
0xc8: {  	(tm) =	ssettm $0x7FFFFFFF  }
0xc9: {  	_ =	shalt  }
tec
execute0_lowered:
.L_overlay_start_1:
0x0: {  	(tag) =	ssettag $0x1  }
0x1: {  	s0 =	rddreg [dreg:$0x0];
	s1 =	srdreg.scid  }
0x2: {  	s13 =	stileid.u32;
	s2 =	rddreg [dreg:$0x1];
	s4 =	simm.s32 $0x0  }
0x3: {  	s1 =	sand.u32 $0x1, s1;
	s3 =	sshll.u32 s13, $0x1;
	[smem:$0x7FF] =	sst s4  }
0x4: {  	s5 =	sadd.s32 $0x1400, s0;
	s6 =	sshrl.u32 s13, $0x2;
	s8 =	sadd.s32 $0x4800, s0  }
0x5: {  	s9 =	sadd.s32 $0x1200, s0;
	s7 =	sshll.u32 s6, $0xA;
	s6 =	smul.u32 $0x64000, s6  }
0x6: {  	s14 =	sor.u32 s1, s3;
	s18 =	ssub.s32 $0x2, s1;
	s1 =	smul.u32 $0x1900, s1  }
0x7: {  	p0 =	sgt.u32 s13, $0x3;
	[dreg:$0x3] =	wrdreg s3;
	s3 =	smul.u32 $0x640, s14  }
0x8: {  	_ =	strace $0x80000047;
	[dreg:$0x4] =	wrdreg s5;
	s17 =	sshll.u32 s14, $0x7  }
0x9: {  	[dreg:$0x5] =	wrdreg s9;
	s10 =	sor.u32 $0x20, s14;
	s11 =	sshrl.u32 s18, $0x1  }
0xa: {  	s15 =	sand.u32 $0x380, s17;
	s12 =	sshrl.u32 s10, $0x3;
	s20 =	sshll.u32 s10, $0x7  }
0xb: {  	s3 =	sshrl.u32 s3, $0x3;
	s7 =	sor.u32 s7, s15;
	s19 =	smul.u32 $0x64000, s12  }
0xc: {  	s6 =	sor.u32 s6, s15;
	s5 =	sadd.s32 s8, s20;
	s29 =	sor.u32 $0x1A9000, s15  }
0xd: {  	s30 =	sor.u32 $0x32000, s15;
	s31 =	sor.u32 $0x1C2000, s15;
	s28 =	smov.u32 s15  }
0xe: {  	s3 =	sadd.s32 s3, s0;
	s7 =	sshrl.u32 s7, $0x3;
	[dreg:$0x7] =	wrdreg s5  }
0xf: {  	s21 =	sshrl.u32 s6, $0x3;
	s24 =	sadd.s32 $0x19000, s6;
	s26 =	sadd.s32 $0x32000, s6  }
0x10: {  	s20 =	sadd.s32 $0x2EE0000, s6;
	s10 =	sadd.s32 $0x2F2B000, s6;
	s0 =	sadd.s32 s7, s0  }
0x11: {  	s7 =	ssub.s32 s18, s11;
	s11 =	sadd.s32 s8, s17;
	s9 =	sor.u32 s15, s19  }
0x12: {  	s3 =	sadd.s32 $0x2E00, s3;
	s22 =	sadd.s32 s2, s21;
	s12 =	sshrl.u32 s26, $0x3  }
0x13: {  	s17 =	smul.u32 $0x3200, s13;
	s18 =	sadd.s32 $0x4B000, s6;
	[dreg:$0x8] =	wrdreg s3  }
0x14: {  	s26 =	smov.u32 s14;
	s13 =	simm.s32 $0x1;
	[dreg:$0x9] =	wrdreg s22  }
0x15: {  	s23 =	sshrl.u32 s9, $0x3;
	s25 =	sadd.s32 $0x19000, s9;
	s16 =	sadd.s32 $0x32000, s9  }
0x16: {  	s19 =	sshrl.u32 s18, $0x3;
	s9 =	sadd.s32 $0x4B000, s9;
	s22 =	sshrl.u32 s20, $0x3  }
0x17: {  	s0 =	sadd.s32 $0x23C00, s0;
	[dreg:$0x6] =	wrdreg s11;
	s3 =	sadd.s32 s2, s23  }
0x18: {  	s5 =	sshrl.u32 s25, $0x3;
	s9 =	sshrl.u32 s9, $0x3;
	s1 =	sadd.s32 s1, s17  }
0x19: {  	s23 =	sadd.s32 $0x2EF9000, s6;
	s25 =	sshll.u32 s14, $0x4;
	[dreg:$0x1d] =	wrdreg s0  }
0x1a: {  	s0 =	sor.u32 $0x1DB000, s15;
	[dreg:$0xa] =	wrdreg s3;
	s5 =	sadd.s32 s2, s5  }
0x1b: {  	s3 =	sshrl.u32 s24, $0x3;
	s21 =	sadd.s32 s2, s9;
	[dreg:$0xc] =	wrdreg s5  }
0x1c: {  	s9 =	sadd.s32 s25, s2;
	s25 =	sor.u32 $0x19000, s15;
	[dreg:$0x10] =	wrdreg s21  }
0x1d: {  	s24 =	sadd.s32 $0x2F12000, s6;
	s3 =	sadd.s32 s2, s3;
	[smem:$0x7FD] =	sst s25  }
0x1e: {  	s1 =	sor.u32 $0x80, s1;
	s14 =	sadd.s32 $0x60E000, s9;
	[dreg:$0xb] =	wrdreg s3  }
0x1f: {  	s6 =	simm.s32 $0x19000;
	s17 =	sadd.s32 $0x611200, s9;
	[dreg:$0x15] =	wrdreg s14  }
0x20: {  	s5 =	sshrl.u32 s24, $0x3;
	s18 =	sadd.s32 $0x5E2400, s9;
	[dreg:$0x17] =	wrdreg s17  }
0x21: {  	s20 =	sadd.s32 $0x5E5600, s9;
	s21 =	smax.u32 s7, $0x1;
	[dreg:$0x19] =	wrdreg s18  }
0x22: {  	s24 =	sor.u32 $0x190000, s15;
	s25 =	simm.s32 $0x6;
	[dreg:$0x1b] =	wrdreg s20  }
0x23: {  	s7 =	simm.s32 $0x0;
	s3 =	sadd.s32 s2, s12;
	[dreg:$0x1e] =	wrdreg s21  }
0x24: {  	s5 =	sadd.s32 s2, s5;
	s12 =	sadd.s32 $0x5DC000, s9;
	[smem:$0x7FC] =	sst s24  }
0x25: {  	s14 =	simm.s32 $0x2;
	s17 =	simm.s32 $0xC800;
	[dreg:$0xd] =	wrdreg s3  }
0x26: {  	s18 =	simm.s32 $0x12C00;
	s20 =	simm.s32 $0x15E00;
	[dreg:$0x13] =	wrdreg s5  }
0x27: {  	s3 =	sshrl.u32 s16, $0x3;
	[dreg:$0x14] =	wrdreg s12;
	s16 =	sadd.s32 $0x5DF200, s9  }
0x28: {  	s5 =	sshrl.u32 s10, $0x3;
	s10 =	sshrl.u32 s1, $0x2;
	[dreg:$0x16] =	wrdreg s16  }
0x29: {  	s21 =	simm.s32 $0x3;
	s3 =	sadd.s32 s2, s3;
	[dreg:$0x1f] =	wrdreg s10  }
0x2a: {  	s24 =	simm.s32 $0x4;
	s5 =	sadd.s32 s2, s5;
	[dreg:$0xe] =	wrdreg s3  }
0x2b: {  	s1 =	sor.u32 $0x4B000, s15;
	s3 =	sadd.s32 s2, s19;
	[dreg:$0x18] =	wrdreg s5  }
0x2c: {  	s12 =	simm.s32 $0x19800;
	s19 =	sadd.s32 $0x614400, s9;
	[dreg:$0xf] =	wrdreg s3  }
0x2d: {  	s15 =	simm.s32 $0x80;
	s3 =	sadd.s32 s2, s22;
	[dreg:$0x1a] =	wrdreg s19  }
0x2e: {  	s16 =	simm.s32 $0x400;
	s22 =	sadd.s32 $0x2000, s11;
	[dreg:$0x11] =	wrdreg s3  }
0x2f: {  	s3 =	sshrl.u32 s23, $0x3;
	[smem:$0x7FA] =	sst s22;
	s23 =	sadd.s32 $0x3000, s11  }
0x30: {  	s5 =	simm.s32 $0x8;
	s3 =	sadd.s32 s2, s3;
	[smem:$0x7FB] =	sst s23  }
0x31: {  	s19 =	simm.s32 $0xFA00;
	[dreg:$0x12] =	wrdreg s3;
	s3 =	sadd.s32 $0x617600, s9  }
0x32: {  	s22 =	simm.s32 $0x5;
	s9 =	simm.s32 $0x19400;
	[dreg:$0x1c] =	wrdreg s3  }
.LBB2_1:
0x33: {  	[smem:$0x7F9] =	sst s7  }
0x34: {  	s3 =	rddreg [dreg:$0x6]  }
0x35: {  	[tilespmem:s6], [sflag:$0x1] =	stream.linear.gather [hbm4b:s3+s4], $0x400, $0x38;
	[tilespmem:$0x1B000] =	vst v63  }
0x36: {  	s7 =	rddreg [dreg:$0x7]  }
0x37: {  	[tilespmem:s9], [sflag:$0x2] =	stream.linear.gather [hbm4b:s7+s4], $0x400, $0x38;
	[tilespmem:$0x1B000] =	vst v63  }
0x38: {  	s11 =	rddreg [dreg:$0x4]  }
0x39: {  	[tilespmem:s4], [sflag:$0x8] =	stream.linear.gather [hbm4b:s11+s4], $0xC800, $0x38;
	[tilespmem:$0x1B000] =	vst v63  }
0x3a: {  	_ =	swait.ge [sflag:s5], $0xC800  }
0x3b: {  	[sflag:s5] =	ssyncset.done $0x0  }
0x3c: {  	s23 =	rddreg [dreg:$0x5];
	[sflag:s5] =	ssyncadd.s32 $0xFFFF3800  }
0x3d: {  	[tilespmem:s12], [sflag:$0x8] =	stream.linear.gather [hbm4b:s23+s4], $0x400, $0x38;
	[tilespmem:$0x1B000] =	vst v63  }
0x3e: {  	_ =	swait.ge [sflag:s5], $0x400  }
0x3f: {  	[sflag:s5] =	ssyncset.done $0x0  }
0x40: {  	s11 =	simm.s32 $0x19C00;
	s7 =	rddreg [dreg:$0x8];
	[sflag:s5] =	ssyncadd.s32 $0xFFFFFC00  }
0x41: {  	[tilespmem:s11], [sflag:$0x8] =	stream.linear.gather [hbm4b:s7+s4], $0x640, $0x38;
	[tilespmem:$0x1B000] =	vst v63  }
0x42: {  	_ =	swait.ge [sflag:s5], $0x640  }
0x43: {  	[sflag:s5] =	ssyncset.done $0x0  }
0x44: {  	s23 =	simm.s32 $0x19C20;
	[sflag:s5] =	ssyncadd.s32 $0xFFFFF9C0  }
0x45: {  	v3 =	vld [tilespmem:s23+$0x10]  }
0x46: {  	v4 =	vld [tilespmem:s10+$0x10]  }
0x47: {  	v5 =	vld [tilespmem:s23+$0xFFFFFFF0]  }
0x48: {  	v0 =	vld [tilespmem:s23+$0x0]  }
0x49: {  	v1 =	vld [tilespmem:s23+$0xFFFFFFE0]  }
0x4a: {  	v2 =	vld [tilespmem:s10+$0xFFFFFFE0];
	v6 =	vshll.u32 v3, $0xA  }
0x4b: {  	s3 =	simm.s32 $0x1A2A0;
	v3 =	vld [tilespmem:s10+$0xFFFFFFF0];
	v6 =	vadd.s32 v4, v6  }
0x4c: {  	s7 =	simm.s32 $0x19C60;
	s5 =	simm.s32 $0x0;
	v5 =	vshll.u32 v5, $0xA;
	v4 =	vld [tilespmem:s10+$0x0];
	[tilespmem:s3+$0x10] =	vst v6  }
.LBB2_2:
0x4d: {  	v6 =	vld [tilespmem:s7+$0x10];
	s5 =	sadd.s32 $0x40, s5;
	v7 =	vshll.u32 v0, $0xA;
	s10 =	sadd.s32 $0x40, s10  }
0x4e: {  	v8 =	vld [tilespmem:s10+$0x10];
	p1 =	slt.u32 s5, $0x600;
	v0 =	vshll.u32 v1, $0xA  }
0x4f: {  	v9 =	vld [tilespmem:s7+$0xFFFFFFF0];
	v1 =	vadd.s32 v2, v0  }
.Ltmp0:
0x50: {  	v0 =	vld [tilespmem:s7+$0x0];
	[tilespmem:s3+$0xFFFFFFE0] =	vst v1;
	v2 =	vadd.s32 v3, v5;
	(pc) =	sbr.rel @p1 .LBB2_2-.Ltmp0, $4  }
0x51: {  	v1 =	vld [tilespmem:s7+$0xFFFFFFE0];
	[tilespmem:s3+$0xFFFFFFF0] =	vst v2;
	v3 =	vadd.s32 v4, v7  }
0x52: {  	v2 =	vld [tilespmem:s10+$0xFFFFFFE0];
	v4 =	vshll.u32 v6, $0xA;
	[tilespmem:s3+$0x0] =	vst v3  }
0x53: {  	s3 =	sadd.s32 $0x40, s3;
	v3 =	vld [tilespmem:s10+$0xFFFFFFF0];
	v6 =	vadd.s32 v8, v4  }
0x54: {  	s7 =	sadd.s32 $0x40, s7;
	v5 =	vshll.u32 v9, $0xA;
	v4 =	vld [tilespmem:s10+$0x0];
	[tilespmem:s3+$0x10] =	vst v6  }
0x55: {  	_ = 	snop  }
0x56: {  	v1 =	vshll.u32 v1, $0xA  }
0x57: {  	v1 =	vadd.s32 v2, v1  }
0x58: {  	v0 =	vshll.u32 v0, $0xA;
	[tilespmem:s3+$0xFFFFFFE0] =	vst v1;
	v1 =	vadd.s32 v3, v5  }
0x59: {  	[tilespmem:s3+$0xFFFFFFF0] =	vst v1;
	v0 =	vadd.s32 v4, v0  }
0x5a: {  	s5 =	simm.s32 $0x1A280;
	s7 =	simm.s32 $0x1A900;
	[tilespmem:s3+$0x0] =	vst v0;
	s3 =	simm.s32 $0x80  }
0x5b: {  	[tilespmem:s7], [sflag:$0x7] =	stream.indirect.gather [hbm4b:s8+s3], $0x1, s5, s3, $0xb8;
	[tilespmem:$0x1B000] =	vst v63  }
0x5c: {  	s10 =	simm.s32 $0x1A980;
	s7 =	simm.s32 $0x1A300  }
0x5d: {  	[tilespmem:s10], [sflag:$0x7] =	stream.indirect.gather [hbm4b:s8+s3], $0x1, s7, s3, $0xb8;
	[tilespmem:$0x1B000] =	vst v63  }
0x5e: {  	s11 =	simm.s32 $0x1A380;
	s23 =	simm.s32 $0x1AA00  }
0x5f: {  	[tilespmem:s23], [sflag:$0x7] =	stream.indirect.gather [hbm4b:s8+s3], $0x1, s11, s3, $0xb8;
	[tilespmem:$0x1B000] =	vst v63  }
0x60: {  	s7 =	simm.s32 $0x1A400;
	s10 =	simm.s32 $0x1AA80  }
0x61: {  	[tilespmem:s10], [sflag:$0x7] =	stream.indirect.gather [hbm4b:s8+s3], $0x1, s7, s3, $0xb8;
	[tilespmem:$0x1B000] =	vst v63  }
0x62: {  	s11 =	simm.s32 $0x1A480;
	s23 =	simm.s32 $0x1AB00  }
0x63: {  	[tilespmem:s23], [sflag:$0x7] =	stream.indirect.gather [hbm4b:s8+s3], $0x1, s11, s3, $0xb8;
	[tilespmem:$0x1B000] =	vst v63  }
0x64: {  	s7 =	simm.s32 $0x1A500;
	s10 =	simm.s32 $0x1AB80  }
0x65: {  	[tilespmem:s10], [sflag:$0x7] =	stream.indirect.gather [hbm4b:s8+s3], $0x1, s7, s3, $0xb8;
	[tilespmem:$0x1B000] =	vst v63  }
0x66: {  	s11 =	simm.s32 $0x1A580;
	s23 =	simm.s32 $0x1AC00  }
0x67: {  	[tilespmem:s23], [sflag:$0x7] =	stream.indirect.gather [hbm4b:s8+s3], $0x1, s11, s3, $0xb8;
	[tilespmem:$0x1B000] =	vst v63  }
0x68: {  	s7 =	simm.s32 $0x1A600;
	s10 =	simm.s32 $0x1AC80  }
0x69: {  	[tilespmem:s10], [sflag:$0x7] =	stream.indirect.gather [hbm4b:s8+s3], $0x1, s7, s3, $0xb8;
	[tilespmem:$0x1B000] =	vst v63  }
0x6a: {  	s11 =	simm.s32 $0x1A680;
	s23 =	simm.s32 $0x1AD00  }
0x6b: {  	[tilespmem:s23], [sflag:$0x7] =	stream.indirect.gather [hbm4b:s8+s3], $0x1, s11, s3, $0xb8;
	[tilespmem:$0x1B000] =	vst v63  }
0x6c: {  	s7 =	simm.s32 $0x1A700;
	s10 =	simm.s32 $0x1AD80  }
0x6d: {  	[tilespmem:s10], [sflag:$0x7] =	stream.indirect.gather [hbm4b:s8+s3], $0x1, s7, s3, $0xb8;
	[tilespmem:$0x1B000] =	vst v63  }
0x6e: {  	s11 =	simm.s32 $0x1A780;
	s23 =	simm.s32 $0x1AE00  }
0x6f: {  	[tilespmem:s23], [sflag:$0x7] =	stream.indirect.gather [hbm4b:s8+s3], $0x1, s11, s3, $0xb8;
	[tilespmem:$0x1B000] =	vst v63  }
0x70: {  	s7 =	simm.s32 $0x1A800;
	s10 =	simm.s32 $0x1AE80  }
0x71: {  	[tilespmem:s10], [sflag:$0x7] =	stream.indirect.gather [hbm4b:s8+s3], $0x1, s7, s3, $0xb8;
	[tilespmem:$0x1B000] =	vst v63  }
0x72: {  	s11 =	simm.s32 $0x40;
	s23 =	simm.s32 $0x1A880;
	s10 =	simm.s32 $0x1AF00  }
0x73: {  	[tilespmem:s10], [sflag:$0x7] =	stream.indirect.gather [hbm4b:s8+s11], $0x1, s23, s11, $0xb8;
	[tilespmem:$0x1B000] =	vst v63  }
0x74: {  	_ =	swait.ge [sflag:s13], $0x400  }
0x75: {  	[sflag:s13] =	ssyncset.done $0x0  }
0x76: {  	[sflag:s13] =	ssyncadd.s32 $0xFFFFFC00  }
0x77: {  	_ =	swait.ge [sflag:s14], $0x400  }
0x78: {  	[sflag:s14] =	ssyncset.done $0x0  }
0x79: {  	[sflag:s14] =	ssyncadd.s32 $0xFFFFFC00  }
0x7a: {  	v0 =	vld [tilespmem:s3+$0x70]  }
0x7b: {  	v1 =	vld [tilespmem:s3+$0xFFFFFF90]  }
0x7c: {  	v2 =	vld [tilespmem:s3+$0xFFFFFFA0]  }
0x7d: {  	v3 =	vld [tilespmem:s3+$0xFFFFFFB0]  }
0x7e: {  	v4 =	vld [tilespmem:s3+$0xFFFFFFC0]  }
0x7f: {  	v5 =	vld [tilespmem:s3+$0xFFFFFFD0]  }
0x80: {  	v6 =	vld [tilespmem:s3+$0xFFFFFFE0]  }
0x81: {  	v7 =	vld [tilespmem:s3+$0xFFFFFFF0]  }
0x82: {  	v9 =	vld [tilespmem:s3+$0x0]  }
0x83: {  	v10 =	vld [tilespmem:s3+$0x10]  }
0x84: {  	v11 =	vld [tilespmem:s3+$0x20]  }
0x85: {  	v12 =	vld [tilespmem:s3+$0x30]  }
0x86: {  	v13 =	vld [tilespmem:s3+$0x40]  }
0x87: {  	v14 =	vld [tilespmem:s3+$0x50]  }
0x88: {  	v56 =	vld [tilespmem:s3+$0x60]  }
0x89: {  	v15 =	vld [tilespmem:s3+$0xFFFFFF80]  }
0x8a: {  	v8 =	vld.idx.msk [tilespmem:v0+s6+$0x0], $0xffff  }
0x8b: {  	v16 =	vld.idx.msk [tilespmem:v1+s6+$0x0], $0xffff  }
0x8c: {  	v17 =	vld.idx.msk [tilespmem:v2+s6+$0x0], $0xffff  }
0x8d: {  	v18 =	vld.idx.msk [tilespmem:v3+s6+$0x0], $0xffff  }
0x8e: {  	s10 =	simm.s32 $0xC880;
	v19 =	vld.idx.msk [tilespmem:v4+s6+$0x0], $0xffff  }
0x8f: {  	v20 =	vld.idx.msk [tilespmem:v5+s6+$0x0], $0xffff;
	[tilespmem:s10+$0x70] =	vst v8  }
0x90: {  	v0 =	vld.idx.msk [tilespmem:v0+s9+$0x0], $0xffff  }
0x91: {  	v57 =	vld.idx.msk [tilespmem:v7+s6+$0x0], $0xffff;
	[tilespmem:s10+$0xFFFFFF90] =	vst v16  }
0x92: {  	v21 =	vld.idx.msk [tilespmem:v15+s6+$0x0], $0xffff;
	[tilespmem:s10+$0xFFFFFFA0] =	vst v17  }
0x93: {  	v58 =	vld.idx.msk [tilespmem:v9+s6+$0x0], $0xffff;
	[tilespmem:s10+$0xFFFFFFB0] =	vst v18  }
0x94: {  	s3 =	simm.s32 $0x12C80;
	v59 =	vld.idx.msk [tilespmem:v10+s6+$0x0], $0xffff;
	[tilespmem:s10+$0xFFFFFFC0] =	vst v19  }
0x95: {  	[tilespmem:s3+$0x70] =	vst v0;
	v0 =	vld.idx.msk [tilespmem:v6+s6+$0x0], $0xffff  }
0x96: {  	v60 =	vld.idx.msk [tilespmem:v11+s6+$0x0], $0xffff;
	[tilespmem:s10+$0xFFFFFFD0] =	vst v20  }
0x97: {  	v61 =	vld.idx.msk [tilespmem:v13+s6+$0x0], $0xffff;
	[tilespmem:s10+$0xFFFFFFF0] =	vst v57  }
0x98: {  	v62 =	vld.idx.msk [tilespmem:v14+s6+$0x0], $0xffff;
	[tilespmem:s10+$0xFFFFFF80] =	vst v21  }
0x99: {  	[tilespmem:s10+$0x0] =	vst v58;
	v1 =	vld.idx.msk [tilespmem:v1+s9+$0x0], $0xffff  }
0x9a: {  	[tilespmem:s10+$0xFFFFFFE0] =	vst v0;
	v0 =	vld.idx.msk [tilespmem:v12+s6+$0x0], $0xffff  }
0x9b: {  	v63 =	vld.idx.msk [tilespmem:v56+s6+$0x0], $0xffff;
	[tilespmem:s10+$0x10] =	vst v59  }
0x9c: {  	[tilespmem:s10+$0x20] =	vst v60;
	v15 =	vld.idx.msk [tilespmem:v15+s9+$0x0], $0xffff  }
0x9d: {  	[tilespmem:s10+$0x40] =	vst v61;
	v2 =	vld.idx.msk [tilespmem:v2+s9+$0x0], $0xffff  }
0x9e: {  	[tilespmem:s3+$0xFFFFFF90] =	vst v1;
	v1 =	vld.idx.msk [tilespmem:v11+s9+$0x0], $0xffff  }
0x9f: {  	[tilespmem:s10+$0x30] =	vst v0;
	v0 =	vld.idx.msk [tilespmem:v3+s9+$0x0], $0xffff  }
0xa0: {  	[tilespmem:s10+$0x50] =	vst v62;
	v3 =	vld.idx.msk [tilespmem:v4+s9+$0x0], $0xffff  }
0xa1: {  	[tilespmem:s10+$0x60] =	vst v63;
	v4 =	vld.idx.msk [tilespmem:v5+s9+$0x0], $0xffff  }
0xa2: {  	[tilespmem:s3+$0xFFFFFF80] =	vst v15;
	v5 =	vld.idx.msk [tilespmem:v6+s9+$0x0], $0xffff  }
0xa3: {  	[tilespmem:s3+$0xFFFFFFA0] =	vst v2;
	v6 =	vld.idx.msk [tilespmem:v7+s9+$0x0], $0xffff  }
0xa4: {  	v7 =	vld.idx.msk [tilespmem:v9+s9+$0x0], $0xffff;
	[tilespmem:s3+$0xFFFFFFB0] =	vst v0  }
0xa5: {  	v0 =	vld.idx.msk [tilespmem:v10+s9+$0x0], $0xffff;
	[tilespmem:s3+$0xFFFFFFC0] =	vst v3  }
0xa6: {  	v2 =	vld.idx.msk [tilespmem:v12+s9+$0x0], $0xffff;
	[tilespmem:s3+$0xFFFFFFD0] =	vst v4  }
0xa7: {  	[tilespmem:s3+$0xFFFFFFE0] =	vst v5;
	v3 =	vld.idx.msk [tilespmem:v13+s9+$0x0], $0xffff  }
0xa8: {  	[tilespmem:s3+$0xFFFFFFF0] =	vst v6;
	v4 =	vld.idx.msk [tilespmem:v14+s9+$0x0], $0xffff  }
0xa9: {  	s5 =	simm.s32 $0x180;
	s11 =	simm.s32 $0x0;
	[tilespmem:s3+$0x0] =	vst v7;
	v5 =	vld.idx.msk [tilespmem:v56+s9+$0x0], $0xffff  }
.LBB2_4:
0xaa: {  	v6 =	vld [tilespmem:s5+$0x70];
	s11 =	sadd.s32 $0x100, s11;
	[tilespmem:s3+$0x10] =	vst v0  }
0xab: {  	v0 =	vld [tilespmem:s5+$0xFFFFFF90];
	p1 =	slt.u32 s11, $0x3100;
	[tilespmem:s3+$0x20] =	vst v1  }
0xac: {  	v1 =	vld [tilespmem:s5+$0xFFFFFFA0];
	[tilespmem:s3+$0x30] =	vst v2  }
0xad: {  	v2 =	vld [tilespmem:s5+$0xFFFFFFB0];
	[tilespmem:s3+$0x40] =	vst v3  }
0xae: {  	v3 =	vld [tilespmem:s5+$0xFFFFFFC0];
	[tilespmem:s3+$0x50] =	vst v4  }
0xaf: {  	v4 =	vld [tilespmem:s5+$0xFFFFFFD0];
	[tilespmem:s3+$0x60] =	vst v5  }
0xb0: {  	v5 =	vld [tilespmem:s5+$0xFFFFFFE0]  }
0xb1: {  	v7 =	vld [tilespmem:s5+$0xFFFFFFF0]  }
0xb2: {  	v8 =	vld.idx.msk [tilespmem:v6+s6+$0x0], $0xffff  }
0xb3: {  	v9 =	vld [tilespmem:s5+$0x0]  }
0xb4: {  	v10 =	vld [tilespmem:s5+$0x10]  }
0xb5: {  	v11 =	vld [tilespmem:s5+$0x20]  }
0xb6: {  	v12 =	vld [tilespmem:s5+$0x30]  }
0xb7: {  	s10 =	sadd.s32 $0x100, s10;
	v13 =	vld [tilespmem:s5+$0x40]  }
0xb8: {  	v14 =	vld [tilespmem:s5+$0x50];
	[tilespmem:s10+$0x70] =	vst v8  }
0xb9: {  	v6 =	vld.idx.msk [tilespmem:v6+s9+$0x0], $0xffff  }
0xba: {  	v8 =	vld [tilespmem:s5+$0x60]  }
0xbb: {  	v15 =	vld [tilespmem:s5+$0xFFFFFF80]  }
0xbc: {  	v16 =	vld.idx.msk [tilespmem:v0+s6+$0x0], $0xffff  }
0xbd: {  	v17 =	vld.idx.msk [tilespmem:v1+s6+$0x0], $0xffff  }
0xbe: {  	s3 =	sadd.s32 $0x100, s3;
	v18 =	vld.idx.msk [tilespmem:v2+s6+$0x0], $0xffff  }
0xbf: {  	v19 =	vld.idx.msk [tilespmem:v3+s6+$0x0], $0xffff;
	[tilespmem:s3+$0x70] =	vst v6  }
0xc0: {  	v6 =	vld.idx.msk [tilespmem:v4+s6+$0x0], $0xffff  }
0xc1: {  	v20 =	vld.idx.msk [tilespmem:v5+s6+$0x0], $0xffff  }
0xc2: {  	[tilespmem:s10+$0xFFFFFF90] =	vst v16;
	v16 =	vld.idx.msk [tilespmem:v7+s6+$0x0], $0xffff  }
0xc3: {  	v21 =	vld.idx.msk [tilespmem:v15+s6+$0x0], $0xffff;
	[tilespmem:s10+$0xFFFFFFA0] =	vst v17  }
0xc4: {  	[tilespmem:s10+$0xFFFFFFB0] =	vst v18;
	v17 =	vld.idx.msk [tilespmem:v9+s6+$0x0], $0xffff  }
0xc5: {  	[tilespmem:s10+$0xFFFFFFC0] =	vst v19;
	v18 =	vld.idx.msk [tilespmem:v10+s6+$0x0], $0xffff  }
0xc6: {  	[tilespmem:s10+$0xFFFFFFD0] =	vst v6;
	v6 =	vld.idx.msk [tilespmem:v11+s6+$0x0], $0xffff  }
0xc7: {  	[tilespmem:s10+$0xFFFFFFE0] =	vst v20;
	v19 =	vld.idx.msk [tilespmem:v12+s6+$0x0], $0xffff  }
0xc8: {  	[tilespmem:s10+$0xFFFFFFF0] =	vst v16;
	v16 =	vld.idx.msk [tilespmem:v13+s6+$0x0], $0xffff  }
0xc9: {  	[tilespmem:s10+$0xFFFFFF80] =	vst v21;
	v20 =	vld.idx.msk [tilespmem:v14+s6+$0x0], $0xffff  }
0xca: {  	[tilespmem:s10+$0x0] =	vst v17;
	v17 =	vld.idx.msk [tilespmem:v8+s6+$0x0], $0xffff  }
0xcb: {  	v15 =	vld.idx.msk [tilespmem:v15+s9+$0x0], $0xffff;
	[tilespmem:s10+$0x10] =	vst v18  }
0xcc: {  	v0 =	vld.idx.msk [tilespmem:v0+s9+$0x0], $0xffff;
	[tilespmem:s10+$0x20] =	vst v6  }
0xcd: {  	v1 =	vld.idx.msk [tilespmem:v1+s9+$0x0], $0xffff;
	[tilespmem:s10+$0x30] =	vst v19  }
0xce: {  	v2 =	vld.idx.msk [tilespmem:v2+s9+$0x0], $0xffff;
	[tilespmem:s10+$0x40] =	vst v16  }
0xcf: {  	v3 =	vld.idx.msk [tilespmem:v3+s9+$0x0], $0xffff;
	[tilespmem:s10+$0x50] =	vst v20  }
0xd0: {  	v4 =	vld.idx.msk [tilespmem:v4+s9+$0x0], $0xffff;
	[tilespmem:s10+$0x60] =	vst v17  }
0xd1: {  	[tilespmem:s3+$0xFFFFFF80] =	vst v15;
	v5 =	vld.idx.msk [tilespmem:v5+s9+$0x0], $0xffff  }
0xd2: {  	[tilespmem:s3+$0xFFFFFF90] =	vst v0;
	v6 =	vld.idx.msk [tilespmem:v7+s9+$0x0], $0xffff  }
0xd3: {  	[tilespmem:s3+$0xFFFFFFA0] =	vst v1;
	v7 =	vld.idx.msk [tilespmem:v9+s9+$0x0], $0xffff  }
0xd4: {  	[tilespmem:s3+$0xFFFFFFB0] =	vst v2;
	v0 =	vld.idx.msk [tilespmem:v10+s9+$0x0], $0xffff  }
.Ltmp1:
0xd5: {  	[tilespmem:s3+$0xFFFFFFC0] =	vst v3;
	v1 =	vld.idx.msk [tilespmem:v11+s9+$0x0], $0xffff;
	(pc) =	sbr.rel @p1 .LBB2_4-.Ltmp1, $4  }
0xd6: {  	[tilespmem:s3+$0xFFFFFFD0] =	vst v4;
	v2 =	vld.idx.msk [tilespmem:v12+s9+$0x0], $0xffff  }
0xd7: {  	[tilespmem:s3+$0xFFFFFFE0] =	vst v5;
	v3 =	vld.idx.msk [tilespmem:v13+s9+$0x0], $0xffff  }
0xd8: {  	[tilespmem:s3+$0xFFFFFFF0] =	vst v6;
	v4 =	vld.idx.msk [tilespmem:v14+s9+$0x0], $0xffff  }
0xd9: {  	s5 =	sadd.s32 $0x100, s5;
	[tilespmem:s3+$0x0] =	vst v7;
	v5 =	vld.idx.msk [tilespmem:v8+s9+$0x0], $0xffff  }
0xda: {  	[tilespmem:s3+$0x10] =	vst v0  }
0xdb: {  	[tilespmem:s3+$0x20] =	vst v1  }
0xdc: {  	[tilespmem:s3+$0x30] =	vst v2  }
0xdd: {  	[tilespmem:s3+$0x40] =	vst v3  }
0xde: {  	[tilespmem:s3+$0x50] =	vst v4  }
0xdf: {  	[tilespmem:s3+$0x60] =	vst v5  }
0xe0: {  	s3 =	rddreg [dreg:$0x9]  }
0xe1: {  	[hbm4b:s3+s15] =	stream.strided.scatter [tilespmem:s17], [sflag:$0x3], $0x3200, s16, s15, $0x38;
	[tilespmem:$0x1B000] =	vst v63  }
0xe2: {  	s23 =	simm.s32 $0x32F0;
	s11 =	rddreg [dreg:$0xa]  }
0xe3: {  	[hbm4b:s11+s15] =	stream.strided.scatter [tilespmem:s18], [sflag:$0x5], $0x3200, s16, s15, $0x38;
	[tilespmem:$0x1B000] =	vst v63  }
0xe4: {  	v0 =	vld [tilespmem:s23+$0x0]  }
0xe5: {  	v1 =	vld [tilespmem:s23+$0xFFFFFF20]  }
0xe6: {  	v2 =	vld [tilespmem:s23+$0xFFFFFF30]  }
0xe7: {  	v3 =	vld [tilespmem:s23+$0xFFFFFF40]  }
0xe8: {  	v4 =	vld [tilespmem:s23+$0xFFFFFF50]  }
0xe9: {  	v5 =	vld [tilespmem:s23+$0xFFFFFF60]  }
0xea: {  	v6 =	vld [tilespmem:s23+$0xFFFFFF70]  }
0xeb: {  	v7 =	vld [tilespmem:s23+$0xFFFFFF80]  }
0xec: {  	v9 =	vld [tilespmem:s23+$0xFFFFFF90]  }
0xed: {  	v10 =	vld [tilespmem:s23+$0xFFFFFFA0]  }
0xee: {  	v11 =	vld [tilespmem:s23+$0xFFFFFFB0]  }
0xef: {  	v12 =	vld [tilespmem:s23+$0xFFFFFFC0]  }
0xf0: {  	v13 =	vld [tilespmem:s23+$0xFFFFFFD0]  }
0xf1: {  	v14 =	vld [tilespmem:s23+$0xFFFFFFE0]  }
0xf2: {  	v56 =	vld [tilespmem:s23+$0xFFFFFFF0]  }
0xf3: {  	v15 =	vld [tilespmem:s23+$0xFFFFFF10]  }
0xf4: {  	v8 =	vld.idx.msk [tilespmem:v0+s6+$0x0], $0xffff  }
0xf5: {  	v16 =	vld.idx.msk [tilespmem:v1+s6+$0x0], $0xffff  }
0xf6: {  	v17 =	vld.idx.msk [tilespmem:v2+s6+$0x0], $0xffff  }
0xf7: {  	v18 =	vld.idx.msk [tilespmem:v3+s6+$0x0], $0xffff  }
0xf8: {  	s10 =	simm.s32 $0xFA80;
	v19 =	vld.idx.msk [tilespmem:v4+s6+$0x0], $0xffff  }
0xf9: {  	v20 =	vld.idx.msk [tilespmem:v5+s6+$0x0], $0xffff;
	[tilespmem:s10+$0x70] =	vst v8  }
0xfa: {  	v0 =	vld.idx.msk [tilespmem:v0+s9+$0x0], $0xffff  }
0xfb: {  	v57 =	vld.idx.msk [tilespmem:v7+s6+$0x0], $0xffff;
	[tilespmem:s10+$0xFFFFFF90] =	vst v16  }
0xfc: {  	v21 =	vld.idx.msk [tilespmem:v15+s6+$0x0], $0xffff;
	[tilespmem:s10+$0xFFFFFFA0] =	vst v17  }
0xfd: {  	v58 =	vld.idx.msk [tilespmem:v9+s6+$0x0], $0xffff;
	[tilespmem:s10+$0xFFFFFFB0] =	vst v18  }
0xfe: {  	s3 =	simm.s32 $0x15E80;
	v59 =	vld.idx.msk [tilespmem:v10+s6+$0x0], $0xffff;
	[tilespmem:s10+$0xFFFFFFC0] =	vst v19  }
0xff: {  	[tilespmem:s3+$0x70] =	vst v0;
	v0 =	vld.idx.msk [tilespmem:v6+s6+$0x0], $0xffff  }
0x100: {  	v60 =	vld.idx.msk [tilespmem:v11+s6+$0x0], $0xffff;
	[tilespmem:s10+$0xFFFFFFD0] =	vst v20  }
0x101: {  	v61 =	vld.idx.msk [tilespmem:v13+s6+$0x0], $0xffff;
	[tilespmem:s10+$0xFFFFFFF0] =	vst v57  }
0x102: {  	v62 =	vld.idx.msk [tilespmem:v14+s6+$0x0], $0xffff;
	[tilespmem:s10+$0xFFFFFF80] =	vst v21  }
0x103: {  	[tilespmem:s10+$0x0] =	vst v58;
	v1 =	vld.idx.msk [tilespmem:v1+s9+$0x0], $0xffff  }
0x104: {  	[tilespmem:s10+$0xFFFFFFE0] =	vst v0;
	v0 =	vld.idx.msk [tilespmem:v12+s6+$0x0], $0xffff  }
0x105: {  	v63 =	vld.idx.msk [tilespmem:v56+s6+$0x0], $0xffff;
	[tilespmem:s10+$0x10] =	vst v59  }
0x106: {  	[tilespmem:s10+$0x20] =	vst v60;
	v15 =	vld.idx.msk [tilespmem:v15+s9+$0x0], $0xffff  }
0x107: {  	[tilespmem:s10+$0x40] =	vst v61;
	v2 =	vld.idx.msk [tilespmem:v2+s9+$0x0], $0xffff  }
0x108: {  	[tilespmem:s3+$0xFFFFFF90] =	vst v1;
	v1 =	vld.idx.msk [tilespmem:v11+s9+$0x0], $0xffff  }
0x109: {  	[tilespmem:s10+$0x30] =	vst v0;
	v0 =	vld.idx.msk [tilespmem:v3+s9+$0x0], $0xffff  }
0x10a: {  	[tilespmem:s10+$0x50] =	vst v62;
	v3 =	vld.idx.msk [tilespmem:v4+s9+$0x0], $0xffff  }
0x10b: {  	[tilespmem:s10+$0x60] =	vst v63;
	v4 =	vld.idx.msk [tilespmem:v5+s9+$0x0], $0xffff  }
0x10c: {  	[tilespmem:s3+$0xFFFFFF80] =	vst v15;
	v5 =	vld.idx.msk [tilespmem:v6+s9+$0x0], $0xffff  }
0x10d: {  	[tilespmem:s3+$0xFFFFFFA0] =	vst v2;
	v6 =	vld.idx.msk [tilespmem:v7+s9+$0x0], $0xffff  }
0x10e: {  	v7 =	vld.idx.msk [tilespmem:v9+s9+$0x0], $0xffff;
	[tilespmem:s3+$0xFFFFFFB0] =	vst v0  }
0x10f: {  	v0 =	vld.idx.msk [tilespmem:v10+s9+$0x0], $0xffff;
	[tilespmem:s3+$0xFFFFFFC0] =	vst v3  }
0x110: {  	v2 =	vld.idx.msk [tilespmem:v12+s9+$0x0], $0xffff;
	[tilespmem:s3+$0xFFFFFFD0] =	vst v4  }
0x111: {  	[tilespmem:s3+$0xFFFFFFE0] =	vst v5;
	v3 =	vld.idx.msk [tilespmem:v13+s9+$0x0], $0xffff  }
0x112: {  	[tilespmem:s3+$0xFFFFFFF0] =	vst v6;
	v4 =	vld.idx.msk [tilespmem:v14+s9+$0x0], $0xffff  }
0x113: {  	s5 =	simm.s32 $0x33F0;
	s11 =	simm.s32 $0x0;
	[tilespmem:s3+$0x0] =	vst v7;
	v5 =	vld.idx.msk [tilespmem:v56+s9+$0x0], $0xffff  }
.LBB2_6:
0x114: {  	v6 =	vld [tilespmem:s5+$0x0];
	s11 =	sadd.s32 $0x100, s11;
	[tilespmem:s3+$0x10] =	vst v0  }
0x115: {  	v0 =	vld [tilespmem:s5+$0xFFFFFF20];
	p1 =	slt.u32 s11, $0x3100;
	[tilespmem:s3+$0x20] =	vst v1  }
0x116: {  	v1 =	vld [tilespmem:s5+$0xFFFFFF30];
	[tilespmem:s3+$0x30] =	vst v2  }
0x117: {  	v2 =	vld [tilespmem:s5+$0xFFFFFF40];
	[tilespmem:s3+$0x40] =	vst v3  }
0x118: {  	v3 =	vld [tilespmem:s5+$0xFFFFFF50];
	[tilespmem:s3+$0x50] =	vst v4  }
0x119: {  	v4 =	vld [tilespmem:s5+$0xFFFFFF60];
	[tilespmem:s3+$0x60] =	vst v5  }
0x11a: {  	v5 =	vld [tilespmem:s5+$0xFFFFFF70]  }
0x11b: {  	v7 =	vld [tilespmem:s5+$0xFFFFFF80]  }
0x11c: {  	v8 =	vld.idx.msk [tilespmem:v6+s6+$0x0], $0xffff  }
0x11d: {  	v9 =	vld [tilespmem:s5+$0xFFFFFF90]  }
0x11e: {  	v10 =	vld [tilespmem:s5+$0xFFFFFFA0]  }
0x11f: {  	v11 =	vld [tilespmem:s5+$0xFFFFFFB0]  }
0x120: {  	v12 =	vld [tilespmem:s5+$0xFFFFFFC0]  }
0x121: {  	s10 =	sadd.s32 $0x100, s10;
	v13 =	vld [tilespmem:s5+$0xFFFFFFD0]  }
0x122: {  	v14 =	vld [tilespmem:s5+$0xFFFFFFE0];
	[tilespmem:s10+$0x70] =	vst v8  }
0x123: {  	v6 =	vld.idx.msk [tilespmem:v6+s9+$0x0], $0xffff  }
0x124: {  	v8 =	vld [tilespmem:s5+$0xFFFFFFF0]  }
0x125: {  	v15 =	vld [tilespmem:s5+$0xFFFFFF10]  }
0x126: {  	v16 =	vld.idx.msk [tilespmem:v0+s6+$0x0], $0xffff  }
0x127: {  	v17 =	vld.idx.msk [tilespmem:v1+s6+$0x0], $0xffff  }
0x128: {  	s3 =	sadd.s32 $0x100, s3;
	v18 =	vld.idx.msk [tilespmem:v2+s6+$0x0], $0xffff  }
0x129: {  	v19 =	vld.idx.msk [tilespmem:v3+s6+$0x0], $0xffff;
	[tilespmem:s3+$0x70] =	vst v6  }
0x12a: {  	v6 =	vld.idx.msk [tilespmem:v4+s6+$0x0], $0xffff  }
0x12b: {  	v20 =	vld.idx.msk [tilespmem:v5+s6+$0x0], $0xffff  }
0x12c: {  	[tilespmem:s10+$0xFFFFFF90] =	vst v16;
	v16 =	vld.idx.msk [tilespmem:v7+s6+$0x0], $0xffff  }
0x12d: {  	v21 =	vld.idx.msk [tilespmem:v15+s6+$0x0], $0xffff;
	[tilespmem:s10+$0xFFFFFFA0] =	vst v17  }
0x12e: {  	[tilespmem:s10+$0xFFFFFFB0] =	vst v18;
	v17 =	vld.idx.msk [tilespmem:v9+s6+$0x0], $0xffff  }
0x12f: {  	[tilespmem:s10+$0xFFFFFFC0] =	vst v19;
	v18 =	vld.idx.msk [tilespmem:v10+s6+$0x0], $0xffff  }
0x130: {  	[tilespmem:s10+$0xFFFFFFD0] =	vst v6;
	v6 =	vld.idx.msk [tilespmem:v11+s6+$0x0], $0xffff  }
0x131: {  	[tilespmem:s10+$0xFFFFFFE0] =	vst v20;
	v19 =	vld.idx.msk [tilespmem:v12+s6+$0x0], $0xffff  }
0x132: {  	[tilespmem:s10+$0xFFFFFFF0] =	vst v16;
	v16 =	vld.idx.msk [tilespmem:v13+s6+$0x0], $0xffff  }
0x133: {  	[tilespmem:s10+$0xFFFFFF80] =	vst v21;
	v20 =	vld.idx.msk [tilespmem:v14+s6+$0x0], $0xffff  }
0x134: {  	[tilespmem:s10+$0x0] =	vst v17;
	v17 =	vld.idx.msk [tilespmem:v8+s6+$0x0], $0xffff  }
0x135: {  	v15 =	vld.idx.msk [tilespmem:v15+s9+$0x0], $0xffff;
	[tilespmem:s10+$0x10] =	vst v18  }
0x136: {  	v0 =	vld.idx.msk [tilespmem:v0+s9+$0x0], $0xffff;
	[tilespmem:s10+$0x20] =	vst v6  }
0x137: {  	v1 =	vld.idx.msk [tilespmem:v1+s9+$0x0], $0xffff;
	[tilespmem:s10+$0x30] =	vst v19  }
0x138: {  	v2 =	vld.idx.msk [tilespmem:v2+s9+$0x0], $0xffff;
	[tilespmem:s10+$0x40] =	vst v16  }
0x139: {  	v3 =	vld.idx.msk [tilespmem:v3+s9+$0x0], $0xffff;
	[tilespmem:s10+$0x50] =	vst v20  }
0x13a: {  	v4 =	vld.idx.msk [tilespmem:v4+s9+$0x0], $0xffff;
	[tilespmem:s10+$0x60] =	vst v17  }
0x13b: {  	[tilespmem:s3+$0xFFFFFF80] =	vst v15;
	v5 =	vld.idx.msk [tilespmem:v5+s9+$0x0], $0xffff  }
0x13c: {  	[tilespmem:s3+$0xFFFFFF90] =	vst v0;
	v6 =	vld.idx.msk [tilespmem:v7+s9+$0x0], $0xffff  }
0x13d: {  	[tilespmem:s3+$0xFFFFFFA0] =	vst v1;
	v7 =	vld.idx.msk [tilespmem:v9+s9+$0x0], $0xffff  }
0x13e: {  	[tilespmem:s3+$0xFFFFFFB0] =	vst v2;
	v0 =	vld.idx.msk [tilespmem:v10+s9+$0x0], $0xffff  }
.Ltmp2:
0x13f: {  	[tilespmem:s3+$0xFFFFFFC0] =	vst v3;
	v1 =	vld.idx.msk [tilespmem:v11+s9+$0x0], $0xffff;
	(pc) =	sbr.rel @p1 .LBB2_6-.Ltmp2, $4  }
0x140: {  	[tilespmem:s3+$0xFFFFFFD0] =	vst v4;
	v2 =	vld.idx.msk [tilespmem:v12+s9+$0x0], $0xffff  }
0x141: {  	[tilespmem:s3+$0xFFFFFFE0] =	vst v5;
	v3 =	vld.idx.msk [tilespmem:v13+s9+$0x0], $0xffff  }
0x142: {  	[tilespmem:s3+$0xFFFFFFF0] =	vst v6;
	v4 =	vld.idx.msk [tilespmem:v14+s9+$0x0], $0xffff  }
0x143: {  	s5 =	sadd.s32 $0x100, s5;
	[tilespmem:s3+$0x0] =	vst v7;
	v5 =	vld.idx.msk [tilespmem:v8+s9+$0x0], $0xffff  }
0x144: {  	[tilespmem:s3+$0x10] =	vst v0  }
0x145: {  	[tilespmem:s3+$0x20] =	vst v1  }
0x146: {  	[tilespmem:s3+$0x30] =	vst v2  }
0x147: {  	[tilespmem:s3+$0x40] =	vst v3  }
0x148: {  	[tilespmem:s3+$0x50] =	vst v4  }
0x149: {  	[tilespmem:s3+$0x60] =	vst v5  }
0x14a: {  	s3 =	rddreg [dreg:$0xb]  }
0x14b: {  	[hbm4b:s3+s15] =	stream.strided.scatter [tilespmem:s19], [sflag:$0x4], $0x3200, s16, s15, $0x38;
	[tilespmem:$0x1B000] =	vst v63  }
0x14c: {  	s23 =	rddreg [dreg:$0xc]  }
0x14d: {  	[hbm4b:s23+s15] =	stream.strided.scatter [tilespmem:s20], [sflag:$0x6], $0x3200, s16, s15, $0x38;
	[tilespmem:$0x1B000] =	vst v63  }
0x14e: {  	_ =	swait.ge [sflag:s21], $0x3200  }
0x14f: {  	[sflag:s21] =	ssyncset.done $0x0  }
0x150: {  	[sflag:s21] =	ssyncadd.s32 $0xFFFFCE00  }
0x151: {  	_ =	swait.ge [sflag:s22], $0x3200  }
0x152: {  	[sflag:s22] =	ssyncset.done $0x0  }
0x153: {  	s10 =	simm.s32 $0x0;
	[sflag:s22] =	ssyncadd.s32 $0xFFFFCE00  }
0x154: {  	v0 =	vld [tilespmem:s10+$0x64F0]  }
0x155: {  	v1 =	vld [tilespmem:s10+$0x6400]  }
0x156: {  	v2 =	vld [tilespmem:s10+$0x6410]  }
0x157: {  	v3 =	vld [tilespmem:s10+$0x6420]  }
0x158: {  	v4 =	vld [tilespmem:s10+$0x6430]  }
0x159: {  	v5 =	vld [tilespmem:s10+$0x6440]  }
0x15a: {  	v6 =	vld [tilespmem:s10+$0x6450]  }
0x15b: {  	v7 =	vld [tilespmem:s10+$0x6460]  }
0x15c: {  	v9 =	vld [tilespmem:s10+$0x6470]  }
0x15d: {  	v10 =	vld [tilespmem:s10+$0x6480]  }
0x15e: {  	v11 =	vld [tilespmem:s10+$0x6490]  }
0x15f: {  	v12 =	vld [tilespmem:s10+$0x64A0]  }
0x160: {  	v13 =	vld [tilespmem:s10+$0x64B0]  }
0x161: {  	v14 =	vld [tilespmem:s10+$0x64C0]  }
0x162: {  	v15 =	vld [tilespmem:s10+$0x64D0]  }
0x163: {  	v8 =	vld.idx.msk [tilespmem:v0+s6+$0x0], $0xffff  }
0x164: {  	v16 =	vld.idx.msk [tilespmem:v1+s6+$0x0], $0xffff  }
0x165: {  	v17 =	vld.idx.msk [tilespmem:v2+s6+$0x0], $0xffff  }
0x166: {  	v18 =	vld.idx.msk [tilespmem:v3+s6+$0x0], $0xffff  }
0x167: {  	v19 =	vld.idx.msk [tilespmem:v4+s6+$0x0], $0xffff  }
0x168: {  	v20 =	vld.idx.msk [tilespmem:v5+s6+$0x0], $0xffff  }
0x169: {  	v56 =	vld.idx.msk [tilespmem:v7+s6+$0x0], $0xffff  }
0x16a: {  	v57 =	vld.idx.msk [tilespmem:v9+s6+$0x0], $0xffff;
	[tilespmem:s10+$0xC8F0] =	vst v8  }
0x16b: {  	v58 =	vld.idx.msk [tilespmem:v10+s6+$0x0], $0xffff;
	[tilespmem:s10+$0xC800] =	vst v16  }
0x16c: {  	v59 =	vld.idx.msk [tilespmem:v11+s6+$0x0], $0xffff;
	[tilespmem:s10+$0xC810] =	vst v17  }
0x16d: {  	v60 =	vld.idx.msk [tilespmem:v12+s6+$0x0], $0xffff;
	[tilespmem:s10+$0xC820] =	vst v18  }
0x16e: {  	[tilespmem:s10+$0xC830] =	vst v19;
	v8 =	vld.idx.msk [tilespmem:v0+s9+$0x0], $0xffff  }
0x16f: {  	v61 =	vld.idx.msk [tilespmem:v14+s6+$0x0], $0xffff;
	[tilespmem:s10+$0xC840] =	vst v20  }
0x170: {  	v62 =	vld.idx.msk [tilespmem:v15+s6+$0x0], $0xffff;
	[tilespmem:s10+$0xC860] =	vst v56  }
0x171: {  	[tilespmem:s10+$0xC870] =	vst v57;
	v0 =	vld [tilespmem:s10+$0x64E0]  }
0x172: {  	[tilespmem:s10+$0xC880] =	vst v58;
	v1 =	vld.idx.msk [tilespmem:v1+s9+$0x0], $0xffff  }
0x173: {  	[tilespmem:s10+$0x12CF0] =	vst v8;
	v8 =	vld.idx.msk [tilespmem:v6+s6+$0x0], $0xffff  }
0x174: {  	[tilespmem:s10+$0xC890] =	vst v59;
	v2 =	vld.idx.msk [tilespmem:v2+s9+$0x0], $0xffff  }
0x175: {  	[tilespmem:s10+$0xC8A0] =	vst v60;
	v3 =	vld.idx.msk [tilespmem:v3+s9+$0x0], $0xffff  }
0x176: {  	[tilespmem:s10+$0xC8C0] =	vst v61;
	v4 =	vld.idx.msk [tilespmem:v4+s9+$0x0], $0xffff  }
0x177: {  	[tilespmem:s10+$0xC8D0] =	vst v62;
	v5 =	vld.idx.msk [tilespmem:v5+s9+$0x0], $0xffff  }
0x178: {  	[tilespmem:s10+$0xC850] =	vst v8;
	v8 =	vld.idx.msk [tilespmem:v13+s6+$0x0], $0xffff  }
0x179: {  	v7 =	vld.idx.msk [tilespmem:v7+s9+$0x0], $0xffff;
	[tilespmem:s10+$0x12C00] =	vst v1  }
0x17a: {  	[tilespmem:s10+$0x12C20] =	vst v3;
	v3 =	vld.idx.msk [tilespmem:v10+s9+$0x0], $0xffff  }
0x17b: {  	[tilespmem:s10+$0x12C10] =	vst v2;
	v63 =	vld.idx.msk [tilespmem:v0+s6+$0x0], $0xffff  }
0x17c: {  	[tilespmem:s10+$0x12C30] =	vst v4;
	v6 =	vld.idx.msk [tilespmem:v6+s9+$0x0], $0xffff  }
0x17d: {  	[tilespmem:s10+$0xC8B0] =	vst v8;
	v8 =	vld.idx.msk [tilespmem:v9+s9+$0x0], $0xffff  }
0x17e: {  	v1 =	vld.idx.msk [tilespmem:v11+s9+$0x0], $0xffff;
	[tilespmem:s10+$0x12C40] =	vst v5  }
0x17f: {  	v2 =	vld.idx.msk [tilespmem:v12+s9+$0x0], $0xffff;
	[tilespmem:s10+$0x12C60] =	vst v7  }
0x180: {  	v5 =	vld.idx.msk [tilespmem:v14+s9+$0x0], $0xffff;
	[tilespmem:s10+$0xC8E0] =	vst v63  }
0x181: {  	[tilespmem:s10+$0x12C50] =	vst v6;
	v4 =	vld.idx.msk [tilespmem:v13+s9+$0x0], $0xffff  }
0x182: {  	s5 =	simm.s32 $0x400;
	s3 =	simm.s32 $0x0;
	v6 =	vld.idx.msk [tilespmem:v15+s9+$0x0], $0xffff;
	[tilespmem:s10+$0x12C70] =	vst v8  }
.LBB2_8:
0x183: {  	s7 =	sshra.s32 s5, $0x2;
	s3 =	sadd.s32 $0x100, s3;
	[tilespmem:s10+$0x12C80] =	vst v3;
	v0 =	vld.idx.msk [tilespmem:v0+s9+$0x0], $0xffff  }
0x184: {  	v3 =	vld [tilespmem:s7+$0x64F0];
	p1 =	slt.u32 s3, $0x3100;
	[tilespmem:s10+$0x12C90] =	vst v1  }
0x185: {  	v1 =	vld [tilespmem:s7+$0x6400];
	[tilespmem:s10+$0x12CA0] =	vst v2  }
0x186: {  	v2 =	vld [tilespmem:s7+$0x6410];
	[tilespmem:s10+$0x12CB0] =	vst v4  }
0x187: {  	v4 =	vld [tilespmem:s7+$0x6420];
	[tilespmem:s10+$0x12CC0] =	vst v5  }
0x188: {  	v5 =	vld [tilespmem:s7+$0x6430];
	[tilespmem:s10+$0x12CD0] =	vst v6  }
0x189: {  	v6 =	vld [tilespmem:s7+$0x6440];
	[tilespmem:s10+$0x12CE0] =	vst v0;
	s10 =	smov.u32 s7  }
0x18a: {  	v7 =	vld [tilespmem:s10+$0x6450]  }
0x18b: {  	v8 =	vld [tilespmem:s10+$0x6460]  }
0x18c: {  	v0 =	vld.idx.msk [tilespmem:v3+s6+$0x0], $0xffff  }
0x18d: {  	v9 =	vld [tilespmem:s10+$0x6470]  }
0x18e: {  	v10 =	vld [tilespmem:s10+$0x6480]  }
0x18f: {  	v11 =	vld [tilespmem:s10+$0x6490]  }
0x190: {  	v12 =	vld [tilespmem:s10+$0x64A0]  }
0x191: {  	v13 =	vld [tilespmem:s10+$0x64B0]  }
0x192: {  	v14 =	vld [tilespmem:s10+$0x64C0];
	[tilespmem:s10+$0xC8F0] =	vst v0  }
0x193: {  	v3 =	vld.idx.msk [tilespmem:v3+s9+$0x0], $0xffff  }
0x194: {  	v15 =	vld [tilespmem:s10+$0x64D0]  }
0x195: {  	v0 =	vld [tilespmem:s10+$0x64E0]  }
0x196: {  	v16 =	vld.idx.msk [tilespmem:v1+s6+$0x0], $0xffff  }
0x197: {  	v17 =	vld.idx.msk [tilespmem:v2+s6+$0x0], $0xffff  }
0x198: {  	v18 =	vld.idx.msk [tilespmem:v4+s6+$0x0], $0xffff  }
0x199: {  	v19 =	vld.idx.msk [tilespmem:v5+s6+$0x0], $0xffff;
	[tilespmem:s10+$0x12CF0] =	vst v3  }
0x19a: {  	v3 =	vld.idx.msk [tilespmem:v6+s6+$0x0], $0xffff  }
0x19b: {  	v20 =	vld.idx.msk [tilespmem:v7+s6+$0x0], $0xffff  }
0x19c: {  	[tilespmem:s10+$0xC800] =	vst v16;
	v16 =	vld.idx.msk [tilespmem:v8+s6+$0x0], $0xffff  }
0x19d: {  	[tilespmem:s10+$0xC810] =	vst v17;
	v17 =	vld.idx.msk [tilespmem:v9+s6+$0x0], $0xffff  }
0x19e: {  	[tilespmem:s10+$0xC820] =	vst v18;
	v18 =	vld.idx.msk [tilespmem:v10+s6+$0x0], $0xffff  }
0x19f: {  	[tilespmem:s10+$0xC830] =	vst v19;
	v19 =	vld.idx.msk [tilespmem:v11+s6+$0x0], $0xffff  }
0x1a0: {  	[tilespmem:s10+$0xC840] =	vst v3;
	v3 =	vld.idx.msk [tilespmem:v12+s6+$0x0], $0xffff  }
0x1a1: {  	[tilespmem:s10+$0xC850] =	vst v20;
	v20 =	vld.idx.msk [tilespmem:v13+s6+$0x0], $0xffff  }
0x1a2: {  	[tilespmem:s10+$0xC860] =	vst v16;
	v16 =	vld.idx.msk [tilespmem:v14+s6+$0x0], $0xffff  }
0x1a3: {  	[tilespmem:s10+$0xC870] =	vst v17;
	v17 =	vld.idx.msk [tilespmem:v15+s6+$0x0], $0xffff  }
0x1a4: {  	[tilespmem:s10+$0xC880] =	vst v18;
	v18 =	vld.idx.msk [tilespmem:v0+s6+$0x0], $0xffff  }
0x1a5: {  	v1 =	vld.idx.msk [tilespmem:v1+s9+$0x0], $0xffff;
	[tilespmem:s10+$0xC890] =	vst v19  }
0x1a6: {  	v2 =	vld.idx.msk [tilespmem:v2+s9+$0x0], $0xffff;
	[tilespmem:s10+$0xC8A0] =	vst v3  }
0x1a7: {  	v3 =	vld.idx.msk [tilespmem:v4+s9+$0x0], $0xffff;
	[tilespmem:s10+$0xC8B0] =	vst v20  }
0x1a8: {  	v4 =	vld.idx.msk [tilespmem:v5+s9+$0x0], $0xffff;
	[tilespmem:s10+$0xC8C0] =	vst v16  }
0x1a9: {  	v5 =	vld.idx.msk [tilespmem:v6+s9+$0x0], $0xffff;
	[tilespmem:s10+$0xC8D0] =	vst v17  }
0x1aa: {  	v6 =	vld.idx.msk [tilespmem:v7+s9+$0x0], $0xffff;
	[tilespmem:s10+$0xC8E0] =	vst v18  }
0x1ab: {  	[tilespmem:s10+$0x12C00] =	vst v1;
	v7 =	vld.idx.msk [tilespmem:v8+s9+$0x0], $0xffff  }
0x1ac: {  	[tilespmem:s10+$0x12C10] =	vst v2;
	v8 =	vld.idx.msk [tilespmem:v9+s9+$0x0], $0xffff  }
0x1ad: {  	[tilespmem:s10+$0x12C20] =	vst v3;
	v3 =	vld.idx.msk [tilespmem:v10+s9+$0x0], $0xffff  }
.Ltmp3:
0x1ae: {  	[tilespmem:s10+$0x12C30] =	vst v4;
	v1 =	vld.idx.msk [tilespmem:v11+s9+$0x0], $0xffff;
	(pc) =	sbr.rel @p1 .LBB2_8-.Ltmp3, $4  }
0x1af: {  	[tilespmem:s10+$0x12C40] =	vst v5;
	v2 =	vld.idx.msk [tilespmem:v12+s9+$0x0], $0xffff  }
0x1b0: {  	[tilespmem:s10+$0x12C50] =	vst v6;
	v4 =	vld.idx.msk [tilespmem:v13+s9+$0x0], $0xffff  }
0x1b1: {  	[tilespmem:s10+$0x12C60] =	vst v7;
	v5 =	vld.idx.msk [tilespmem:v14+s9+$0x0], $0xffff  }
0x1b2: {  	s5 =	sadd.s32 $0x400, s5;
	[tilespmem:s10+$0x12C70] =	vst v8;
	v6 =	vld.idx.msk [tilespmem:v15+s9+$0x0], $0xffff  }
0x1b3: {  	_ =	sdelay $0x2  }
0x1b4: {  	[tilespmem:s10+$0x12C80] =	vst v3  }
0x1b5: {  	v0 =	vld.idx.msk [tilespmem:v0+s9+$0x0], $0xffff;
	[tilespmem:s10+$0x12C90] =	vst v1  }
0x1b6: {  	[tilespmem:s10+$0x12CA0] =	vst v2  }
0x1b7: {  	[tilespmem:s10+$0x12CB0] =	vst v4  }
0x1b8: {  	[tilespmem:s10+$0x12CC0] =	vst v5  }
0x1b9: {  	[tilespmem:s10+$0x12CD0] =	vst v6  }
0x1ba: {  	[tilespmem:s10+$0x12CE0] =	vst v0  }
0x1bb: {  	s3 =	rddreg [dreg:$0xd]  }
0x1bc: {  	[hbm4b:s3+s15] =	stream.strided.scatter [tilespmem:s17], [sflag:$0x3], $0x3200, s16, s15, $0x38;
	[tilespmem:$0x1B000] =	vst v63  }
0x1bd: {  	s23 =	rddreg [dreg:$0xe]  }
0x1be: {  	[hbm4b:s23+s15] =	stream.strided.scatter [tilespmem:s18], [sflag:$0x5], $0x3200, s16, s15, $0x38;
	[tilespmem:$0x1B000] =	vst v63  }
0x1bf: {  	_ =	swait.ge [sflag:s24], $0x3200  }
0x1c0: {  	[sflag:s24] =	ssyncset.done $0x0  }
0x1c1: {  	[sflag:s24] =	ssyncadd.s32 $0xFFFFCE00  }
0x1c2: {  	_ =	swait.ge [sflag:s25], $0x3200  }
0x1c3: {  	[sflag:s25] =	ssyncset.done $0x0  }
0x1c4: {  	s10 =	simm.s32 $0x0;
	[sflag:s25] =	ssyncadd.s32 $0xFFFFCE00  }
0x1c5: {  	v0 =	vld [tilespmem:s10+$0x96F0]  }
0x1c6: {  	v1 =	vld [tilespmem:s10+$0x9600]  }
0x1c7: {  	v2 =	vld [tilespmem:s10+$0x9610]  }
0x1c8: {  	v3 =	vld [tilespmem:s10+$0x9620]  }
0x1c9: {  	v4 =	vld [tilespmem:s10+$0x9630]  }
0x1ca: {  	v5 =	vld [tilespmem:s10+$0x9640]  }
0x1cb: {  	v6 =	vld [tilespmem:s10+$0x9650]  }
0x1cc: {  	v7 =	vld [tilespmem:s10+$0x9660]  }
0x1cd: {  	v9 =	vld [tilespmem:s10+$0x9670]  }
0x1ce: {  	v10 =	vld [tilespmem:s10+$0x9680]  }
0x1cf: {  	v11 =	vld [tilespmem:s10+$0x9690]  }
0x1d0: {  	v12 =	vld [tilespmem:s10+$0x96A0]  }
0x1d1: {  	v13 =	vld [tilespmem:s10+$0x96B0]  }
0x1d2: {  	v14 =	vld [tilespmem:s10+$0x96C0]  }
0x1d3: {  	v15 =	vld [tilespmem:s10+$0x96D0]  }
0x1d4: {  	v8 =	vld.idx.msk [tilespmem:v0+s6+$0x0], $0xffff  }
0x1d5: {  	v16 =	vld.idx.msk [tilespmem:v1+s6+$0x0], $0xffff  }
0x1d6: {  	v17 =	vld.idx.msk [tilespmem:v2+s6+$0x0], $0xffff  }
0x1d7: {  	v18 =	vld.idx.msk [tilespmem:v3+s6+$0x0], $0xffff  }
0x1d8: {  	v19 =	vld.idx.msk [tilespmem:v4+s6+$0x0], $0xffff  }
0x1d9: {  	v20 =	vld.idx.msk [tilespmem:v5+s6+$0x0], $0xffff  }
0x1da: {  	v56 =	vld.idx.msk [tilespmem:v7+s6+$0x0], $0xffff  }
0x1db: {  	v57 =	vld.idx.msk [tilespmem:v9+s6+$0x0], $0xffff;
	[tilespmem:s10+$0xFAF0] =	vst v8  }
0x1dc: {  	v58 =	vld.idx.msk [tilespmem:v10+s6+$0x0], $0xffff;
	[tilespmem:s10+$0xFA00] =	vst v16  }
0x1dd: {  	v59 =	vld.idx.msk [tilespmem:v11+s6+$0x0], $0xffff;
	[tilespmem:s10+$0xFA10] =	vst v17  }
0x1de: {  	v60 =	vld.idx.msk [tilespmem:v12+s6+$0x0], $0xffff;
	[tilespmem:s10+$0xFA20] =	vst v18  }
0x1df: {  	[tilespmem:s10+$0xFA30] =	vst v19;
	v8 =	vld.idx.msk [tilespmem:v0+s9+$0x0], $0xffff  }
0x1e0: {  	v61 =	vld.idx.msk [tilespmem:v14+s6+$0x0], $0xffff;
	[tilespmem:s10+$0xFA40] =	vst v20  }
0x1e1: {  	v62 =	vld.idx.msk [tilespmem:v15+s6+$0x0], $0xffff;
	[tilespmem:s10+$0xFA60] =	vst v56  }
0x1e2: {  	[tilespmem:s10+$0xFA70] =	vst v57;
	v0 =	vld [tilespmem:s10+$0x96E0]  }
0x1e3: {  	[tilespmem:s10+$0xFA80] =	vst v58;
	v1 =	vld.idx.msk [tilespmem:v1+s9+$0x0], $0xffff  }
0x1e4: {  	[tilespmem:s10+$0x15EF0] =	vst v8;
	v8 =	vld.idx.msk [tilespmem:v6+s6+$0x0], $0xffff  }
0x1e5: {  	[tilespmem:s10+$0xFA90] =	vst v59;
	v2 =	vld.idx.msk [tilespmem:v2+s9+$0x0], $0xffff  }
0x1e6: {  	[tilespmem:s10+$0xFAA0] =	vst v60;
	v3 =	vld.idx.msk [tilespmem:v3+s9+$0x0], $0xffff  }
0x1e7: {  	[tilespmem:s10+$0xFAC0] =	vst v61;
	v4 =	vld.idx.msk [tilespmem:v4+s9+$0x0], $0xffff  }
0x1e8: {  	[tilespmem:s10+$0xFAD0] =	vst v62;
	v5 =	vld.idx.msk [tilespmem:v5+s9+$0x0], $0xffff  }
0x1e9: {  	[tilespmem:s10+$0xFA50] =	vst v8;
	v8 =	vld.idx.msk [tilespmem:v13+s6+$0x0], $0xffff  }
0x1ea: {  	v7 =	vld.idx.msk [tilespmem:v7+s9+$0x0], $0xffff;
	[tilespmem:s10+$0x15E00] =	vst v1  }
0x1eb: {  	[tilespmem:s10+$0x15E20] =	vst v3;
	v3 =	vld.idx.msk [tilespmem:v10+s9+$0x0], $0xffff  }
0x1ec: {  	[tilespmem:s10+$0x15E10] =	vst v2;
	v63 =	vld.idx.msk [tilespmem:v0+s6+$0x0], $0xffff  }
0x1ed: {  	[tilespmem:s10+$0x15E30] =	vst v4;
	v6 =	vld.idx.msk [tilespmem:v6+s9+$0x0], $0xffff  }
0x1ee: {  	[tilespmem:s10+$0xFAB0] =	vst v8;
	v8 =	vld.idx.msk [tilespmem:v9+s9+$0x0], $0xffff  }
0x1ef: {  	v1 =	vld.idx.msk [tilespmem:v11+s9+$0x0], $0xffff;
	[tilespmem:s10+$0x15E40] =	vst v5  }
0x1f0: {  	v2 =	vld.idx.msk [tilespmem:v12+s9+$0x0], $0xffff;
	[tilespmem:s10+$0x15E60] =	vst v7  }
0x1f1: {  	v5 =	vld.idx.msk [tilespmem:v14+s9+$0x0], $0xffff;
	[tilespmem:s10+$0xFAE0] =	vst v63  }
0x1f2: {  	[tilespmem:s10+$0x15E50] =	vst v6;
	v4 =	vld.idx.msk [tilespmem:v13+s9+$0x0], $0xffff  }
0x1f3: {  	s5 =	simm.s32 $0x400;
	s3 =	simm.s32 $0x0;
	v6 =	vld.idx.msk [tilespmem:v15+s9+$0x0], $0xffff;
	[tilespmem:s10+$0x15E70] =	vst v8  }
.LBB2_10:
0x1f4: {  	s7 =	sshra.s32 s5, $0x2;
	s3 =	sadd.s32 $0x100, s3;
	[tilespmem:s10+$0x15E80] =	vst v3;
	v0 =	vld.idx.msk [tilespmem:v0+s9+$0x0], $0xffff  }
0x1f5: {  	v3 =	vld [tilespmem:s7+$0x96F0];
	p1 =	slt.u32 s3, $0x3100;
	[tilespmem:s10+$0x15E90] =	vst v1  }
0x1f6: {  	v1 =	vld [tilespmem:s7+$0x9600];
	[tilespmem:s10+$0x15EA0] =	vst v2  }
0x1f7: {  	v2 =	vld [tilespmem:s7+$0x9610];
	[tilespmem:s10+$0x15EB0] =	vst v4  }
0x1f8: {  	v4 =	vld [tilespmem:s7+$0x9620];
	[tilespmem:s10+$0x15EC0] =	vst v5  }
0x1f9: {  	v5 =	vld [tilespmem:s7+$0x9630];
	[tilespmem:s10+$0x15ED0] =	vst v6  }
0x1fa: {  	v6 =	vld [tilespmem:s7+$0x9640];
	[tilespmem:s10+$0x15EE0] =	vst v0;
	s10 =	smov.u32 s7  }
0x1fb: {  	v7 =	vld [tilespmem:s10+$0x9650]  }
0x1fc: {  	v8 =	vld [tilespmem:s10+$0x9660]  }
0x1fd: {  	v0 =	vld.idx.msk [tilespmem:v3+s6+$0x0], $0xffff  }
0x1fe: {  	v9 =	vld [tilespmem:s10+$0x9670]  }
0x1ff: {  	v10 =	vld [tilespmem:s10+$0x9680]  }
0x200: {  	v11 =	vld [tilespmem:s10+$0x9690]  }
0x201: {  	v12 =	vld [tilespmem:s10+$0x96A0]  }
0x202: {  	v13 =	vld [tilespmem:s10+$0x96B0]  }
0x203: {  	v14 =	vld [tilespmem:s10+$0x96C0];
	[tilespmem:s10+$0xFAF0] =	vst v0  }
0x204: {  	v3 =	vld.idx.msk [tilespmem:v3+s9+$0x0], $0xffff  }
0x205: {  	v15 =	vld [tilespmem:s10+$0x96D0]  }
0x206: {  	v0 =	vld [tilespmem:s10+$0x96E0]  }
0x207: {  	v16 =	vld.idx.msk [tilespmem:v1+s6+$0x0], $0xffff  }
0x208: {  	v17 =	vld.idx.msk [tilespmem:v2+s6+$0x0], $0xffff  }
0x209: {  	v18 =	vld.idx.msk [tilespmem:v4+s6+$0x0], $0xffff  }
0x20a: {  	v19 =	vld.idx.msk [tilespmem:v5+s6+$0x0], $0xffff;
	[tilespmem:s10+$0x15EF0] =	vst v3  }
0x20b: {  	v3 =	vld.idx.msk [tilespmem:v6+s6+$0x0], $0xffff  }
0x20c: {  	v20 =	vld.idx.msk [tilespmem:v7+s6+$0x0], $0xffff  }
0x20d: {  	[tilespmem:s10+$0xFA00] =	vst v16;
	v16 =	vld.idx.msk [tilespmem:v8+s6+$0x0], $0xffff  }
0x20e: {  	[tilespmem:s10+$0xFA10] =	vst v17;
	v17 =	vld.idx.msk [tilespmem:v9+s6+$0x0], $0xffff  }
0x20f: {  	[tilespmem:s10+$0xFA20] =	vst v18;
	v18 =	vld.idx.msk [tilespmem:v10+s6+$0x0], $0xffff  }
0x210: {  	[tilespmem:s10+$0xFA30] =	vst v19;
	v19 =	vld.idx.msk [tilespmem:v11+s6+$0x0], $0xffff  }
0x211: {  	[tilespmem:s10+$0xFA40] =	vst v3;
	v3 =	vld.idx.msk [tilespmem:v12+s6+$0x0], $0xffff  }
0x212: {  	[tilespmem:s10+$0xFA50] =	vst v20;
	v20 =	vld.idx.msk [tilespmem:v13+s6+$0x0], $0xffff  }
0x213: {  	[tilespmem:s10+$0xFA60] =	vst v16;
	v16 =	vld.idx.msk [tilespmem:v14+s6+$0x0], $0xffff  }
0x214: {  	[tilespmem:s10+$0xFA70] =	vst v17;
	v17 =	vld.idx.msk [tilespmem:v15+s6+$0x0], $0xffff  }
0x215: {  	[tilespmem:s10+$0xFA80] =	vst v18;
	v18 =	vld.idx.msk [tilespmem:v0+s6+$0x0], $0xffff  }
0x216: {  	v1 =	vld.idx.msk [tilespmem:v1+s9+$0x0], $0xffff;
	[tilespmem:s10+$0xFA90] =	vst v19  }
0x217: {  	v2 =	vld.idx.msk [tilespmem:v2+s9+$0x0], $0xffff;
	[tilespmem:s10+$0xFAA0] =	vst v3  }
0x218: {  	v3 =	vld.idx.msk [tilespmem:v4+s9+$0x0], $0xffff;
	[tilespmem:s10+$0xFAB0] =	vst v20  }
0x219: {  	v4 =	vld.idx.msk [tilespmem:v5+s9+$0x0], $0xffff;
	[tilespmem:s10+$0xFAC0] =	vst v16  }
0x21a: {  	v5 =	vld.idx.msk [tilespmem:v6+s9+$0x0], $0xffff;
	[tilespmem:s10+$0xFAD0] =	vst v17  }
0x21b: {  	v6 =	vld.idx.msk [tilespmem:v7+s9+$0x0], $0xffff;
	[tilespmem:s10+$0xFAE0] =	vst v18  }
0x21c: {  	[tilespmem:s10+$0x15E00] =	vst v1;
	v7 =	vld.idx.msk [tilespmem:v8+s9+$0x0], $0xffff  }
0x21d: {  	[tilespmem:s10+$0x15E10] =	vst v2;
	v8 =	vld.idx.msk [tilespmem:v9+s9+$0x0], $0xffff  }
0x21e: {  	[tilespmem:s10+$0x15E20] =	vst v3;
	v3 =	vld.idx.msk [tilespmem:v10+s9+$0x0], $0xffff  }
.Ltmp4:
0x21f: {  	[tilespmem:s10+$0x15E30] =	vst v4;
	v1 =	vld.idx.msk [tilespmem:v11+s9+$0x0], $0xffff;
	(pc) =	sbr.rel @p1 .LBB2_10-.Ltmp4, $4  }
0x220: {  	[tilespmem:s10+$0x15E40] =	vst v5;
	v2 =	vld.idx.msk [tilespmem:v12+s9+$0x0], $0xffff  }
0x221: {  	[tilespmem:s10+$0x15E50] =	vst v6;
	v4 =	vld.idx.msk [tilespmem:v13+s9+$0x0], $0xffff  }
0x222: {  	[tilespmem:s10+$0x15E60] =	vst v7;
	v5 =	vld.idx.msk [tilespmem:v14+s9+$0x0], $0xffff  }
0x223: {  	s5 =	sadd.s32 $0x400, s5;
	[tilespmem:s10+$0x15E70] =	vst v8;
	v6 =	vld.idx.msk [tilespmem:v15+s9+$0x0], $0xffff  }
0x224: {  	_ =	sdelay $0x2  }
0x225: {  	[tilespmem:s10+$0x15E80] =	vst v3  }
0x226: {  	v0 =	vld.idx.msk [tilespmem:v0+s9+$0x0], $0xffff;
	[tilespmem:s10+$0x15E90] =	vst v1  }
0x227: {  	[tilespmem:s10+$0x15EA0] =	vst v2  }
0x228: {  	[tilespmem:s10+$0x15EB0] =	vst v4  }
0x229: {  	[tilespmem:s10+$0x15EC0] =	vst v5  }
0x22a: {  	[tilespmem:s10+$0x15ED0] =	vst v6  }
0x22b: {  	[tilespmem:s10+$0x15EE0] =	vst v0  }
0x22c: {  	s3 =	rddreg [dreg:$0xf]  }
0x22d: {  	s10 =	rddreg [dreg:$0x10]  }
0x22e: {  	[hbm4b:s3+s15] =	stream.strided.scatter [tilespmem:s19], [sflag:$0x4], $0x3200, s16, s15, $0x38;
	[tilespmem:$0x1B000] =	vst v63  }
0x22f: {  	s11 =	sld [smem:$0x7FA]  }
0x230: {  	[hbm4b:s10+s15] =	stream.strided.scatter [tilespmem:s20], [sflag:$0x6], $0x3200, s16, s15, $0x38;
	[tilespmem:$0x1B000] =	vst v63  }
0x231: {  	s23 =	sld [smem:$0x7FB]  }
0x232: {  	[tilespmem:s6], [sflag:$0x1] =	stream.linear.gather [hbm4b:s11+s4], $0x400, $0x38;
	[tilespmem:$0x1B000] =	vst v63  }
0x233: {  	s11 =	simm.s32 $0x1  }
0x234: {  	[tilespmem:s9], [sflag:$0x2] =	stream.linear.gather [hbm4b:s23+s4], $0x400, $0x38;
	[tilespmem:$0x1B000] =	vst v63  }
.LBB2_12:
0x235: {  	_ =	swait.ge [sflag:s13], $0x400  }
0x236: {  	[sflag:s13] =	ssyncset.done $0x0  }
0x237: {  	[sflag:s13] =	ssyncadd.s32 $0xFFFFFC00  }
0x238: {  	_ =	swait.ge [sflag:s14], $0x400  }
0x239: {  	[sflag:s14] =	ssyncset.done $0x0  }
0x23a: {  	[sflag:s14] =	ssyncadd.s32 $0xFFFFFC00  }
0x23b: {  	_ =	swait.ge [sflag:s21], $0x3200  }
0x23c: {  	[sflag:s21] =	ssyncset.done $0x0  }
0x23d: {  	[sflag:s21] =	ssyncadd.s32 $0xFFFFCE00  }
0x23e: {  	_ =	swait.ge [sflag:s22], $0x3200  }
0x23f: {  	[sflag:s22] =	ssyncset.done $0x0  }
0x240: {  	s3 =	simm.s32 $0x80;
	[sflag:s22] =	ssyncadd.s32 $0xFFFFCE00  }
0x241: {  	v0 =	vld [tilespmem:s3+$0x70]  }
0x242: {  	v1 =	vld [tilespmem:s3+$0xFFFFFF90]  }
0x243: {  	v2 =	vld [tilespmem:s3+$0xFFFFFFA0]  }
0x244: {  	v3 =	vld [tilespmem:s3+$0xFFFFFFB0]  }
0x245: {  	v4 =	vld [tilespmem:s3+$0xFFFFFFC0]  }
0x246: {  	v5 =	vld [tilespmem:s3+$0xFFFFFFD0]  }
0x247: {  	v6 =	vld [tilespmem:s3+$0xFFFFFFE0]  }
0x248: {  	v7 =	vld [tilespmem:s3+$0xFFFFFFF0]  }
0x249: {  	v9 =	vld [tilespmem:s3+$0x0]  }
0x24a: {  	v10 =	vld [tilespmem:s3+$0x10]  }
0x24b: {  	v11 =	vld [tilespmem:s3+$0x20]  }
0x24c: {  	v12 =	vld [tilespmem:s3+$0x30]  }
0x24d: {  	v13 =	vld [tilespmem:s3+$0x40]  }
0x24e: {  	v14 =	vld [tilespmem:s3+$0x50]  }
0x24f: {  	v56 =	vld [tilespmem:s3+$0x60]  }
0x250: {  	v15 =	vld [tilespmem:s3+$0xFFFFFF80]  }
0x251: {  	v8 =	vld.idx.msk [tilespmem:v0+s6+$0x0], $0xffff  }
0x252: {  	v16 =	vld.idx.msk [tilespmem:v1+s6+$0x0], $0xffff  }
0x253: {  	v17 =	vld.idx.msk [tilespmem:v2+s6+$0x0], $0xffff  }
0x254: {  	v18 =	vld.idx.msk [tilespmem:v3+s6+$0x0], $0xffff  }
0x255: {  	s10 =	simm.s32 $0xC880;
	v19 =	vld.idx.msk [tilespmem:v4+s6+$0x0], $0xffff  }
0x256: {  	v20 =	vld.idx.msk [tilespmem:v5+s6+$0x0], $0xffff;
	[tilespmem:s10+$0x70] =	vst v8  }
0x257: {  	v0 =	vld.idx.msk [tilespmem:v0+s9+$0x0], $0xffff  }
0x258: {  	v57 =	vld.idx.msk [tilespmem:v7+s6+$0x0], $0xffff;
	[tilespmem:s10+$0xFFFFFF90] =	vst v16  }
0x259: {  	v21 =	vld.idx.msk [tilespmem:v15+s6+$0x0], $0xffff;
	[tilespmem:s10+$0xFFFFFFA0] =	vst v17  }
0x25a: {  	v58 =	vld.idx.msk [tilespmem:v9+s6+$0x0], $0xffff;
	[tilespmem:s10+$0xFFFFFFB0] =	vst v18  }
0x25b: {  	s23 =	simm.s32 $0x12C80;
	v59 =	vld.idx.msk [tilespmem:v10+s6+$0x0], $0xffff;
	[tilespmem:s10+$0xFFFFFFC0] =	vst v19  }
0x25c: {  	[tilespmem:s23+$0x70] =	vst v0;
	v0 =	vld.idx.msk [tilespmem:v6+s6+$0x0], $0xffff  }
0x25d: {  	v60 =	vld.idx.msk [tilespmem:v11+s6+$0x0], $0xffff;
	[tilespmem:s10+$0xFFFFFFD0] =	vst v20  }
0x25e: {  	v61 =	vld.idx.msk [tilespmem:v13+s6+$0x0], $0xffff;
	[tilespmem:s10+$0xFFFFFFF0] =	vst v57  }
0x25f: {  	v62 =	vld.idx.msk [tilespmem:v14+s6+$0x0], $0xffff;
	[tilespmem:s10+$0xFFFFFF80] =	vst v21  }
0x260: {  	[tilespmem:s10+$0x0] =	vst v58;
	v2 =	vld.idx.msk [tilespmem:v2+s9+$0x0], $0xffff  }
0x261: {  	[tilespmem:s10+$0xFFFFFFE0] =	vst v0;
	v0 =	vld.idx.msk [tilespmem:v12+s6+$0x0], $0xffff  }
0x262: {  	v63 =	vld.idx.msk [tilespmem:v56+s6+$0x0], $0xffff;
	[tilespmem:s10+$0x10] =	vst v59  }
0x263: {  	[tilespmem:s10+$0x20] =	vst v60;
	v15 =	vld.idx.msk [tilespmem:v15+s9+$0x0], $0xffff  }
0x264: {  	[tilespmem:s10+$0x40] =	vst v61;
	v1 =	vld.idx.msk [tilespmem:v1+s9+$0x0], $0xffff  }
0x265: {  	[tilespmem:s23+$0xFFFFFFA0] =	vst v2;
	v2 =	vld.idx.msk [tilespmem:v10+s9+$0x0], $0xffff  }
0x266: {  	[tilespmem:s10+$0x30] =	vst v0;
	v0 =	vld.idx.msk [tilespmem:v3+s9+$0x0], $0xffff  }
0x267: {  	[tilespmem:s10+$0x50] =	vst v62;
	v3 =	vld.idx.msk [tilespmem:v4+s9+$0x0], $0xffff  }
0x268: {  	[tilespmem:s10+$0x60] =	vst v63;
	v4 =	vld.idx.msk [tilespmem:v5+s9+$0x0], $0xffff  }
0x269: {  	[tilespmem:s23+$0xFFFFFF80] =	vst v15;
	v5 =	vld.idx.msk [tilespmem:v6+s9+$0x0], $0xffff  }
0x26a: {  	[tilespmem:s23+$0xFFFFFF90] =	vst v1;
	v6 =	vld.idx.msk [tilespmem:v7+s9+$0x0], $0xffff  }
0x26b: {  	v7 =	vld.idx.msk [tilespmem:v9+s9+$0x0], $0xffff;
	[tilespmem:s23+$0xFFFFFFB0] =	vst v0  }
0x26c: {  	v1 =	vld.idx.msk [tilespmem:v12+s9+$0x0], $0xffff;
	[tilespmem:s23+$0xFFFFFFC0] =	vst v3  }
0x26d: {  	v0 =	vld.idx.msk [tilespmem:v11+s9+$0x0], $0xffff;
	[tilespmem:s23+$0xFFFFFFD0] =	vst v4  }
0x26e: {  	[tilespmem:s23+$0xFFFFFFE0] =	vst v5;
	v3 =	vld.idx.msk [tilespmem:v13+s9+$0x0], $0xffff  }
0x26f: {  	[tilespmem:s23+$0xFFFFFFF0] =	vst v6;
	v4 =	vld.idx.msk [tilespmem:v14+s9+$0x0], $0xffff  }
0x270: {  	s5 =	simm.s32 $0x180;
	s3 =	simm.s32 $0x0;
	[tilespmem:s23+$0x0] =	vst v7;
	v5 =	vld.idx.msk [tilespmem:v56+s9+$0x0], $0xffff  }
.LBB2_13:
0x271: {  	v6 =	vld [tilespmem:s5+$0x70];
	s3 =	sadd.s32 $0x100, s3;
	[tilespmem:s23+$0x10] =	vst v2  }
0x272: {  	v2 =	vld [tilespmem:s5+$0xFFFFFF90];
	p1 =	slt.u32 s3, $0x3100;
	[tilespmem:s23+$0x20] =	vst v0  }
0x273: {  	v0 =	vld [tilespmem:s5+$0xFFFFFFA0];
	[tilespmem:s23+$0x30] =	vst v1  }
0x274: {  	v1 =	vld [tilespmem:s5+$0xFFFFFFB0];
	[tilespmem:s23+$0x40] =	vst v3  }
0x275: {  	v3 =	vld [tilespmem:s5+$0xFFFFFFC0];
	[tilespmem:s23+$0x50] =	vst v4  }
0x276: {  	v4 =	vld [tilespmem:s5+$0xFFFFFFD0];
	[tilespmem:s23+$0x60] =	vst v5  }
0x277: {  	v5 =	vld [tilespmem:s5+$0xFFFFFFE0]  }
0x278: {  	v7 =	vld [tilespmem:s5+$0xFFFFFFF0]  }
0x279: {  	v8 =	vld.idx.msk [tilespmem:v6+s6+$0x0], $0xffff  }
0x27a: {  	v9 =	vld [tilespmem:s5+$0x0]  }
0x27b: {  	v10 =	vld [tilespmem:s5+$0x10]  }
0x27c: {  	v11 =	vld [tilespmem:s5+$0x20]  }
0x27d: {  	v12 =	vld [tilespmem:s5+$0x30]  }
0x27e: {  	s10 =	sadd.s32 $0x100, s10;
	v13 =	vld [tilespmem:s5+$0x40]  }
0x27f: {  	v14 =	vld [tilespmem:s5+$0x50];
	[tilespmem:s10+$0x70] =	vst v8  }
0x280: {  	v6 =	vld.idx.msk [tilespmem:v6+s9+$0x0], $0xffff  }
0x281: {  	v8 =	vld [tilespmem:s5+$0x60]  }
0x282: {  	v15 =	vld [tilespmem:s5+$0xFFFFFF80]  }
0x283: {  	v16 =	vld.idx.msk [tilespmem:v2+s6+$0x0], $0xffff  }
0x284: {  	v17 =	vld.idx.msk [tilespmem:v0+s6+$0x0], $0xffff  }
0x285: {  	s23 =	sadd.s32 $0x100, s23;
	v18 =	vld.idx.msk [tilespmem:v1+s6+$0x0], $0xffff  }
0x286: {  	v19 =	vld.idx.msk [tilespmem:v3+s6+$0x0], $0xffff;
	[tilespmem:s23+$0x70] =	vst v6  }
0x287: {  	v6 =	vld.idx.msk [tilespmem:v4+s6+$0x0], $0xffff  }
0x288: {  	v20 =	vld.idx.msk [tilespmem:v5+s6+$0x0], $0xffff  }
0x289: {  	[tilespmem:s10+$0xFFFFFF90] =	vst v16;
	v16 =	vld.idx.msk [tilespmem:v7+s6+$0x0], $0xffff  }
0x28a: {  	v21 =	vld.idx.msk [tilespmem:v15+s6+$0x0], $0xffff;
	[tilespmem:s10+$0xFFFFFFA0] =	vst v17  }
0x28b: {  	[tilespmem:s10+$0xFFFFFFB0] =	vst v18;
	v17 =	vld.idx.msk [tilespmem:v9+s6+$0x0], $0xffff  }
0x28c: {  	[tilespmem:s10+$0xFFFFFFC0] =	vst v19;
	v18 =	vld.idx.msk [tilespmem:v10+s6+$0x0], $0xffff  }
0x28d: {  	[tilespmem:s10+$0xFFFFFFD0] =	vst v6;
	v6 =	vld.idx.msk [tilespmem:v11+s6+$0x0], $0xffff  }
0x28e: {  	[tilespmem:s10+$0xFFFFFFE0] =	vst v20;
	v19 =	vld.idx.msk [tilespmem:v12+s6+$0x0], $0xffff  }
0x28f: {  	[tilespmem:s10+$0xFFFFFFF0] =	vst v16;
	v16 =	vld.idx.msk [tilespmem:v13+s6+$0x0], $0xffff  }
0x290: {  	[tilespmem:s10+$0xFFFFFF80] =	vst v21;
	v20 =	vld.idx.msk [tilespmem:v14+s6+$0x0], $0xffff  }
0x291: {  	[tilespmem:s10+$0x0] =	vst v17;
	v17 =	vld.idx.msk [tilespmem:v8+s6+$0x0], $0xffff  }
0x292: {  	v15 =	vld.idx.msk [tilespmem:v15+s9+$0x0], $0xffff;
	[tilespmem:s10+$0x10] =	vst v18  }
0x293: {  	v2 =	vld.idx.msk [tilespmem:v2+s9+$0x0], $0xffff;
	[tilespmem:s10+$0x20] =	vst v6  }
0x294: {  	v0 =	vld.idx.msk [tilespmem:v0+s9+$0x0], $0xffff;
	[tilespmem:s10+$0x30] =	vst v19  }
0x295: {  	v1 =	vld.idx.msk [tilespmem:v1+s9+$0x0], $0xffff;
	[tilespmem:s10+$0x40] =	vst v16  }
0x296: {  	v3 =	vld.idx.msk [tilespmem:v3+s9+$0x0], $0xffff;
	[tilespmem:s10+$0x50] =	vst v20  }
0x297: {  	v4 =	vld.idx.msk [tilespmem:v4+s9+$0x0], $0xffff;
	[tilespmem:s10+$0x60] =	vst v17  }
0x298: {  	[tilespmem:s23+$0xFFFFFF80] =	vst v15;
	v5 =	vld.idx.msk [tilespmem:v5+s9+$0x0], $0xffff  }
0x299: {  	[tilespmem:s23+$0xFFFFFF90] =	vst v2;
	v6 =	vld.idx.msk [tilespmem:v7+s9+$0x0], $0xffff  }
0x29a: {  	[tilespmem:s23+$0xFFFFFFA0] =	vst v0;
	v7 =	vld.idx.msk [tilespmem:v9+s9+$0x0], $0xffff  }
0x29b: {  	[tilespmem:s23+$0xFFFFFFB0] =	vst v1;
	v2 =	vld.idx.msk [tilespmem:v10+s9+$0x0], $0xffff  }
.Ltmp5:
0x29c: {  	[tilespmem:s23+$0xFFFFFFC0] =	vst v3;
	v0 =	vld.idx.msk [tilespmem:v11+s9+$0x0], $0xffff;
	(pc) =	sbr.rel @p1 .LBB2_13-.Ltmp5, $4  }
0x29d: {  	[tilespmem:s23+$0xFFFFFFD0] =	vst v4;
	v1 =	vld.idx.msk [tilespmem:v12+s9+$0x0], $0xffff  }
0x29e: {  	[tilespmem:s23+$0xFFFFFFE0] =	vst v5;
	v3 =	vld.idx.msk [tilespmem:v13+s9+$0x0], $0xffff  }
0x29f: {  	[tilespmem:s23+$0xFFFFFFF0] =	vst v6;
	v4 =	vld.idx.msk [tilespmem:v14+s9+$0x0], $0xffff  }
0x2a0: {  	s5 =	sadd.s32 $0x100, s5;
	[tilespmem:s23+$0x0] =	vst v7;
	v5 =	vld.idx.msk [tilespmem:v8+s9+$0x0], $0xffff  }
0x2a1: {  	s3 =	sshll.u32 s11, $0x6;
	s5 =	rddreg [dreg:$0x3];
	[tilespmem:s23+$0x10] =	vst v2  }
0x2a2: {  	[tilespmem:s23+$0x20] =	vst v0;
	s3 =	sor.u32 s5, s3  }
0x2a3: {  	[tilespmem:s23+$0x30] =	vst v1;
	s3 =	sshrl.u32 s3, $0x3  }
0x2a4: {  	[tilespmem:s23+$0x40] =	vst v3;
	s10 =	smul.u32 $0x64000, s3  }
0x2a5: {  	[tilespmem:s23+$0x50] =	vst v4  }
0x2a6: {  	[tilespmem:s23+$0x60] =	vst v5;
	s3 =	sor.u32 s28, s10  }
0x2a7: {  	s5 =	sld [smem:$0x7FC];
	s3 =	sshrl.u32 s3, $0x3  }
0x2a8: {  	s3 =	sadd.s32 s2, s3  }
0x2a9: {  	[hbm4b:s3+s15] =	stream.strided.scatter [tilespmem:s17], [sflag:$0x3], $0x3200, s16, s15, $0x38;
	[tilespmem:$0x1B000] =	vst v63  }
0x2aa: {  	s3 =	sadd.s32 s5, s10  }
0x2ab: {  	s3 =	sshrl.u32 s3, $0x3  }
0x2ac: {  	s3 =	sadd.s32 s2, s3  }
0x2ad: {  	[hbm4b:s3+s15] =	stream.strided.scatter [tilespmem:s18], [sflag:$0x5], $0x3200, s16, s15, $0x38;
	[tilespmem:$0x1B000] =	vst v63  }
0x2ae: {  	_ =	swait.ge [sflag:s24], $0x3200  }
0x2af: {  	[sflag:s24] =	ssyncset.done $0x0  }
0x2b0: {  	[sflag:s24] =	ssyncadd.s32 $0xFFFFCE00  }
0x2b1: {  	_ =	swait.ge [sflag:s25], $0x3200  }
0x2b2: {  	[sflag:s25] =	ssyncset.done $0x0  }
0x2b3: {  	s7 =	simm.s32 $0x32F0;
	[sflag:s25] =	ssyncadd.s32 $0xFFFFCE00  }
0x2b4: {  	v0 =	vld [tilespmem:s7+$0x0]  }
0x2b5: {  	v1 =	vld [tilespmem:s7+$0xFFFFFF20]  }
0x2b6: {  	v2 =	vld [tilespmem:s7+$0xFFFFFF30]  }
0x2b7: {  	v3 =	vld [tilespmem:s7+$0xFFFFFF40]  }
0x2b8: {  	v4 =	vld [tilespmem:s7+$0xFFFFFF50]  }
0x2b9: {  	v5 =	vld [tilespmem:s7+$0xFFFFFF60]  }
0x2ba: {  	v6 =	vld [tilespmem:s7+$0xFFFFFF70]  }
0x2bb: {  	v7 =	vld [tilespmem:s7+$0xFFFFFF80]  }
0x2bc: {  	v9 =	vld [tilespmem:s7+$0xFFFFFF90]  }
0x2bd: {  	v10 =	vld [tilespmem:s7+$0xFFFFFFA0]  }
0x2be: {  	v11 =	vld [tilespmem:s7+$0xFFFFFFB0]  }
0x2bf: {  	v12 =	vld [tilespmem:s7+$0xFFFFFFC0]  }
0x2c0: {  	v13 =	vld [tilespmem:s7+$0xFFFFFFD0]  }
0x2c1: {  	v14 =	vld [tilespmem:s7+$0xFFFFFFE0]  }
0x2c2: {  	v56 =	vld [tilespmem:s7+$0xFFFFFFF0]  }
0x2c3: {  	v15 =	vld [tilespmem:s7+$0xFFFFFF10]  }
0x2c4: {  	v8 =	vld.idx.msk [tilespmem:v0+s6+$0x0], $0xffff  }
0x2c5: {  	v16 =	vld.idx.msk [tilespmem:v1+s6+$0x0], $0xffff  }
0x2c6: {  	v17 =	vld.idx.msk [tilespmem:v2+s6+$0x0], $0xffff  }
0x2c7: {  	v18 =	vld.idx.msk [tilespmem:v3+s6+$0x0], $0xffff  }
0x2c8: {  	s23 =	simm.s32 $0xFA80;
	v19 =	vld.idx.msk [tilespmem:v4+s6+$0x0], $0xffff  }
0x2c9: {  	v20 =	vld.idx.msk [tilespmem:v5+s6+$0x0], $0xffff;
	[tilespmem:s23+$0x70] =	vst v8  }
0x2ca: {  	v0 =	vld.idx.msk [tilespmem:v0+s9+$0x0], $0xffff  }
0x2cb: {  	v57 =	vld.idx.msk [tilespmem:v7+s6+$0x0], $0xffff;
	[tilespmem:s23+$0xFFFFFF90] =	vst v16  }
0x2cc: {  	v21 =	vld.idx.msk [tilespmem:v15+s6+$0x0], $0xffff;
	[tilespmem:s23+$0xFFFFFFA0] =	vst v17  }
0x2cd: {  	v58 =	vld.idx.msk [tilespmem:v9+s6+$0x0], $0xffff;
	[tilespmem:s23+$0xFFFFFFB0] =	vst v18  }
0x2ce: {  	s3 =	simm.s32 $0x15E80;
	v59 =	vld.idx.msk [tilespmem:v10+s6+$0x0], $0xffff;
	[tilespmem:s23+$0xFFFFFFC0] =	vst v19  }
0x2cf: {  	[tilespmem:s3+$0x70] =	vst v0;
	v0 =	vld.idx.msk [tilespmem:v6+s6+$0x0], $0xffff  }
0x2d0: {  	v60 =	vld.idx.msk [tilespmem:v11+s6+$0x0], $0xffff;
	[tilespmem:s23+$0xFFFFFFD0] =	vst v20  }
0x2d1: {  	v61 =	vld.idx.msk [tilespmem:v13+s6+$0x0], $0xffff;
	[tilespmem:s23+$0xFFFFFFF0] =	vst v57  }
0x2d2: {  	v62 =	vld.idx.msk [tilespmem:v14+s6+$0x0], $0xffff;
	[tilespmem:s23+$0xFFFFFF80] =	vst v21  }
0x2d3: {  	[tilespmem:s23+$0x0] =	vst v58;
	v1 =	vld.idx.msk [tilespmem:v1+s9+$0x0], $0xffff  }
0x2d4: {  	[tilespmem:s23+$0xFFFFFFE0] =	vst v0;
	v0 =	vld.idx.msk [tilespmem:v12+s6+$0x0], $0xffff  }
0x2d5: {  	v63 =	vld.idx.msk [tilespmem:v56+s6+$0x0], $0xffff;
	[tilespmem:s23+$0x10] =	vst v59  }
0x2d6: {  	[tilespmem:s23+$0x20] =	vst v60;
	v15 =	vld.idx.msk [tilespmem:v15+s9+$0x0], $0xffff  }
0x2d7: {  	[tilespmem:s23+$0x40] =	vst v61;
	v2 =	vld.idx.msk [tilespmem:v2+s9+$0x0], $0xffff  }
0x2d8: {  	[tilespmem:s3+$0xFFFFFF90] =	vst v1;
	v1 =	vld.idx.msk [tilespmem:v11+s9+$0x0], $0xffff  }
0x2d9: {  	[tilespmem:s23+$0x30] =	vst v0;
	v0 =	vld.idx.msk [tilespmem:v3+s9+$0x0], $0xffff  }
0x2da: {  	[tilespmem:s23+$0x50] =	vst v62;
	v3 =	vld.idx.msk [tilespmem:v4+s9+$0x0], $0xffff  }
0x2db: {  	[tilespmem:s23+$0x60] =	vst v63;
	v4 =	vld.idx.msk [tilespmem:v5+s9+$0x0], $0xffff  }
0x2dc: {  	[tilespmem:s3+$0xFFFFFF80] =	vst v15;
	v5 =	vld.idx.msk [tilespmem:v6+s9+$0x0], $0xffff  }
0x2dd: {  	[tilespmem:s3+$0xFFFFFFA0] =	vst v2;
	v6 =	vld.idx.msk [tilespmem:v7+s9+$0x0], $0xffff  }
0x2de: {  	v7 =	vld.idx.msk [tilespmem:v9+s9+$0x0], $0xffff;
	[tilespmem:s3+$0xFFFFFFB0] =	vst v0  }
0x2df: {  	v0 =	vld.idx.msk [tilespmem:v10+s9+$0x0], $0xffff;
	[tilespmem:s3+$0xFFFFFFC0] =	vst v3  }
0x2e0: {  	v2 =	vld.idx.msk [tilespmem:v12+s9+$0x0], $0xffff;
	[tilespmem:s3+$0xFFFFFFD0] =	vst v4  }
0x2e1: {  	[tilespmem:s3+$0xFFFFFFE0] =	vst v5;
	v3 =	vld.idx.msk [tilespmem:v13+s9+$0x0], $0xffff  }
0x2e2: {  	[tilespmem:s3+$0xFFFFFFF0] =	vst v6;
	v4 =	vld.idx.msk [tilespmem:v14+s9+$0x0], $0xffff  }
0x2e3: {  	s5 =	simm.s32 $0x0;
	s7 =	simm.s32 $0x33F0;
	[tilespmem:s3+$0x0] =	vst v7;
	v5 =	vld.idx.msk [tilespmem:v56+s9+$0x0], $0xffff  }
.LBB2_15:
0x2e4: {  	v6 =	vld [tilespmem:s7+$0x0];
	s5 =	sadd.s32 $0x100, s5;
	[tilespmem:s3+$0x10] =	vst v0  }
0x2e5: {  	v0 =	vld [tilespmem:s7+$0xFFFFFF20];
	p1 =	slt.u32 s5, $0x3100;
	[tilespmem:s3+$0x20] =	vst v1  }
0x2e6: {  	v1 =	vld [tilespmem:s7+$0xFFFFFF30];
	[tilespmem:s3+$0x30] =	vst v2  }
0x2e7: {  	v2 =	vld [tilespmem:s7+$0xFFFFFF40];
	[tilespmem:s3+$0x40] =	vst v3  }
0x2e8: {  	v3 =	vld [tilespmem:s7+$0xFFFFFF50];
	[tilespmem:s3+$0x50] =	vst v4  }
0x2e9: {  	v4 =	vld [tilespmem:s7+$0xFFFFFF60];
	[tilespmem:s3+$0x60] =	vst v5  }
0x2ea: {  	v5 =	vld [tilespmem:s7+$0xFFFFFF70]  }
0x2eb: {  	v7 =	vld [tilespmem:s7+$0xFFFFFF80]  }
0x2ec: {  	v8 =	vld.idx.msk [tilespmem:v6+s6+$0x0], $0xffff  }
0x2ed: {  	v9 =	vld [tilespmem:s7+$0xFFFFFF90]  }
0x2ee: {  	v10 =	vld [tilespmem:s7+$0xFFFFFFA0]  }
0x2ef: {  	v11 =	vld [tilespmem:s7+$0xFFFFFFB0]  }
0x2f0: {  	v12 =	vld [tilespmem:s7+$0xFFFFFFC0]  }
0x2f1: {  	s23 =	sadd.s32 $0x100, s23;
	v13 =	vld [tilespmem:s7+$0xFFFFFFD0]  }
0x2f2: {  	v14 =	vld [tilespmem:s7+$0xFFFFFFE0];
	[tilespmem:s23+$0x70] =	vst v8  }
0x2f3: {  	v6 =	vld.idx.msk [tilespmem:v6+s9+$0x0], $0xffff  }
0x2f4: {  	v8 =	vld [tilespmem:s7+$0xFFFFFFF0]  }
0x2f5: {  	v15 =	vld [tilespmem:s7+$0xFFFFFF10]  }
0x2f6: {  	v16 =	vld.idx.msk [tilespmem:v0+s6+$0x0], $0xffff  }
0x2f7: {  	v17 =	vld.idx.msk [tilespmem:v1+s6+$0x0], $0xffff  }
0x2f8: {  	s3 =	sadd.s32 $0x100, s3;
	v18 =	vld.idx.msk [tilespmem:v2+s6+$0x0], $0xffff  }
0x2f9: {  	v19 =	vld.idx.msk [tilespmem:v3+s6+$0x0], $0xffff;
	[tilespmem:s3+$0x70] =	vst v6  }
0x2fa: {  	v6 =	vld.idx.msk [tilespmem:v4+s6+$0x0], $0xffff  }
0x2fb: {  	v20 =	vld.idx.msk [tilespmem:v5+s6+$0x0], $0xffff  }
0x2fc: {  	[tilespmem:s23+$0xFFFFFF90] =	vst v16;
	v16 =	vld.idx.msk [tilespmem:v7+s6+$0x0], $0xffff  }
0x2fd: {  	v21 =	vld.idx.msk [tilespmem:v15+s6+$0x0], $0xffff;
	[tilespmem:s23+$0xFFFFFFA0] =	vst v17  }
0x2fe: {  	[tilespmem:s23+$0xFFFFFFB0] =	vst v18;
	v17 =	vld.idx.msk [tilespmem:v9+s6+$0x0], $0xffff  }
0x2ff: {  	[tilespmem:s23+$0xFFFFFFC0] =	vst v19;
	v18 =	vld.idx.msk [tilespmem:v10+s6+$0x0], $0xffff  }
0x300: {  	[tilespmem:s23+$0xFFFFFFD0] =	vst v6;
	v6 =	vld.idx.msk [tilespmem:v11+s6+$0x0], $0xffff  }
0x301: {  	[tilespmem:s23+$0xFFFFFFE0] =	vst v20;
	v19 =	vld.idx.msk [tilespmem:v12+s6+$0x0], $0xffff  }
0x302: {  	[tilespmem:s23+$0xFFFFFFF0] =	vst v16;
	v16 =	vld.idx.msk [tilespmem:v13+s6+$0x0], $0xffff  }
0x303: {  	[tilespmem:s23+$0xFFFFFF80] =	vst v21;
	v20 =	vld.idx.msk [tilespmem:v14+s6+$0x0], $0xffff  }
0x304: {  	[tilespmem:s23+$0x0] =	vst v17;
	v17 =	vld.idx.msk [tilespmem:v8+s6+$0x0], $0xffff  }
0x305: {  	v15 =	vld.idx.msk [tilespmem:v15+s9+$0x0], $0xffff;
	[tilespmem:s23+$0x10] =	vst v18  }
0x306: {  	v0 =	vld.idx.msk [tilespmem:v0+s9+$0x0], $0xffff;
	[tilespmem:s23+$0x20] =	vst v6  }
0x307: {  	v1 =	vld.idx.msk [tilespmem:v1+s9+$0x0], $0xffff;
	[tilespmem:s23+$0x30] =	vst v19  }
0x308: {  	v2 =	vld.idx.msk [tilespmem:v2+s9+$0x0], $0xffff;
	[tilespmem:s23+$0x40] =	vst v16  }
0x309: {  	v3 =	vld.idx.msk [tilespmem:v3+s9+$0x0], $0xffff;
	[tilespmem:s23+$0x50] =	vst v20  }
0x30a: {  	v4 =	vld.idx.msk [tilespmem:v4+s9+$0x0], $0xffff;
	[tilespmem:s23+$0x60] =	vst v17  }
0x30b: {  	[tilespmem:s3+$0xFFFFFF80] =	vst v15;
	v5 =	vld.idx.msk [tilespmem:v5+s9+$0x0], $0xffff  }
0x30c: {  	[tilespmem:s3+$0xFFFFFF90] =	vst v0;
	v6 =	vld.idx.msk [tilespmem:v7+s9+$0x0], $0xffff  }
0x30d: {  	[tilespmem:s3+$0xFFFFFFA0] =	vst v1;
	v7 =	vld.idx.msk [tilespmem:v9+s9+$0x0], $0xffff  }
0x30e: {  	[tilespmem:s3+$0xFFFFFFB0] =	vst v2;
	v0 =	vld.idx.msk [tilespmem:v10+s9+$0x0], $0xffff  }
.Ltmp6:
0x30f: {  	[tilespmem:s3+$0xFFFFFFC0] =	vst v3;
	v1 =	vld.idx.msk [tilespmem:v11+s9+$0x0], $0xffff;
	(pc) =	sbr.rel @p1 .LBB2_15-.Ltmp6, $4  }
0x310: {  	[tilespmem:s3+$0xFFFFFFD0] =	vst v4;
	v2 =	vld.idx.msk [tilespmem:v12+s9+$0x0], $0xffff  }
0x311: {  	[tilespmem:s3+$0xFFFFFFE0] =	vst v5;
	v3 =	vld.idx.msk [tilespmem:v13+s9+$0x0], $0xffff  }
0x312: {  	[tilespmem:s3+$0xFFFFFFF0] =	vst v6;
	v4 =	vld.idx.msk [tilespmem:v14+s9+$0x0], $0xffff  }
0x313: {  	s7 =	sadd.s32 $0x100, s7;
	[tilespmem:s3+$0x0] =	vst v7;
	v5 =	vld.idx.msk [tilespmem:v8+s9+$0x0], $0xffff  }
0x314: {  	[tilespmem:s3+$0x10] =	vst v0  }
0x315: {  	[tilespmem:s3+$0x20] =	vst v1  }
0x316: {  	[tilespmem:s3+$0x30] =	vst v2  }
0x317: {  	[tilespmem:s3+$0x40] =	vst v3  }
0x318: {  	s5 =	sld [smem:$0x7FD];
	_ =	sdelay $0x2  }
0x319: {  	s5 =	sadd.s32 s5, s10  }
0x31a: {  	s23 =	sadd.s32 s29, s10;
	[tilespmem:s3+$0x50] =	vst v4;
	s5 =	sshrl.u32 s5, $0x3  }
0x31b: {  	[tilespmem:s3+$0x60] =	vst v5;
	s3 =	sshrl.u32 s23, $0x3;
	s7 =	sadd.s32 s2, s5  }
0x31c: {  	[hbm4b:s7+s15] =	stream.strided.scatter [tilespmem:s19], [sflag:$0x4], $0x3200, s16, s15, $0x38;
	[tilespmem:$0x1B000] =	vst v63  }
0x31d: {  	s3 =	sadd.s32 s2, s3  }
0x31e: {  	[hbm4b:s3+s15] =	stream.strided.scatter [tilespmem:s20], [sflag:$0x6], $0x3200, s16, s15, $0x38;
	[tilespmem:$0x1B000] =	vst v63  }
0x31f: {  	_ =	swait.ge [sflag:s21], $0x3200  }
0x320: {  	[sflag:s21] =	ssyncset.done $0x0  }
0x321: {  	[sflag:s21] =	ssyncadd.s32 $0xFFFFCE00  }
0x322: {  	_ =	swait.ge [sflag:s22], $0x3200  }
0x323: {  	[sflag:s22] =	ssyncset.done $0x0  }
0x324: {  	s23 =	simm.s32 $0x0;
	[sflag:s22] =	ssyncadd.s32 $0xFFFFCE00  }
0x325: {  	v0 =	vld [tilespmem:s23+$0x64F0]  }
0x326: {  	v1 =	vld [tilespmem:s23+$0x6400]  }
0x327: {  	v2 =	vld [tilespmem:s23+$0x6410]  }
0x328: {  	v3 =	vld [tilespmem:s23+$0x6420]  }
0x329: {  	v4 =	vld [tilespmem:s23+$0x6430]  }
0x32a: {  	v5 =	vld [tilespmem:s23+$0x6440]  }
0x32b: {  	v6 =	vld [tilespmem:s23+$0x6450]  }
0x32c: {  	v7 =	vld [tilespmem:s23+$0x6460]  }
0x32d: {  	v9 =	vld [tilespmem:s23+$0x6470]  }
0x32e: {  	v10 =	vld [tilespmem:s23+$0x6480]  }
0x32f: {  	v11 =	vld [tilespmem:s23+$0x6490]  }
0x330: {  	v12 =	vld [tilespmem:s23+$0x64A0]  }
0x331: {  	v13 =	vld [tilespmem:s23+$0x64B0]  }
0x332: {  	v14 =	vld [tilespmem:s23+$0x64C0]  }
0x333: {  	v15 =	vld [tilespmem:s23+$0x64D0]  }
0x334: {  	v8 =	vld.idx.msk [tilespmem:v0+s6+$0x0], $0xffff  }
0x335: {  	v16 =	vld.idx.msk [tilespmem:v1+s6+$0x0], $0xffff  }
0x336: {  	v17 =	vld.idx.msk [tilespmem:v2+s6+$0x0], $0xffff  }
0x337: {  	v18 =	vld.idx.msk [tilespmem:v3+s6+$0x0], $0xffff  }
0x338: {  	v19 =	vld.idx.msk [tilespmem:v4+s6+$0x0], $0xffff  }
0x339: {  	v20 =	vld.idx.msk [tilespmem:v5+s6+$0x0], $0xffff  }
0x33a: {  	v56 =	vld.idx.msk [tilespmem:v7+s6+$0x0], $0xffff  }
0x33b: {  	v57 =	vld.idx.msk [tilespmem:v9+s6+$0x0], $0xffff;
	[tilespmem:s23+$0xC8F0] =	vst v8  }
0x33c: {  	v58 =	vld.idx.msk [tilespmem:v10+s6+$0x0], $0xffff;
	[tilespmem:s23+$0xC800] =	vst v16  }
0x33d: {  	v59 =	vld.idx.msk [tilespmem:v11+s6+$0x0], $0xffff;
	[tilespmem:s23+$0xC810] =	vst v17  }
0x33e: {  	v60 =	vld.idx.msk [tilespmem:v12+s6+$0x0], $0xffff;
	[tilespmem:s23+$0xC820] =	vst v18  }
0x33f: {  	[tilespmem:s23+$0xC830] =	vst v19;
	v8 =	vld.idx.msk [tilespmem:v0+s9+$0x0], $0xffff  }
0x340: {  	v61 =	vld.idx.msk [tilespmem:v14+s6+$0x0], $0xffff;
	[tilespmem:s23+$0xC840] =	vst v20  }
0x341: {  	v62 =	vld.idx.msk [tilespmem:v15+s6+$0x0], $0xffff;
	[tilespmem:s23+$0xC860] =	vst v56  }
0x342: {  	[tilespmem:s23+$0xC870] =	vst v57;
	v0 =	vld [tilespmem:s23+$0x64E0]  }
0x343: {  	[tilespmem:s23+$0xC880] =	vst v58;
	v1 =	vld.idx.msk [tilespmem:v1+s9+$0x0], $0xffff  }
0x344: {  	[tilespmem:s23+$0x12CF0] =	vst v8;
	v8 =	vld.idx.msk [tilespmem:v6+s6+$0x0], $0xffff  }
0x345: {  	[tilespmem:s23+$0xC890] =	vst v59;
	v2 =	vld.idx.msk [tilespmem:v2+s9+$0x0], $0xffff  }
0x346: {  	[tilespmem:s23+$0xC8A0] =	vst v60;
	v3 =	vld.idx.msk [tilespmem:v3+s9+$0x0], $0xffff  }
0x347: {  	[tilespmem:s23+$0xC8C0] =	vst v61;
	v4 =	vld.idx.msk [tilespmem:v4+s9+$0x0], $0xffff  }
0x348: {  	[tilespmem:s23+$0xC8D0] =	vst v62;
	v5 =	vld.idx.msk [tilespmem:v5+s9+$0x0], $0xffff  }
0x349: {  	[tilespmem:s23+$0xC850] =	vst v8;
	v8 =	vld.idx.msk [tilespmem:v13+s6+$0x0], $0xffff  }
0x34a: {  	v7 =	vld.idx.msk [tilespmem:v7+s9+$0x0], $0xffff;
	[tilespmem:s23+$0x12C00] =	vst v1  }
0x34b: {  	[tilespmem:s23+$0x12C20] =	vst v3;
	v3 =	vld.idx.msk [tilespmem:v10+s9+$0x0], $0xffff  }
0x34c: {  	[tilespmem:s23+$0x12C10] =	vst v2;
	v63 =	vld.idx.msk [tilespmem:v0+s6+$0x0], $0xffff  }
0x34d: {  	[tilespmem:s23+$0x12C30] =	vst v4;
	v6 =	vld.idx.msk [tilespmem:v6+s9+$0x0], $0xffff  }
0x34e: {  	[tilespmem:s23+$0xC8B0] =	vst v8;
	v8 =	vld.idx.msk [tilespmem:v9+s9+$0x0], $0xffff  }
0x34f: {  	v1 =	vld.idx.msk [tilespmem:v11+s9+$0x0], $0xffff;
	[tilespmem:s23+$0x12C40] =	vst v5  }
0x350: {  	v2 =	vld.idx.msk [tilespmem:v12+s9+$0x0], $0xffff;
	[tilespmem:s23+$0x12C60] =	vst v7  }
0x351: {  	v5 =	vld.idx.msk [tilespmem:v14+s9+$0x0], $0xffff;
	[tilespmem:s23+$0xC8E0] =	vst v63  }
0x352: {  	[tilespmem:s23+$0x12C50] =	vst v6;
	v4 =	vld.idx.msk [tilespmem:v13+s9+$0x0], $0xffff  }
0x353: {  	s5 =	simm.s32 $0x400;
	s3 =	simm.s32 $0x0;
	v6 =	vld.idx.msk [tilespmem:v15+s9+$0x0], $0xffff;
	[tilespmem:s23+$0x12C70] =	vst v8  }
.LBB2_17:
0x354: {  	s7 =	sshra.s32 s5, $0x2;
	s3 =	sadd.s32 $0x100, s3;
	[tilespmem:s23+$0x12C80] =	vst v3;
	v0 =	vld.idx.msk [tilespmem:v0+s9+$0x0], $0xffff  }
0x355: {  	v3 =	vld [tilespmem:s7+$0x64F0];
	p1 =	slt.u32 s3, $0x3100;
	[tilespmem:s23+$0x12C90] =	vst v1  }
0x356: {  	v1 =	vld [tilespmem:s7+$0x6400];
	[tilespmem:s23+$0x12CA0] =	vst v2  }
0x357: {  	v2 =	vld [tilespmem:s7+$0x6410];
	[tilespmem:s23+$0x12CB0] =	vst v4  }
0x358: {  	v4 =	vld [tilespmem:s7+$0x6420];
	[tilespmem:s23+$0x12CC0] =	vst v5  }
0x359: {  	v5 =	vld [tilespmem:s7+$0x6430];
	[tilespmem:s23+$0x12CD0] =	vst v6  }
0x35a: {  	v6 =	vld [tilespmem:s7+$0x6440];
	[tilespmem:s23+$0x12CE0] =	vst v0;
	s23 =	smov.u32 s7  }
0x35b: {  	v7 =	vld [tilespmem:s23+$0x6450]  }
0x35c: {  	v8 =	vld [tilespmem:s23+$0x6460]  }
0x35d: {  	v0 =	vld.idx.msk [tilespmem:v3+s6+$0x0], $0xffff  }
0x35e: {  	v9 =	vld [tilespmem:s23+$0x6470]  }
0x35f: {  	v10 =	vld [tilespmem:s23+$0x6480]  }
0x360: {  	v11 =	vld [tilespmem:s23+$0x6490]  }
0x361: {  	v12 =	vld [tilespmem:s23+$0x64A0]  }
0x362: {  	v13 =	vld [tilespmem:s23+$0x64B0]  }
0x363: {  	v14 =	vld [tilespmem:s23+$0x64C0];
	[tilespmem:s23+$0xC8F0] =	vst v0  }
0x364: {  	v3 =	vld.idx.msk [tilespmem:v3+s9+$0x0], $0xffff  }
0x365: {  	v15 =	vld [tilespmem:s23+$0x64D0]  }
0x366: {  	v0 =	vld [tilespmem:s23+$0x64E0]  }
0x367: {  	v16 =	vld.idx.msk [tilespmem:v1+s6+$0x0], $0xffff  }
0x368: {  	v17 =	vld.idx.msk [tilespmem:v2+s6+$0x0], $0xffff  }
0x369: {  	v18 =	vld.idx.msk [tilespmem:v4+s6+$0x0], $0xffff  }
0x36a: {  	v19 =	vld.idx.msk [tilespmem:v5+s6+$0x0], $0xffff;
	[tilespmem:s23+$0x12CF0] =	vst v3  }
0x36b: {  	v3 =	vld.idx.msk [tilespmem:v6+s6+$0x0], $0xffff  }
0x36c: {  	v20 =	vld.idx.msk [tilespmem:v7+s6+$0x0], $0xffff  }
0x36d: {  	[tilespmem:s23+$0xC800] =	vst v16;
	v16 =	vld.idx.msk [tilespmem:v8+s6+$0x0], $0xffff  }
0x36e: {  	[tilespmem:s23+$0xC810] =	vst v17;
	v17 =	vld.idx.msk [tilespmem:v9+s6+$0x0], $0xffff  }
0x36f: {  	[tilespmem:s23+$0xC820] =	vst v18;
	v18 =	vld.idx.msk [tilespmem:v10+s6+$0x0], $0xffff  }
0x370: {  	[tilespmem:s23+$0xC830] =	vst v19;
	v19 =	vld.idx.msk [tilespmem:v11+s6+$0x0], $0xffff  }
0x371: {  	[tilespmem:s23+$0xC840] =	vst v3;
	v3 =	vld.idx.msk [tilespmem:v12+s6+$0x0], $0xffff  }
0x372: {  	[tilespmem:s23+$0xC850] =	vst v20;
	v20 =	vld.idx.msk [tilespmem:v13+s6+$0x0], $0xffff  }
0x373: {  	[tilespmem:s23+$0xC860] =	vst v16;
	v16 =	vld.idx.msk [tilespmem:v14+s6+$0x0], $0xffff  }
0x374: {  	[tilespmem:s23+$0xC870] =	vst v17;
	v17 =	vld.idx.msk [tilespmem:v15+s6+$0x0], $0xffff  }
0x375: {  	[tilespmem:s23+$0xC880] =	vst v18;
	v18 =	vld.idx.msk [tilespmem:v0+s6+$0x0], $0xffff  }
0x376: {  	v1 =	vld.idx.msk [tilespmem:v1+s9+$0x0], $0xffff;
	[tilespmem:s23+$0xC890] =	vst v19  }
0x377: {  	v2 =	vld.idx.msk [tilespmem:v2+s9+$0x0], $0xffff;
	[tilespmem:s23+$0xC8A0] =	vst v3  }
0x378: {  	v3 =	vld.idx.msk [tilespmem:v4+s9+$0x0], $0xffff;
	[tilespmem:s23+$0xC8B0] =	vst v20  }
0x379: {  	v4 =	vld.idx.msk [tilespmem:v5+s9+$0x0], $0xffff;
	[tilespmem:s23+$0xC8C0] =	vst v16  }
0x37a: {  	v5 =	vld.idx.msk [tilespmem:v6+s9+$0x0], $0xffff;
	[tilespmem:s23+$0xC8D0] =	vst v17  }
0x37b: {  	v6 =	vld.idx.msk [tilespmem:v7+s9+$0x0], $0xffff;
	[tilespmem:s23+$0xC8E0] =	vst v18  }
0x37c: {  	[tilespmem:s23+$0x12C00] =	vst v1;
	v7 =	vld.idx.msk [tilespmem:v8+s9+$0x0], $0xffff  }
0x37d: {  	[tilespmem:s23+$0x12C10] =	vst v2;
	v8 =	vld.idx.msk [tilespmem:v9+s9+$0x0], $0xffff  }
0x37e: {  	[tilespmem:s23+$0x12C20] =	vst v3;
	v3 =	vld.idx.msk [tilespmem:v10+s9+$0x0], $0xffff  }
.Ltmp7:
0x37f: {  	[tilespmem:s23+$0x12C30] =	vst v4;
	v1 =	vld.idx.msk [tilespmem:v11+s9+$0x0], $0xffff;
	(pc) =	sbr.rel @p1 .LBB2_17-.Ltmp7, $4  }
0x380: {  	[tilespmem:s23+$0x12C40] =	vst v5;
	v2 =	vld.idx.msk [tilespmem:v12+s9+$0x0], $0xffff  }
0x381: {  	[tilespmem:s23+$0x12C50] =	vst v6;
	v4 =	vld.idx.msk [tilespmem:v13+s9+$0x0], $0xffff  }
0x382: {  	[tilespmem:s23+$0x12C60] =	vst v7;
	v5 =	vld.idx.msk [tilespmem:v14+s9+$0x0], $0xffff  }
0x383: {  	s5 =	sadd.s32 $0x400, s5;
	[tilespmem:s23+$0x12C70] =	vst v8;
	v6 =	vld.idx.msk [tilespmem:v15+s9+$0x0], $0xffff  }
0x384: {  	_ =	sdelay $0x2  }
0x385: {  	[tilespmem:s23+$0x12C80] =	vst v3  }
0x386: {  	v0 =	vld.idx.msk [tilespmem:v0+s9+$0x0], $0xffff;
	[tilespmem:s23+$0x12C90] =	vst v1  }
0x387: {  	[tilespmem:s23+$0x12CA0] =	vst v2  }
0x388: {  	[tilespmem:s23+$0x12CB0] =	vst v4  }
0x389: {  	s3 =	sadd.s32 s30, s10;
	[tilespmem:s23+$0x12CC0] =	vst v5  }
0x38a: {  	s3 =	sshrl.u32 s3, $0x3;
	[tilespmem:s23+$0x12CD0] =	vst v6  }
0x38b: {  	s3 =	sadd.s32 s2, s3;
	[tilespmem:s23+$0x12CE0] =	vst v0;
	s23 =	sadd.s32 s31, s10  }
0x38c: {  	[hbm4b:s3+s15] =	stream.strided.scatter [tilespmem:s17], [sflag:$0x3], $0x3200, s16, s15, $0x38;
	[tilespmem:$0x1B000] =	vst v63  }
0x38d: {  	s3 =	sshrl.u32 s23, $0x3  }
0x38e: {  	s3 =	sadd.s32 s2, s3  }
0x38f: {  	[hbm4b:s3+s15] =	stream.strided.scatter [tilespmem:s18], [sflag:$0x5], $0x3200, s16, s15, $0x38;
	[tilespmem:$0x1B000] =	vst v63  }
0x390: {  	_ =	swait.ge [sflag:s24], $0x3200  }
0x391: {  	[sflag:s24] =	ssyncset.done $0x0  }
0x392: {  	[sflag:s24] =	ssyncadd.s32 $0xFFFFCE00  }
0x393: {  	_ =	swait.ge [sflag:s25], $0x3200  }
0x394: {  	[sflag:s25] =	ssyncset.done $0x0  }
0x395: {  	s23 =	simm.s32 $0x0;
	[sflag:s25] =	ssyncadd.s32 $0xFFFFCE00  }
0x396: {  	v0 =	vld [tilespmem:s23+$0x96F0]  }
0x397: {  	v1 =	vld [tilespmem:s23+$0x9600]  }
0x398: {  	v2 =	vld [tilespmem:s23+$0x9610]  }
0x399: {  	v3 =	vld [tilespmem:s23+$0x9620]  }
0x39a: {  	v4 =	vld [tilespmem:s23+$0x9630]  }
0x39b: {  	v5 =	vld [tilespmem:s23+$0x9640]  }
0x39c: {  	v6 =	vld [tilespmem:s23+$0x9650]  }
0x39d: {  	v7 =	vld [tilespmem:s23+$0x9660]  }
0x39e: {  	v9 =	vld [tilespmem:s23+$0x9670]  }
0x39f: {  	v10 =	vld [tilespmem:s23+$0x9680]  }
0x3a0: {  	v11 =	vld [tilespmem:s23+$0x9690]  }
0x3a1: {  	v12 =	vld [tilespmem:s23+$0x96A0]  }
0x3a2: {  	v13 =	vld [tilespmem:s23+$0x96B0]  }
0x3a3: {  	v14 =	vld [tilespmem:s23+$0x96C0]  }
0x3a4: {  	v15 =	vld [tilespmem:s23+$0x96D0]  }
0x3a5: {  	v8 =	vld.idx.msk [tilespmem:v0+s6+$0x0], $0xffff  }
0x3a6: {  	v16 =	vld.idx.msk [tilespmem:v1+s6+$0x0], $0xffff  }
0x3a7: {  	v17 =	vld.idx.msk [tilespmem:v2+s6+$0x0], $0xffff  }
0x3a8: {  	v18 =	vld.idx.msk [tilespmem:v3+s6+$0x0], $0xffff  }
0x3a9: {  	v19 =	vld.idx.msk [tilespmem:v4+s6+$0x0], $0xffff  }
0x3aa: {  	v20 =	vld.idx.msk [tilespmem:v5+s6+$0x0], $0xffff  }
0x3ab: {  	v56 =	vld.idx.msk [tilespmem:v7+s6+$0x0], $0xffff  }
0x3ac: {  	v57 =	vld.idx.msk [tilespmem:v9+s6+$0x0], $0xffff;
	[tilespmem:s23+$0xFAF0] =	vst v8  }
0x3ad: {  	v58 =	vld.idx.msk [tilespmem:v10+s6+$0x0], $0xffff;
	[tilespmem:s23+$0xFA00] =	vst v16  }
0x3ae: {  	v59 =	vld.idx.msk [tilespmem:v11+s6+$0x0], $0xffff;
	[tilespmem:s23+$0xFA10] =	vst v17  }
0x3af: {  	v60 =	vld.idx.msk [tilespmem:v12+s6+$0x0], $0xffff;
	[tilespmem:s23+$0xFA20] =	vst v18  }
0x3b0: {  	[tilespmem:s23+$0xFA30] =	vst v19;
	v8 =	vld.idx.msk [tilespmem:v0+s9+$0x0], $0xffff  }
0x3b1: {  	v61 =	vld.idx.msk [tilespmem:v14+s6+$0x0], $0xffff;
	[tilespmem:s23+$0xFA40] =	vst v20  }
0x3b2: {  	v62 =	vld.idx.msk [tilespmem:v15+s6+$0x0], $0xffff;
	[tilespmem:s23+$0xFA60] =	vst v56  }
0x3b3: {  	[tilespmem:s23+$0xFA70] =	vst v57;
	v0 =	vld [tilespmem:s23+$0x96E0]  }
0x3b4: {  	[tilespmem:s23+$0xFA80] =	vst v58;
	v1 =	vld.idx.msk [tilespmem:v1+s9+$0x0], $0xffff  }
0x3b5: {  	[tilespmem:s23+$0x15EF0] =	vst v8;
	v8 =	vld.idx.msk [tilespmem:v6+s6+$0x0], $0xffff  }
0x3b6: {  	[tilespmem:s23+$0xFA90] =	vst v59;
	v2 =	vld.idx.msk [tilespmem:v2+s9+$0x0], $0xffff  }
0x3b7: {  	[tilespmem:s23+$0xFAA0] =	vst v60;
	v3 =	vld.idx.msk [tilespmem:v3+s9+$0x0], $0xffff  }
0x3b8: {  	[tilespmem:s23+$0xFAC0] =	vst v61;
	v4 =	vld.idx.msk [tilespmem:v4+s9+$0x0], $0xffff  }
0x3b9: {  	[tilespmem:s23+$0xFAD0] =	vst v62;
	v5 =	vld.idx.msk [tilespmem:v5+s9+$0x0], $0xffff  }
0x3ba: {  	[tilespmem:s23+$0xFA50] =	vst v8;
	v8 =	vld.idx.msk [tilespmem:v13+s6+$0x0], $0xffff  }
0x3bb: {  	v7 =	vld.idx.msk [tilespmem:v7+s9+$0x0], $0xffff;
	[tilespmem:s23+$0x15E00] =	vst v1  }
0x3bc: {  	[tilespmem:s23+$0x15E20] =	vst v3;
	v3 =	vld.idx.msk [tilespmem:v10+s9+$0x0], $0xffff  }
0x3bd: {  	[tilespmem:s23+$0x15E10] =	vst v2;
	v63 =	vld.idx.msk [tilespmem:v0+s6+$0x0], $0xffff  }
0x3be: {  	[tilespmem:s23+$0x15E30] =	vst v4;
	v6 =	vld.idx.msk [tilespmem:v6+s9+$0x0], $0xffff  }
0x3bf: {  	[tilespmem:s23+$0xFAB0] =	vst v8;
	v8 =	vld.idx.msk [tilespmem:v9+s9+$0x0], $0xffff  }
0x3c0: {  	v1 =	vld.idx.msk [tilespmem:v11+s9+$0x0], $0xffff;
	[tilespmem:s23+$0x15E40] =	vst v5  }
0x3c1: {  	v2 =	vld.idx.msk [tilespmem:v12+s9+$0x0], $0xffff;
	[tilespmem:s23+$0x15E60] =	vst v7  }
0x3c2: {  	v5 =	vld.idx.msk [tilespmem:v14+s9+$0x0], $0xffff;
	[tilespmem:s23+$0xFAE0] =	vst v63  }
0x3c3: {  	[tilespmem:s23+$0x15E50] =	vst v6;
	v4 =	vld.idx.msk [tilespmem:v13+s9+$0x0], $0xffff  }
0x3c4: {  	s5 =	simm.s32 $0x400;
	s3 =	simm.s32 $0x0;
	v6 =	vld.idx.msk [tilespmem:v15+s9+$0x0], $0xffff;
	[tilespmem:s23+$0x15E70] =	vst v8  }
.LBB2_19:
0x3c5: {  	s7 =	sshra.s32 s5, $0x2;
	s3 =	sadd.s32 $0x100, s3;
	[tilespmem:s23+$0x15E80] =	vst v3;
	v0 =	vld.idx.msk [tilespmem:v0+s9+$0x0], $0xffff  }
0x3c6: {  	v3 =	vld [tilespmem:s7+$0x96F0];
	p1 =	slt.u32 s3, $0x3100;
	[tilespmem:s23+$0x15E90] =	vst v1  }
0x3c7: {  	v1 =	vld [tilespmem:s7+$0x9600];
	[tilespmem:s23+$0x15EA0] =	vst v2  }
0x3c8: {  	v2 =	vld [tilespmem:s7+$0x9610];
	[tilespmem:s23+$0x15EB0] =	vst v4  }
0x3c9: {  	v4 =	vld [tilespmem:s7+$0x9620];
	[tilespmem:s23+$0x15EC0] =	vst v5  }
0x3ca: {  	v5 =	vld [tilespmem:s7+$0x9630];
	[tilespmem:s23+$0x15ED0] =	vst v6  }
0x3cb: {  	v6 =	vld [tilespmem:s7+$0x9640];
	[tilespmem:s23+$0x15EE0] =	vst v0;
	s23 =	smov.u32 s7  }
0x3cc: {  	v7 =	vld [tilespmem:s23+$0x9650]  }
0x3cd: {  	v8 =	vld [tilespmem:s23+$0x9660]  }
0x3ce: {  	v0 =	vld.idx.msk [tilespmem:v3+s6+$0x0], $0xffff  }
0x3cf: {  	v9 =	vld [tilespmem:s23+$0x9670]  }
0x3d0: {  	v10 =	vld [tilespmem:s23+$0x9680]  }
0x3d1: {  	v11 =	vld [tilespmem:s23+$0x9690]  }
0x3d2: {  	v12 =	vld [tilespmem:s23+$0x96A0]  }
0x3d3: {  	v13 =	vld [tilespmem:s23+$0x96B0]  }
0x3d4: {  	v14 =	vld [tilespmem:s23+$0x96C0];
	[tilespmem:s23+$0xFAF0] =	vst v0  }
0x3d5: {  	v3 =	vld.idx.msk [tilespmem:v3+s9+$0x0], $0xffff  }
0x3d6: {  	v15 =	vld [tilespmem:s23+$0x96D0]  }
0x3d7: {  	v0 =	vld [tilespmem:s23+$0x96E0]  }
0x3d8: {  	v16 =	vld.idx.msk [tilespmem:v1+s6+$0x0], $0xffff  }
0x3d9: {  	v17 =	vld.idx.msk [tilespmem:v2+s6+$0x0], $0xffff  }
0x3da: {  	v18 =	vld.idx.msk [tilespmem:v4+s6+$0x0], $0xffff  }
0x3db: {  	v19 =	vld.idx.msk [tilespmem:v5+s6+$0x0], $0xffff;
	[tilespmem:s23+$0x15EF0] =	vst v3  }
0x3dc: {  	v3 =	vld.idx.msk [tilespmem:v6+s6+$0x0], $0xffff  }
0x3dd: {  	v20 =	vld.idx.msk [tilespmem:v7+s6+$0x0], $0xffff  }
0x3de: {  	[tilespmem:s23+$0xFA00] =	vst v16;
	v16 =	vld.idx.msk [tilespmem:v8+s6+$0x0], $0xffff  }
0x3df: {  	[tilespmem:s23+$0xFA10] =	vst v17;
	v17 =	vld.idx.msk [tilespmem:v9+s6+$0x0], $0xffff  }
0x3e0: {  	[tilespmem:s23+$0xFA20] =	vst v18;
	v18 =	vld.idx.msk [tilespmem:v10+s6+$0x0], $0xffff  }
0x3e1: {  	[tilespmem:s23+$0xFA30] =	vst v19;
	v19 =	vld.idx.msk [tilespmem:v11+s6+$0x0], $0xffff  }
0x3e2: {  	[tilespmem:s23+$0xFA40] =	vst v3;
	v3 =	vld.idx.msk [tilespmem:v12+s6+$0x0], $0xffff  }
0x3e3: {  	[tilespmem:s23+$0xFA50] =	vst v20;
	v20 =	vld.idx.msk [tilespmem:v13+s6+$0x0], $0xffff  }
0x3e4: {  	[tilespmem:s23+$0xFA60] =	vst v16;
	v16 =	vld.idx.msk [tilespmem:v14+s6+$0x0], $0xffff  }
0x3e5: {  	[tilespmem:s23+$0xFA70] =	vst v17;
	v17 =	vld.idx.msk [tilespmem:v15+s6+$0x0], $0xffff  }
0x3e6: {  	[tilespmem:s23+$0xFA80] =	vst v18;
	v18 =	vld.idx.msk [tilespmem:v0+s6+$0x0], $0xffff  }
0x3e7: {  	v1 =	vld.idx.msk [tilespmem:v1+s9+$0x0], $0xffff;
	[tilespmem:s23+$0xFA90] =	vst v19  }
0x3e8: {  	v2 =	vld.idx.msk [tilespmem:v2+s9+$0x0], $0xffff;
	[tilespmem:s23+$0xFAA0] =	vst v3  }
0x3e9: {  	v3 =	vld.idx.msk [tilespmem:v4+s9+$0x0], $0xffff;
	[tilespmem:s23+$0xFAB0] =	vst v20  }
0x3ea: {  	v4 =	vld.idx.msk [tilespmem:v5+s9+$0x0], $0xffff;
	[tilespmem:s23+$0xFAC0] =	vst v16  }
0x3eb: {  	v5 =	vld.idx.msk [tilespmem:v6+s9+$0x0], $0xffff;
	[tilespmem:s23+$0xFAD0] =	vst v17  }
0x3ec: {  	v6 =	vld.idx.msk [tilespmem:v7+s9+$0x0], $0xffff;
	[tilespmem:s23+$0xFAE0] =	vst v18  }
0x3ed: {  	[tilespmem:s23+$0x15E00] =	vst v1;
	v7 =	vld.idx.msk [tilespmem:v8+s9+$0x0], $0xffff  }
0x3ee: {  	[tilespmem:s23+$0x15E10] =	vst v2;
	v8 =	vld.idx.msk [tilespmem:v9+s9+$0x0], $0xffff  }
0x3ef: {  	[tilespmem:s23+$0x15E20] =	vst v3;
	v3 =	vld.idx.msk [tilespmem:v10+s9+$0x0], $0xffff  }
.Ltmp8:
0x3f0: {  	[tilespmem:s23+$0x15E30] =	vst v4;
	v1 =	vld.idx.msk [tilespmem:v11+s9+$0x0], $0xffff;
	(pc) =	sbr.rel @p1 .LBB2_19-.Ltmp8, $4  }
0x3f1: {  	[tilespmem:s23+$0x15E40] =	vst v5;
	v2 =	vld.idx.msk [tilespmem:v12+s9+$0x0], $0xffff  }
0x3f2: {  	[tilespmem:s23+$0x15E50] =	vst v6;
	v4 =	vld.idx.msk [tilespmem:v13+s9+$0x0], $0xffff  }
0x3f3: {  	[tilespmem:s23+$0x15E60] =	vst v7;
	v5 =	vld.idx.msk [tilespmem:v14+s9+$0x0], $0xffff  }
0x3f4: {  	s5 =	sadd.s32 $0x400, s5;
	[tilespmem:s23+$0x15E70] =	vst v8;
	v6 =	vld.idx.msk [tilespmem:v15+s9+$0x0], $0xffff  }
0x3f5: {  	_ =	sdelay $0x2  }
0x3f6: {  	[tilespmem:s23+$0x15E80] =	vst v3  }
0x3f7: {  	v0 =	vld.idx.msk [tilespmem:v0+s9+$0x0], $0xffff;
	[tilespmem:s23+$0x15E90] =	vst v1  }
0x3f8: {  	[tilespmem:s23+$0x15EA0] =	vst v2  }
0x3f9: {  	[tilespmem:s23+$0x15EB0] =	vst v4  }
0x3fa: {  	s3 =	sadd.s32 s1, s10;
	[tilespmem:s23+$0x15EC0] =	vst v5  }
0x3fb: {  	s3 =	sshrl.u32 s3, $0x3;
	[tilespmem:s23+$0x15ED0] =	vst v6  }
0x3fc: {  	s7 =	sadd.s32 s0, s10;
	s3 =	sadd.s32 s2, s3;
	[tilespmem:s23+$0x15EE0] =	vst v0  }
0x3fd: {  	[hbm4b:s3+s15] =	stream.strided.scatter [tilespmem:s19], [sflag:$0x4], $0x3200, s16, s15, $0x38;
	[tilespmem:$0x1B000] =	vst v63  }
0x3fe: {  	s11 =	sadd.s32 $0x1, s11;
	s3 =	sshrl.u32 s7, $0x3  }
0x3ff: {  	s10 =	sshll.u32 s11, $0x6;
	s3 =	sadd.s32 s2, s3  }
0x400: {  	[hbm4b:s3+s15] =	stream.strided.scatter [tilespmem:s20], [sflag:$0x6], $0x3200, s16, s15, $0x38;
	[tilespmem:$0x1B000] =	vst v63  }
0x401: {  	s3 =	sor.u32 s26, s10  }
0x402: {  	p1 =	sne.s32 s11, $0xF;
	s5 =	sor.u32 $0x20, s3;
	s3 =	sshll.u32 s3, $0x7  }
.Ltmp9:
0x403: {  	s5 =	smin.u32 s5, $0x3E7;
	s3 =	sadd.s32 s8, s3;
	(pc) =	sbr.rel @p1 .LBB2_12-.Ltmp9, $4  }
0x404: {  	[tilespmem:s6], [sflag:$0x1] =	stream.linear.gather [hbm4b:s3+s4], $0x400, $0x38;
	[tilespmem:$0x1B000] =	vst v63  }
0x405: {  	s23 =	sshll.u32 s5, $0x7  }
0x406: {  	s3 =	sadd.s32 s8, s23  }
0x407: {  	[tilespmem:s9], [sflag:$0x2] =	stream.linear.gather [hbm4b:s3+s4], $0x400, $0x38;
	[tilespmem:$0x1B000] =	vst v63  }
0x408: {  	_ =	swait.ge [sflag:s13], $0x400  }
0x409: {  	[sflag:s13] =	ssyncset.done $0x0  }
0x40a: {  	[sflag:s13] =	ssyncadd.s32 $0xFFFFFC00  }
0x40b: {  	_ =	swait.ge [sflag:s14], $0x400  }
.Ltmp10:
0x40c: {  	[sflag:s14] =	ssyncset.done $0x0;
	(pc) =	sbr.rel @p0 .LBB2_22-.Ltmp10, $4  }
0x40d: {  	[sflag:s14] =	ssyncadd.s32 $0xFFFFFC00  }
0x40e: {  	_ =	swait.ge [sflag:s21], $0x3200  }
0x40f: {  	[sflag:s21] =	ssyncset.done $0x0  }
0x410: {  	[sflag:s21] =	ssyncadd.s32 $0xFFFFCE00  }
0x411: {  	_ =	swait.ge [sflag:s22], $0x3200  }
0x412: {  	[sflag:s22] =	ssyncset.done $0x0  }
0x413: {  	s3 =	simm.s32 $0x80;
	[sflag:s22] =	ssyncadd.s32 $0xFFFFCE00  }
0x414: {  	v0 =	vld [tilespmem:s3+$0x70]  }
0x415: {  	v1 =	vld [tilespmem:s3+$0xFFFFFF90]  }
0x416: {  	v2 =	vld [tilespmem:s3+$0xFFFFFFA0]  }
0x417: {  	v3 =	vld [tilespmem:s3+$0xFFFFFFB0]  }
0x418: {  	v4 =	vld [tilespmem:s3+$0xFFFFFFC0]  }
0x419: {  	v5 =	vld [tilespmem:s3+$0xFFFFFFD0]  }
0x41a: {  	v6 =	vld [tilespmem:s3+$0xFFFFFFE0]  }
0x41b: {  	v7 =	vld [tilespmem:s3+$0xFFFFFFF0]  }
0x41c: {  	v9 =	vld [tilespmem:s3+$0x0]  }
0x41d: {  	v10 =	vld [tilespmem:s3+$0x10]  }
0x41e: {  	v11 =	vld [tilespmem:s3+$0x20]  }
0x41f: {  	v12 =	vld [tilespmem:s3+$0x30]  }
0x420: {  	v13 =	vld [tilespmem:s3+$0x40]  }
0x421: {  	v14 =	vld [tilespmem:s3+$0x50]  }
0x422: {  	v56 =	vld [tilespmem:s3+$0x60]  }
0x423: {  	v15 =	vld [tilespmem:s3+$0xFFFFFF80]  }
0x424: {  	v8 =	vld.idx.msk [tilespmem:v0+s6+$0x0], $0xffff  }
0x425: {  	v16 =	vld.idx.msk [tilespmem:v1+s6+$0x0], $0xffff  }
0x426: {  	v17 =	vld.idx.msk [tilespmem:v2+s6+$0x0], $0xffff  }
0x427: {  	v18 =	vld.idx.msk [tilespmem:v3+s6+$0x0], $0xffff  }
0x428: {  	s10 =	simm.s32 $0xC880;
	v19 =	vld.idx.msk [tilespmem:v4+s6+$0x0], $0xffff  }
0x429: {  	v20 =	vld.idx.msk [tilespmem:v5+s6+$0x0], $0xffff;
	[tilespmem:s10+$0x70] =	vst v8  }
0x42a: {  	v0 =	vld.idx.msk [tilespmem:v0+s9+$0x0], $0xffff  }
0x42b: {  	v57 =	vld.idx.msk [tilespmem:v7+s6+$0x0], $0xffff;
	[tilespmem:s10+$0xFFFFFF90] =	vst v16  }
0x42c: {  	v21 =	vld.idx.msk [tilespmem:v15+s6+$0x0], $0xffff;
	[tilespmem:s10+$0xFFFFFFA0] =	vst v17  }
0x42d: {  	v58 =	vld.idx.msk [tilespmem:v9+s6+$0x0], $0xffff;
	[tilespmem:s10+$0xFFFFFFB0] =	vst v18  }
0x42e: {  	s3 =	simm.s32 $0x12C80;
	v59 =	vld.idx.msk [tilespmem:v10+s6+$0x0], $0xffff;
	[tilespmem:s10+$0xFFFFFFC0] =	vst v19  }
0x42f: {  	[tilespmem:s3+$0x70] =	vst v0;
	v0 =	vld.idx.msk [tilespmem:v6+s6+$0x0], $0xffff  }
0x430: {  	v60 =	vld.idx.msk [tilespmem:v11+s6+$0x0], $0xffff;
	[tilespmem:s10+$0xFFFFFFD0] =	vst v20  }
0x431: {  	v61 =	vld.idx.msk [tilespmem:v13+s6+$0x0], $0xffff;
	[tilespmem:s10+$0xFFFFFFF0] =	vst v57  }
0x432: {  	v62 =	vld.idx.msk [tilespmem:v14+s6+$0x0], $0xffff;
	[tilespmem:s10+$0xFFFFFF80] =	vst v21  }
0x433: {  	[tilespmem:s10+$0x0] =	vst v58;
	v1 =	vld.idx.msk [tilespmem:v1+s9+$0x0], $0xffff  }
0x434: {  	[tilespmem:s10+$0xFFFFFFE0] =	vst v0;
	v0 =	vld.idx.msk [tilespmem:v12+s6+$0x0], $0xffff  }
0x435: {  	v63 =	vld.idx.msk [tilespmem:v56+s6+$0x0], $0xffff;
	[tilespmem:s10+$0x10] =	vst v59  }
0x436: {  	[tilespmem:s10+$0x20] =	vst v60;
	v15 =	vld.idx.msk [tilespmem:v15+s9+$0x0], $0xffff  }
0x437: {  	[tilespmem:s10+$0x40] =	vst v61;
	v2 =	vld.idx.msk [tilespmem:v2+s9+$0x0], $0xffff  }
0x438: {  	[tilespmem:s3+$0xFFFFFF90] =	vst v1;
	v1 =	vld.idx.msk [tilespmem:v11+s9+$0x0], $0xffff  }
0x439: {  	[tilespmem:s10+$0x30] =	vst v0;
	v0 =	vld.idx.msk [tilespmem:v3+s9+$0x0], $0xffff  }
0x43a: {  	[tilespmem:s10+$0x50] =	vst v62;
	v3 =	vld.idx.msk [tilespmem:v4+s9+$0x0], $0xffff  }
0x43b: {  	[tilespmem:s10+$0x60] =	vst v63;
	v4 =	vld.idx.msk [tilespmem:v5+s9+$0x0], $0xffff  }
0x43c: {  	[tilespmem:s3+$0xFFFFFF80] =	vst v15;
	v5 =	vld.idx.msk [tilespmem:v6+s9+$0x0], $0xffff  }
0x43d: {  	[tilespmem:s3+$0xFFFFFFA0] =	vst v2;
	v6 =	vld.idx.msk [tilespmem:v7+s9+$0x0], $0xffff  }
0x43e: {  	v7 =	vld.idx.msk [tilespmem:v9+s9+$0x0], $0xffff;
	[tilespmem:s3+$0xFFFFFFB0] =	vst v0  }
0x43f: {  	v0 =	vld.idx.msk [tilespmem:v10+s9+$0x0], $0xffff;
	[tilespmem:s3+$0xFFFFFFC0] =	vst v3  }
0x440: {  	v2 =	vld.idx.msk [tilespmem:v12+s9+$0x0], $0xffff;
	[tilespmem:s3+$0xFFFFFFD0] =	vst v4  }
0x441: {  	[tilespmem:s3+$0xFFFFFFE0] =	vst v5;
	v3 =	vld.idx.msk [tilespmem:v13+s9+$0x0], $0xffff  }
0x442: {  	[tilespmem:s3+$0xFFFFFFF0] =	vst v6;
	v4 =	vld.idx.msk [tilespmem:v14+s9+$0x0], $0xffff  }
0x443: {  	s5 =	simm.s32 $0x0;
	s7 =	simm.s32 $0x180;
	[tilespmem:s3+$0x0] =	vst v7;
	v5 =	vld.idx.msk [tilespmem:v56+s9+$0x0], $0xffff  }
.LBB2_32:
0x444: {  	v6 =	vld [tilespmem:s7+$0x70];
	s5 =	sadd.s32 $0x100, s5;
	[tilespmem:s3+$0x10] =	vst v0  }
0x445: {  	v0 =	vld [tilespmem:s7+$0xFFFFFF90];
	p1 =	slt.u32 s5, $0x3100;
	[tilespmem:s3+$0x20] =	vst v1  }
0x446: {  	v1 =	vld [tilespmem:s7+$0xFFFFFFA0];
	[tilespmem:s3+$0x30] =	vst v2  }
0x447: {  	v2 =	vld [tilespmem:s7+$0xFFFFFFB0];
	[tilespmem:s3+$0x40] =	vst v3  }
0x448: {  	v3 =	vld [tilespmem:s7+$0xFFFFFFC0];
	[tilespmem:s3+$0x50] =	vst v4  }
0x449: {  	v4 =	vld [tilespmem:s7+$0xFFFFFFD0];
	[tilespmem:s3+$0x60] =	vst v5  }
0x44a: {  	v5 =	vld [tilespmem:s7+$0xFFFFFFE0]  }
0x44b: {  	v7 =	vld [tilespmem:s7+$0xFFFFFFF0]  }
0x44c: {  	v8 =	vld.idx.msk [tilespmem:v6+s6+$0x0], $0xffff  }
0x44d: {  	v9 =	vld [tilespmem:s7+$0x0]  }
0x44e: {  	v10 =	vld [tilespmem:s7+$0x10]  }
0x44f: {  	v11 =	vld [tilespmem:s7+$0x20]  }
0x450: {  	v12 =	vld [tilespmem:s7+$0x30]  }
0x451: {  	s10 =	sadd.s32 $0x100, s10;
	v13 =	vld [tilespmem:s7+$0x40]  }
0x452: {  	v14 =	vld [tilespmem:s7+$0x50];
	[tilespmem:s10+$0x70] =	vst v8  }
0x453: {  	v6 =	vld.idx.msk [tilespmem:v6+s9+$0x0], $0xffff  }
0x454: {  	v8 =	vld [tilespmem:s7+$0x60]  }
0x455: {  	v15 =	vld [tilespmem:s7+$0xFFFFFF80]  }
0x456: {  	v16 =	vld.idx.msk [tilespmem:v0+s6+$0x0], $0xffff  }
0x457: {  	v17 =	vld.idx.msk [tilespmem:v1+s6+$0x0], $0xffff  }
0x458: {  	s3 =	sadd.s32 $0x100, s3;
	v18 =	vld.idx.msk [tilespmem:v2+s6+$0x0], $0xffff  }
0x459: {  	v19 =	vld.idx.msk [tilespmem:v3+s6+$0x0], $0xffff;
	[tilespmem:s3+$0x70] =	vst v6  }
0x45a: {  	v6 =	vld.idx.msk [tilespmem:v4+s6+$0x0], $0xffff  }
0x45b: {  	v20 =	vld.idx.msk [tilespmem:v5+s6+$0x0], $0xffff  }
0x45c: {  	[tilespmem:s10+$0xFFFFFF90] =	vst v16;
	v16 =	vld.idx.msk [tilespmem:v7+s6+$0x0], $0xffff  }
0x45d: {  	v21 =	vld.idx.msk [tilespmem:v15+s6+$0x0], $0xffff;
	[tilespmem:s10+$0xFFFFFFA0] =	vst v17  }
0x45e: {  	[tilespmem:s10+$0xFFFFFFB0] =	vst v18;
	v17 =	vld.idx.msk [tilespmem:v9+s6+$0x0], $0xffff  }
0x45f: {  	[tilespmem:s10+$0xFFFFFFC0] =	vst v19;
	v18 =	vld.idx.msk [tilespmem:v10+s6+$0x0], $0xffff  }
0x460: {  	[tilespmem:s10+$0xFFFFFFD0] =	vst v6;
	v6 =	vld.idx.msk [tilespmem:v11+s6+$0x0], $0xffff  }
0x461: {  	[tilespmem:s10+$0xFFFFFFE0] =	vst v20;
	v19 =	vld.idx.msk [tilespmem:v12+s6+$0x0], $0xffff  }
0x462: {  	[tilespmem:s10+$0xFFFFFFF0] =	vst v16;
	v16 =	vld.idx.msk [tilespmem:v13+s6+$0x0], $0xffff  }
0x463: {  	[tilespmem:s10+$0xFFFFFF80] =	vst v21;
	v20 =	vld.idx.msk [tilespmem:v14+s6+$0x0], $0xffff  }
0x464: {  	[tilespmem:s10+$0x0] =	vst v17;
	v17 =	vld.idx.msk [tilespmem:v8+s6+$0x0], $0xffff  }
0x465: {  	v15 =	vld.idx.msk [tilespmem:v15+s9+$0x0], $0xffff;
	[tilespmem:s10+$0x10] =	vst v18  }
0x466: {  	v0 =	vld.idx.msk [tilespmem:v0+s9+$0x0], $0xffff;
	[tilespmem:s10+$0x20] =	vst v6  }
0x467: {  	v1 =	vld.idx.msk [tilespmem:v1+s9+$0x0], $0xffff;
	[tilespmem:s10+$0x30] =	vst v19  }
0x468: {  	v2 =	vld.idx.msk [tilespmem:v2+s9+$0x0], $0xffff;
	[tilespmem:s10+$0x40] =	vst v16  }
0x469: {  	v3 =	vld.idx.msk [tilespmem:v3+s9+$0x0], $0xffff;
	[tilespmem:s10+$0x50] =	vst v20  }
0x46a: {  	v4 =	vld.idx.msk [tilespmem:v4+s9+$0x0], $0xffff;
	[tilespmem:s10+$0x60] =	vst v17  }
0x46b: {  	[tilespmem:s3+$0xFFFFFF80] =	vst v15;
	v5 =	vld.idx.msk [tilespmem:v5+s9+$0x0], $0xffff  }
0x46c: {  	[tilespmem:s3+$0xFFFFFF90] =	vst v0;
	v6 =	vld.idx.msk [tilespmem:v7+s9+$0x0], $0xffff  }
0x46d: {  	[tilespmem:s3+$0xFFFFFFA0] =	vst v1;
	v7 =	vld.idx.msk [tilespmem:v9+s9+$0x0], $0xffff  }
0x46e: {  	[tilespmem:s3+$0xFFFFFFB0] =	vst v2;
	v0 =	vld.idx.msk [tilespmem:v10+s9+$0x0], $0xffff  }
.Ltmp11:
0x46f: {  	[tilespmem:s3+$0xFFFFFFC0] =	vst v3;
	v1 =	vld.idx.msk [tilespmem:v11+s9+$0x0], $0xffff;
	(pc) =	sbr.rel @p1 .LBB2_32-.Ltmp11, $4  }
0x470: {  	[tilespmem:s3+$0xFFFFFFD0] =	vst v4;
	v2 =	vld.idx.msk [tilespmem:v12+s9+$0x0], $0xffff  }
0x471: {  	[tilespmem:s3+$0xFFFFFFE0] =	vst v5;
	v3 =	vld.idx.msk [tilespmem:v13+s9+$0x0], $0xffff  }
0x472: {  	[tilespmem:s3+$0xFFFFFFF0] =	vst v6;
	v4 =	vld.idx.msk [tilespmem:v14+s9+$0x0], $0xffff  }
0x473: {  	s7 =	sadd.s32 $0x100, s7;
	[tilespmem:s3+$0x0] =	vst v7;
	v5 =	vld.idx.msk [tilespmem:v8+s9+$0x0], $0xffff  }
0x474: {  	[tilespmem:s3+$0x10] =	vst v0  }
0x475: {  	[tilespmem:s3+$0x20] =	vst v1  }
0x476: {  	[tilespmem:s3+$0x30] =	vst v2  }
0x477: {  	[tilespmem:s3+$0x40] =	vst v3  }
0x478: {  	[tilespmem:s3+$0x50] =	vst v4  }
0x479: {  	[tilespmem:s3+$0x60] =	vst v5  }
0x47a: {  	s3 =	rddreg [dreg:$0x14]  }
0x47b: {  	[hbm4b:s3+s15] =	stream.strided.scatter [tilespmem:s17], [sflag:$0x3], $0x3200, s16, s15, $0x38;
	[tilespmem:$0x1B000] =	vst v63  }
0x47c: {  	s11 =	rddreg [dreg:$0x15]  }
0x47d: {  	[hbm4b:s11+s15] =	stream.strided.scatter [tilespmem:s18], [sflag:$0x5], $0x3200, s16, s15, $0x38;
	[tilespmem:$0x1B000] =	vst v63  }
0x47e: {  	_ =	swait.ge [sflag:s24], $0x3200  }
0x47f: {  	[sflag:s24] =	ssyncset.done $0x0  }
0x480: {  	[sflag:s24] =	ssyncadd.s32 $0xFFFFCE00  }
0x481: {  	_ =	swait.ge [sflag:s25], $0x3200  }
0x482: {  	[sflag:s25] =	ssyncset.done $0x0  }
0x483: {  	s23 =	simm.s32 $0x32F0;
	[sflag:s25] =	ssyncadd.s32 $0xFFFFCE00  }
0x484: {  	v0 =	vld [tilespmem:s23+$0x0]  }
0x485: {  	v1 =	vld [tilespmem:s23+$0xFFFFFF20]  }
0x486: {  	v2 =	vld [tilespmem:s23+$0xFFFFFF30]  }
0x487: {  	v3 =	vld [tilespmem:s23+$0xFFFFFF40]  }
0x488: {  	v4 =	vld [tilespmem:s23+$0xFFFFFF50]  }
0x489: {  	v5 =	vld [tilespmem:s23+$0xFFFFFF60]  }
0x48a: {  	v6 =	vld [tilespmem:s23+$0xFFFFFF70]  }
0x48b: {  	v7 =	vld [tilespmem:s23+$0xFFFFFF80]  }
0x48c: {  	v9 =	vld [tilespmem:s23+$0xFFFFFF90]  }
0x48d: {  	v10 =	vld [tilespmem:s23+$0xFFFFFFA0]  }
0x48e: {  	v11 =	vld [tilespmem:s23+$0xFFFFFFB0]  }
0x48f: {  	v12 =	vld [tilespmem:s23+$0xFFFFFFC0]  }
0x490: {  	v13 =	vld [tilespmem:s23+$0xFFFFFFD0]  }
0x491: {  	v14 =	vld [tilespmem:s23+$0xFFFFFFE0]  }
0x492: {  	v56 =	vld [tilespmem:s23+$0xFFFFFFF0]  }
0x493: {  	v15 =	vld [tilespmem:s23+$0xFFFFFF10]  }
0x494: {  	v8 =	vld.idx.msk [tilespmem:v0+s6+$0x0], $0xffff  }
0x495: {  	v16 =	vld.idx.msk [tilespmem:v1+s6+$0x0], $0xffff  }
0x496: {  	v17 =	vld.idx.msk [tilespmem:v2+s6+$0x0], $0xffff  }
0x497: {  	v18 =	vld.idx.msk [tilespmem:v3+s6+$0x0], $0xffff  }
0x498: {  	s10 =	simm.s32 $0xFA80;
	v19 =	vld.idx.msk [tilespmem:v4+s6+$0x0], $0xffff  }
0x499: {  	v20 =	vld.idx.msk [tilespmem:v5+s6+$0x0], $0xffff;
	[tilespmem:s10+$0x70] =	vst v8  }
0x49a: {  	v0 =	vld.idx.msk [tilespmem:v0+s9+$0x0], $0xffff  }
0x49b: {  	v57 =	vld.idx.msk [tilespmem:v7+s6+$0x0], $0xffff;
	[tilespmem:s10+$0xFFFFFF90] =	vst v16  }
0x49c: {  	v21 =	vld.idx.msk [tilespmem:v15+s6+$0x0], $0xffff;
	[tilespmem:s10+$0xFFFFFFA0] =	vst v17  }
0x49d: {  	v58 =	vld.idx.msk [tilespmem:v9+s6+$0x0], $0xffff;
	[tilespmem:s10+$0xFFFFFFB0] =	vst v18  }
0x49e: {  	s3 =	simm.s32 $0x15E80;
	v59 =	vld.idx.msk [tilespmem:v10+s6+$0x0], $0xffff;
	[tilespmem:s10+$0xFFFFFFC0] =	vst v19  }
0x49f: {  	[tilespmem:s3+$0x70] =	vst v0;
	v0 =	vld.idx.msk [tilespmem:v6+s6+$0x0], $0xffff  }
0x4a0: {  	v60 =	vld.idx.msk [tilespmem:v11+s6+$0x0], $0xffff;
	[tilespmem:s10+$0xFFFFFFD0] =	vst v20  }
0x4a1: {  	v61 =	vld.idx.msk [tilespmem:v13+s6+$0x0], $0xffff;
	[tilespmem:s10+$0xFFFFFFF0] =	vst v57  }
0x4a2: {  	v62 =	vld.idx.msk [tilespmem:v14+s6+$0x0], $0xffff;
	[tilespmem:s10+$0xFFFFFF80] =	vst v21  }
0x4a3: {  	[tilespmem:s10+$0x0] =	vst v58;
	v1 =	vld.idx.msk [tilespmem:v1+s9+$0x0], $0xffff  }
0x4a4: {  	[tilespmem:s10+$0xFFFFFFE0] =	vst v0;
	v0 =	vld.idx.msk [tilespmem:v12+s6+$0x0], $0xffff  }
0x4a5: {  	v63 =	vld.idx.msk [tilespmem:v56+s6+$0x0], $0xffff;
	[tilespmem:s10+$0x10] =	vst v59  }
0x4a6: {  	[tilespmem:s10+$0x20] =	vst v60;
	v15 =	vld.idx.msk [tilespmem:v15+s9+$0x0], $0xffff  }
0x4a7: {  	[tilespmem:s10+$0x40] =	vst v61;
	v2 =	vld.idx.msk [tilespmem:v2+s9+$0x0], $0xffff  }
0x4a8: {  	[tilespmem:s3+$0xFFFFFF90] =	vst v1;
	v1 =	vld.idx.msk [tilespmem:v11+s9+$0x0], $0xffff  }
0x4a9: {  	[tilespmem:s10+$0x30] =	vst v0;
	v0 =	vld.idx.msk [tilespmem:v3+s9+$0x0], $0xffff  }
0x4aa: {  	[tilespmem:s10+$0x50] =	vst v62;
	v3 =	vld.idx.msk [tilespmem:v4+s9+$0x0], $0xffff  }
0x4ab: {  	[tilespmem:s10+$0x60] =	vst v63;
	v4 =	vld.idx.msk [tilespmem:v5+s9+$0x0], $0xffff  }
0x4ac: {  	[tilespmem:s3+$0xFFFFFF80] =	vst v15;
	v5 =	vld.idx.msk [tilespmem:v6+s9+$0x0], $0xffff  }
0x4ad: {  	[tilespmem:s3+$0xFFFFFFA0] =	vst v2;
	v6 =	vld.idx.msk [tilespmem:v7+s9+$0x0], $0xffff  }
0x4ae: {  	v7 =	vld.idx.msk [tilespmem:v9+s9+$0x0], $0xffff;
	[tilespmem:s3+$0xFFFFFFB0] =	vst v0  }
0x4af: {  	v0 =	vld.idx.msk [tilespmem:v10+s9+$0x0], $0xffff;
	[tilespmem:s3+$0xFFFFFFC0] =	vst v3  }
0x4b0: {  	v2 =	vld.idx.msk [tilespmem:v12+s9+$0x0], $0xffff;
	[tilespmem:s3+$0xFFFFFFD0] =	vst v4  }
0x4b1: {  	[tilespmem:s3+$0xFFFFFFE0] =	vst v5;
	v3 =	vld.idx.msk [tilespmem:v13+s9+$0x0], $0xffff  }
0x4b2: {  	[tilespmem:s3+$0xFFFFFFF0] =	vst v6;
	v4 =	vld.idx.msk [tilespmem:v14+s9+$0x0], $0xffff  }
0x4b3: {  	s5 =	simm.s32 $0x0;
	s7 =	simm.s32 $0x33F0;
	[tilespmem:s3+$0x0] =	vst v7;
	v5 =	vld.idx.msk [tilespmem:v56+s9+$0x0], $0xffff  }
.LBB2_34:
0x4b4: {  	v6 =	vld [tilespmem:s7+$0x0];
	s5 =	sadd.s32 $0x100, s5;
	[tilespmem:s3+$0x10] =	vst v0  }
0x4b5: {  	v0 =	vld [tilespmem:s7+$0xFFFFFF20];
	p1 =	slt.u32 s5, $0x3100;
	[tilespmem:s3+$0x20] =	vst v1  }
0x4b6: {  	v1 =	vld [tilespmem:s7+$0xFFFFFF30];
	[tilespmem:s3+$0x30] =	vst v2  }
0x4b7: {  	v2 =	vld [tilespmem:s7+$0xFFFFFF40];
	[tilespmem:s3+$0x40] =	vst v3  }
0x4b8: {  	v3 =	vld [tilespmem:s7+$0xFFFFFF50];
	[tilespmem:s3+$0x50] =	vst v4  }
0x4b9: {  	v4 =	vld [tilespmem:s7+$0xFFFFFF60];
	[tilespmem:s3+$0x60] =	vst v5  }
0x4ba: {  	v5 =	vld [tilespmem:s7+$0xFFFFFF70]  }
0x4bb: {  	v7 =	vld [tilespmem:s7+$0xFFFFFF80]  }
0x4bc: {  	v8 =	vld.idx.msk [tilespmem:v6+s6+$0x0], $0xffff  }
0x4bd: {  	v9 =	vld [tilespmem:s7+$0xFFFFFF90]  }
0x4be: {  	v10 =	vld [tilespmem:s7+$0xFFFFFFA0]  }
0x4bf: {  	v11 =	vld [tilespmem:s7+$0xFFFFFFB0]  }
0x4c0: {  	v12 =	vld [tilespmem:s7+$0xFFFFFFC0]  }
0x4c1: {  	s10 =	sadd.s32 $0x100, s10;
	v13 =	vld [tilespmem:s7+$0xFFFFFFD0]  }
0x4c2: {  	v14 =	vld [tilespmem:s7+$0xFFFFFFE0];
	[tilespmem:s10+$0x70] =	vst v8  }
0x4c3: {  	v6 =	vld.idx.msk [tilespmem:v6+s9+$0x0], $0xffff  }
0x4c4: {  	v8 =	vld [tilespmem:s7+$0xFFFFFFF0]  }
0x4c5: {  	v15 =	vld [tilespmem:s7+$0xFFFFFF10]  }
0x4c6: {  	v16 =	vld.idx.msk [tilespmem:v0+s6+$0x0], $0xffff  }
0x4c7: {  	v17 =	vld.idx.msk [tilespmem:v1+s6+$0x0], $0xffff  }
0x4c8: {  	s3 =	sadd.s32 $0x100, s3;
	v18 =	vld.idx.msk [tilespmem:v2+s6+$0x0], $0xffff  }
0x4c9: {  	v19 =	vld.idx.msk [tilespmem:v3+s6+$0x0], $0xffff;
	[tilespmem:s3+$0x70] =	vst v6  }
0x4ca: {  	v6 =	vld.idx.msk [tilespmem:v4+s6+$0x0], $0xffff  }
0x4cb: {  	v20 =	vld.idx.msk [tilespmem:v5+s6+$0x0], $0xffff  }
0x4cc: {  	[tilespmem:s10+$0xFFFFFF90] =	vst v16;
	v16 =	vld.idx.msk [tilespmem:v7+s6+$0x0], $0xffff  }
0x4cd: {  	v21 =	vld.idx.msk [tilespmem:v15+s6+$0x0], $0xffff;
	[tilespmem:s10+$0xFFFFFFA0] =	vst v17  }
0x4ce: {  	[tilespmem:s10+$0xFFFFFFB0] =	vst v18;
	v17 =	vld.idx.msk [tilespmem:v9+s6+$0x0], $0xffff  }
0x4cf: {  	[tilespmem:s10+$0xFFFFFFC0] =	vst v19;
	v18 =	vld.idx.msk [tilespmem:v10+s6+$0x0], $0xffff  }
0x4d0: {  	[tilespmem:s10+$0xFFFFFFD0] =	vst v6;
	v6 =	vld.idx.msk [tilespmem:v11+s6+$0x0], $0xffff  }
0x4d1: {  	[tilespmem:s10+$0xFFFFFFE0] =	vst v20;
	v19 =	vld.idx.msk [tilespmem:v12+s6+$0x0], $0xffff  }
0x4d2: {  	[tilespmem:s10+$0xFFFFFFF0] =	vst v16;
	v16 =	vld.idx.msk [tilespmem:v13+s6+$0x0], $0xffff  }
0x4d3: {  	[tilespmem:s10+$0xFFFFFF80] =	vst v21;
	v20 =	vld.idx.msk [tilespmem:v14+s6+$0x0], $0xffff  }
0x4d4: {  	[tilespmem:s10+$0x0] =	vst v17;
	v17 =	vld.idx.msk [tilespmem:v8+s6+$0x0], $0xffff  }
0x4d5: {  	v15 =	vld.idx.msk [tilespmem:v15+s9+$0x0], $0xffff;
	[tilespmem:s10+$0x10] =	vst v18  }
0x4d6: {  	v0 =	vld.idx.msk [tilespmem:v0+s9+$0x0], $0xffff;
	[tilespmem:s10+$0x20] =	vst v6  }
0x4d7: {  	v1 =	vld.idx.msk [tilespmem:v1+s9+$0x0], $0xffff;
	[tilespmem:s10+$0x30] =	vst v19  }
0x4d8: {  	v2 =	vld.idx.msk [tilespmem:v2+s9+$0x0], $0xffff;
	[tilespmem:s10+$0x40] =	vst v16  }
0x4d9: {  	v3 =	vld.idx.msk [tilespmem:v3+s9+$0x0], $0xffff;
	[tilespmem:s10+$0x50] =	vst v20  }
0x4da: {  	v4 =	vld.idx.msk [tilespmem:v4+s9+$0x0], $0xffff;
	[tilespmem:s10+$0x60] =	vst v17  }
0x4db: {  	[tilespmem:s3+$0xFFFFFF80] =	vst v15;
	v5 =	vld.idx.msk [tilespmem:v5+s9+$0x0], $0xffff  }
0x4dc: {  	[tilespmem:s3+$0xFFFFFF90] =	vst v0;
	v6 =	vld.idx.msk [tilespmem:v7+s9+$0x0], $0xffff  }
0x4dd: {  	[tilespmem:s3+$0xFFFFFFA0] =	vst v1;
	v7 =	vld.idx.msk [tilespmem:v9+s9+$0x0], $0xffff  }
0x4de: {  	[tilespmem:s3+$0xFFFFFFB0] =	vst v2;
	v0 =	vld.idx.msk [tilespmem:v10+s9+$0x0], $0xffff  }
.Ltmp12:
0x4df: {  	[tilespmem:s3+$0xFFFFFFC0] =	vst v3;
	v1 =	vld.idx.msk [tilespmem:v11+s9+$0x0], $0xffff;
	(pc) =	sbr.rel @p1 .LBB2_34-.Ltmp12, $4  }
0x4e0: {  	[tilespmem:s3+$0xFFFFFFD0] =	vst v4;
	v2 =	vld.idx.msk [tilespmem:v12+s9+$0x0], $0xffff  }
0x4e1: {  	[tilespmem:s3+$0xFFFFFFE0] =	vst v5;
	v3 =	vld.idx.msk [tilespmem:v13+s9+$0x0], $0xffff  }
0x4e2: {  	[tilespmem:s3+$0xFFFFFFF0] =	vst v6;
	v4 =	vld.idx.msk [tilespmem:v14+s9+$0x0], $0xffff  }
0x4e3: {  	s7 =	sadd.s32 $0x100, s7;
	[tilespmem:s3+$0x0] =	vst v7;
	v5 =	vld.idx.msk [tilespmem:v8+s9+$0x0], $0xffff  }
0x4e4: {  	[tilespmem:s3+$0x10] =	vst v0  }
0x4e5: {  	[tilespmem:s3+$0x20] =	vst v1  }
0x4e6: {  	[tilespmem:s3+$0x30] =	vst v2  }
0x4e7: {  	[tilespmem:s3+$0x40] =	vst v3  }
0x4e8: {  	[tilespmem:s3+$0x50] =	vst v4  }
0x4e9: {  	[tilespmem:s3+$0x60] =	vst v5  }
0x4ea: {  	s3 =	rddreg [dreg:$0x16]  }
0x4eb: {  	[hbm4b:s3+s15] =	stream.strided.scatter [tilespmem:s19], [sflag:$0x4], $0x3200, s16, s15, $0x38;
	[tilespmem:$0x1B000] =	vst v63  }
0x4ec: {  	s23 =	rddreg [dreg:$0x17]  }
0x4ed: {  	[hbm4b:s23+s15] =	stream.strided.scatter [tilespmem:s20], [sflag:$0x6], $0x3200, s16, s15, $0x38;
	[tilespmem:$0x1B000] =	vst v63  }
0x4ee: {  	_ =	swait.ge [sflag:s21], $0x3200  }
0x4ef: {  	[sflag:s21] =	ssyncset.done $0x0  }
0x4f0: {  	[sflag:s21] =	ssyncadd.s32 $0xFFFFCE00  }
0x4f1: {  	_ =	swait.ge [sflag:s22], $0x3200  }
0x4f2: {  	[sflag:s22] =	ssyncset.done $0x0  }
0x4f3: {  	s10 =	simm.s32 $0x0;
	[sflag:s22] =	ssyncadd.s32 $0xFFFFCE00  }
0x4f4: {  	v0 =	vld [tilespmem:s10+$0x64F0]  }
0x4f5: {  	v1 =	vld [tilespmem:s10+$0x6400]  }
0x4f6: {  	v2 =	vld [tilespmem:s10+$0x6410]  }
0x4f7: {  	v3 =	vld [tilespmem:s10+$0x6420]  }
0x4f8: {  	v4 =	vld [tilespmem:s10+$0x6430]  }
0x4f9: {  	v5 =	vld [tilespmem:s10+$0x6440]  }
0x4fa: {  	v6 =	vld [tilespmem:s10+$0x6450]  }
0x4fb: {  	v7 =	vld [tilespmem:s10+$0x6460]  }
0x4fc: {  	v9 =	vld [tilespmem:s10+$0x6470]  }
0x4fd: {  	v10 =	vld [tilespmem:s10+$0x6480]  }
0x4fe: {  	v11 =	vld [tilespmem:s10+$0x6490]  }
0x4ff: {  	v12 =	vld [tilespmem:s10+$0x64A0]  }
0x500: {  	v13 =	vld [tilespmem:s10+$0x64B0]  }
0x501: {  	v14 =	vld [tilespmem:s10+$0x64C0]  }
0x502: {  	v15 =	vld [tilespmem:s10+$0x64D0]  }
0x503: {  	v8 =	vld.idx.msk [tilespmem:v0+s6+$0x0], $0xffff  }
0x504: {  	v16 =	vld.idx.msk [tilespmem:v1+s6+$0x0], $0xffff  }
0x505: {  	v17 =	vld.idx.msk [tilespmem:v2+s6+$0x0], $0xffff  }
0x506: {  	v18 =	vld.idx.msk [tilespmem:v3+s6+$0x0], $0xffff  }
0x507: {  	v19 =	vld.idx.msk [tilespmem:v4+s6+$0x0], $0xffff  }
0x508: {  	v20 =	vld.idx.msk [tilespmem:v5+s6+$0x0], $0xffff  }
0x509: {  	v56 =	vld.idx.msk [tilespmem:v7+s6+$0x0], $0xffff  }
0x50a: {  	v57 =	vld.idx.msk [tilespmem:v9+s6+$0x0], $0xffff;
	[tilespmem:s10+$0xC8F0] =	vst v8  }
0x50b: {  	v58 =	vld.idx.msk [tilespmem:v10+s6+$0x0], $0xffff;
	[tilespmem:s10+$0xC800] =	vst v16  }
0x50c: {  	v59 =	vld.idx.msk [tilespmem:v11+s6+$0x0], $0xffff;
	[tilespmem:s10+$0xC810] =	vst v17  }
0x50d: {  	v60 =	vld.idx.msk [tilespmem:v12+s6+$0x0], $0xffff;
	[tilespmem:s10+$0xC820] =	vst v18  }
0x50e: {  	[tilespmem:s10+$0xC830] =	vst v19;
	v8 =	vld.idx.msk [tilespmem:v0+s9+$0x0], $0xffff  }
0x50f: {  	v61 =	vld.idx.msk [tilespmem:v14+s6+$0x0], $0xffff;
	[tilespmem:s10+$0xC840] =	vst v20  }
0x510: {  	v62 =	vld.idx.msk [tilespmem:v15+s6+$0x0], $0xffff;
	[tilespmem:s10+$0xC860] =	vst v56  }
0x511: {  	[tilespmem:s10+$0xC870] =	vst v57;
	v0 =	vld [tilespmem:s10+$0x64E0]  }
0x512: {  	[tilespmem:s10+$0xC880] =	vst v58;
	v1 =	vld.idx.msk [tilespmem:v1+s9+$0x0], $0xffff  }
0x513: {  	[tilespmem:s10+$0x12CF0] =	vst v8;
	v8 =	vld.idx.msk [tilespmem:v6+s6+$0x0], $0xffff  }
0x514: {  	[tilespmem:s10+$0xC890] =	vst v59;
	v2 =	vld.idx.msk [tilespmem:v2+s9+$0x0], $0xffff  }
0x515: {  	[tilespmem:s10+$0xC8A0] =	vst v60;
	v3 =	vld.idx.msk [tilespmem:v3+s9+$0x0], $0xffff  }
0x516: {  	[tilespmem:s10+$0xC8C0] =	vst v61;
	v4 =	vld.idx.msk [tilespmem:v4+s9+$0x0], $0xffff  }
0x517: {  	[tilespmem:s10+$0xC8D0] =	vst v62;
	v5 =	vld.idx.msk [tilespmem:v5+s9+$0x0], $0xffff  }
0x518: {  	[tilespmem:s10+$0xC850] =	vst v8;
	v8 =	vld.idx.msk [tilespmem:v13+s6+$0x0], $0xffff  }
0x519: {  	v7 =	vld.idx.msk [tilespmem:v7+s9+$0x0], $0xffff;
	[tilespmem:s10+$0x12C00] =	vst v1  }
0x51a: {  	[tilespmem:s10+$0x12C20] =	vst v3;
	v3 =	vld.idx.msk [tilespmem:v10+s9+$0x0], $0xffff  }
0x51b: {  	[tilespmem:s10+$0x12C10] =	vst v2;
	v63 =	vld.idx.msk [tilespmem:v0+s6+$0x0], $0xffff  }
0x51c: {  	[tilespmem:s10+$0x12C30] =	vst v4;
	v6 =	vld.idx.msk [tilespmem:v6+s9+$0x0], $0xffff  }
0x51d: {  	[tilespmem:s10+$0xC8B0] =	vst v8;
	v8 =	vld.idx.msk [tilespmem:v9+s9+$0x0], $0xffff  }
0x51e: {  	v1 =	vld.idx.msk [tilespmem:v11+s9+$0x0], $0xffff;
	[tilespmem:s10+$0x12C40] =	vst v5  }
0x51f: {  	v2 =	vld.idx.msk [tilespmem:v12+s9+$0x0], $0xffff;
	[tilespmem:s10+$0x12C60] =	vst v7  }
0x520: {  	v5 =	vld.idx.msk [tilespmem:v14+s9+$0x0], $0xffff;
	[tilespmem:s10+$0xC8E0] =	vst v63  }
0x521: {  	[tilespmem:s10+$0x12C50] =	vst v6;
	v4 =	vld.idx.msk [tilespmem:v13+s9+$0x0], $0xffff  }
0x522: {  	s5 =	simm.s32 $0x400;
	s3 =	simm.s32 $0x0;
	v6 =	vld.idx.msk [tilespmem:v15+s9+$0x0], $0xffff;
	[tilespmem:s10+$0x12C70] =	vst v8  }
.LBB2_36:
0x523: {  	s7 =	sshra.s32 s5, $0x2;
	s3 =	sadd.s32 $0x100, s3;
	[tilespmem:s10+$0x12C80] =	vst v3;
	v0 =	vld.idx.msk [tilespmem:v0+s9+$0x0], $0xffff  }
0x524: {  	v3 =	vld [tilespmem:s7+$0x64F0];
	p1 =	slt.u32 s3, $0x3100;
	[tilespmem:s10+$0x12C90] =	vst v1  }
0x525: {  	v1 =	vld [tilespmem:s7+$0x6400];
	[tilespmem:s10+$0x12CA0] =	vst v2  }
0x526: {  	v2 =	vld [tilespmem:s7+$0x6410];
	[tilespmem:s10+$0x12CB0] =	vst v4  }
0x527: {  	v4 =	vld [tilespmem:s7+$0x6420];
	[tilespmem:s10+$0x12CC0] =	vst v5  }
0x528: {  	v5 =	vld [tilespmem:s7+$0x6430];
	[tilespmem:s10+$0x12CD0] =	vst v6  }
0x529: {  	v6 =	vld [tilespmem:s7+$0x6440];
	[tilespmem:s10+$0x12CE0] =	vst v0;
	s10 =	smov.u32 s7  }
0x52a: {  	v7 =	vld [tilespmem:s10+$0x6450]  }
0x52b: {  	v8 =	vld [tilespmem:s10+$0x6460]  }
0x52c: {  	v0 =	vld.idx.msk [tilespmem:v3+s6+$0x0], $0xffff  }
0x52d: {  	v9 =	vld [tilespmem:s10+$0x6470]  }
0x52e: {  	v10 =	vld [tilespmem:s10+$0x6480]  }
0x52f: {  	v11 =	vld [tilespmem:s10+$0x6490]  }
0x530: {  	v12 =	vld [tilespmem:s10+$0x64A0]  }
0x531: {  	v13 =	vld [tilespmem:s10+$0x64B0]  }
0x532: {  	v14 =	vld [tilespmem:s10+$0x64C0];
	[tilespmem:s10+$0xC8F0] =	vst v0  }
0x533: {  	v3 =	vld.idx.msk [tilespmem:v3+s9+$0x0], $0xffff  }
0x534: {  	v15 =	vld [tilespmem:s10+$0x64D0]  }
0x535: {  	v0 =	vld [tilespmem:s10+$0x64E0]  }
0x536: {  	v16 =	vld.idx.msk [tilespmem:v1+s6+$0x0], $0xffff  }
0x537: {  	v17 =	vld.idx.msk [tilespmem:v2+s6+$0x0], $0xffff  }
0x538: {  	v18 =	vld.idx.msk [tilespmem:v4+s6+$0x0], $0xffff  }
0x539: {  	v19 =	vld.idx.msk [tilespmem:v5+s6+$0x0], $0xffff;
	[tilespmem:s10+$0x12CF0] =	vst v3  }
0x53a: {  	v3 =	vld.idx.msk [tilespmem:v6+s6+$0x0], $0xffff  }
0x53b: {  	v20 =	vld.idx.msk [tilespmem:v7+s6+$0x0], $0xffff  }
0x53c: {  	[tilespmem:s10+$0xC800] =	vst v16;
	v16 =	vld.idx.msk [tilespmem:v8+s6+$0x0], $0xffff  }
0x53d: {  	[tilespmem:s10+$0xC810] =	vst v17;
	v17 =	vld.idx.msk [tilespmem:v9+s6+$0x0], $0xffff  }
0x53e: {  	[tilespmem:s10+$0xC820] =	vst v18;
	v18 =	vld.idx.msk [tilespmem:v10+s6+$0x0], $0xffff  }
0x53f: {  	[tilespmem:s10+$0xC830] =	vst v19;
	v19 =	vld.idx.msk [tilespmem:v11+s6+$0x0], $0xffff  }
0x540: {  	[tilespmem:s10+$0xC840] =	vst v3;
	v3 =	vld.idx.msk [tilespmem:v12+s6+$0x0], $0xffff  }
0x541: {  	[tilespmem:s10+$0xC850] =	vst v20;
	v20 =	vld.idx.msk [tilespmem:v13+s6+$0x0], $0xffff  }
0x542: {  	[tilespmem:s10+$0xC860] =	vst v16;
	v16 =	vld.idx.msk [tilespmem:v14+s6+$0x0], $0xffff  }
0x543: {  	[tilespmem:s10+$0xC870] =	vst v17;
	v17 =	vld.idx.msk [tilespmem:v15+s6+$0x0], $0xffff  }
0x544: {  	[tilespmem:s10+$0xC880] =	vst v18;
	v18 =	vld.idx.msk [tilespmem:v0+s6+$0x0], $0xffff  }
0x545: {  	v1 =	vld.idx.msk [tilespmem:v1+s9+$0x0], $0xffff;
	[tilespmem:s10+$0xC890] =	vst v19  }
0x546: {  	v2 =	vld.idx.msk [tilespmem:v2+s9+$0x0], $0xffff;
	[tilespmem:s10+$0xC8A0] =	vst v3  }
0x547: {  	v3 =	vld.idx.msk [tilespmem:v4+s9+$0x0], $0xffff;
	[tilespmem:s10+$0xC8B0] =	vst v20  }
0x548: {  	v4 =	vld.idx.msk [tilespmem:v5+s9+$0x0], $0xffff;
	[tilespmem:s10+$0xC8C0] =	vst v16  }
0x549: {  	v5 =	vld.idx.msk [tilespmem:v6+s9+$0x0], $0xffff;
	[tilespmem:s10+$0xC8D0] =	vst v17  }
0x54a: {  	v6 =	vld.idx.msk [tilespmem:v7+s9+$0x0], $0xffff;
	[tilespmem:s10+$0xC8E0] =	vst v18  }
0x54b: {  	[tilespmem:s10+$0x12C00] =	vst v1;
	v7 =	vld.idx.msk [tilespmem:v8+s9+$0x0], $0xffff  }
0x54c: {  	[tilespmem:s10+$0x12C10] =	vst v2;
	v8 =	vld.idx.msk [tilespmem:v9+s9+$0x0], $0xffff  }
0x54d: {  	[tilespmem:s10+$0x12C20] =	vst v3;
	v3 =	vld.idx.msk [tilespmem:v10+s9+$0x0], $0xffff  }
.Ltmp13:
0x54e: {  	[tilespmem:s10+$0x12C30] =	vst v4;
	v1 =	vld.idx.msk [tilespmem:v11+s9+$0x0], $0xffff;
	(pc) =	sbr.rel @p1 .LBB2_36-.Ltmp13, $4  }
0x54f: {  	[tilespmem:s10+$0x12C40] =	vst v5;
	v2 =	vld.idx.msk [tilespmem:v12+s9+$0x0], $0xffff  }
0x550: {  	[tilespmem:s10+$0x12C50] =	vst v6;
	v4 =	vld.idx.msk [tilespmem:v13+s9+$0x0], $0xffff  }
0x551: {  	[tilespmem:s10+$0x12C60] =	vst v7;
	v5 =	vld.idx.msk [tilespmem:v14+s9+$0x0], $0xffff  }
0x552: {  	s5 =	sadd.s32 $0x400, s5;
	[tilespmem:s10+$0x12C70] =	vst v8;
	v6 =	vld.idx.msk [tilespmem:v15+s9+$0x0], $0xffff  }
0x553: {  	_ =	sdelay $0x2  }
0x554: {  	[tilespmem:s10+$0x12C80] =	vst v3  }
0x555: {  	v0 =	vld.idx.msk [tilespmem:v0+s9+$0x0], $0xffff;
	[tilespmem:s10+$0x12C90] =	vst v1  }
0x556: {  	[tilespmem:s10+$0x12CA0] =	vst v2  }
0x557: {  	[tilespmem:s10+$0x12CB0] =	vst v4  }
0x558: {  	[tilespmem:s10+$0x12CC0] =	vst v5  }
0x559: {  	[tilespmem:s10+$0x12CD0] =	vst v6  }
0x55a: {  	[tilespmem:s10+$0x12CE0] =	vst v0  }
0x55b: {  	s3 =	rddreg [dreg:$0x19]  }
0x55c: {  	[hbm4b:s3+s15] =	stream.strided.scatter [tilespmem:s17], [sflag:$0x3], $0x3200, s16, s15, $0x38;
	[tilespmem:$0x1B000] =	vst v63  }
0x55d: {  	s23 =	rddreg [dreg:$0x1a]  }
0x55e: {  	[hbm4b:s23+s15] =	stream.strided.scatter [tilespmem:s18], [sflag:$0x5], $0x3200, s16, s15, $0x38;
	[tilespmem:$0x1B000] =	vst v63  }
0x55f: {  	_ =	swait.ge [sflag:s24], $0x3200  }
0x560: {  	[sflag:s24] =	ssyncset.done $0x0  }
0x561: {  	[sflag:s24] =	ssyncadd.s32 $0xFFFFCE00  }
0x562: {  	_ =	swait.ge [sflag:s25], $0x3200  }
0x563: {  	[sflag:s25] =	ssyncset.done $0x0  }
0x564: {  	s10 =	simm.s32 $0x0;
	[sflag:s25] =	ssyncadd.s32 $0xFFFFCE00  }
0x565: {  	v0 =	vld [tilespmem:s10+$0x96F0]  }
0x566: {  	v1 =	vld [tilespmem:s10+$0x9600]  }
0x567: {  	v2 =	vld [tilespmem:s10+$0x9610]  }
0x568: {  	v3 =	vld [tilespmem:s10+$0x9620]  }
0x569: {  	v4 =	vld [tilespmem:s10+$0x9630]  }
0x56a: {  	v5 =	vld [tilespmem:s10+$0x9640]  }
0x56b: {  	v6 =	vld [tilespmem:s10+$0x9650]  }
0x56c: {  	v7 =	vld [tilespmem:s10+$0x9660]  }
0x56d: {  	v9 =	vld [tilespmem:s10+$0x9670]  }
0x56e: {  	v10 =	vld [tilespmem:s10+$0x9680]  }
0x56f: {  	v11 =	vld [tilespmem:s10+$0x9690]  }
0x570: {  	v12 =	vld [tilespmem:s10+$0x96A0]  }
0x571: {  	v13 =	vld [tilespmem:s10+$0x96B0]  }
0x572: {  	v14 =	vld [tilespmem:s10+$0x96C0]  }
0x573: {  	v15 =	vld [tilespmem:s10+$0x96D0]  }
0x574: {  	v8 =	vld.idx.msk [tilespmem:v0+s6+$0x0], $0xffff  }
0x575: {  	v16 =	vld.idx.msk [tilespmem:v1+s6+$0x0], $0xffff  }
0x576: {  	v17 =	vld.idx.msk [tilespmem:v2+s6+$0x0], $0xffff  }
0x577: {  	v18 =	vld.idx.msk [tilespmem:v3+s6+$0x0], $0xffff  }
0x578: {  	v19 =	vld.idx.msk [tilespmem:v4+s6+$0x0], $0xffff  }
0x579: {  	v20 =	vld.idx.msk [tilespmem:v5+s6+$0x0], $0xffff  }
0x57a: {  	v56 =	vld.idx.msk [tilespmem:v7+s6+$0x0], $0xffff  }
0x57b: {  	v57 =	vld.idx.msk [tilespmem:v9+s6+$0x0], $0xffff;
	[tilespmem:s10+$0xFAF0] =	vst v8  }
0x57c: {  	v58 =	vld.idx.msk [tilespmem:v10+s6+$0x0], $0xffff;
	[tilespmem:s10+$0xFA00] =	vst v16  }
0x57d: {  	v59 =	vld.idx.msk [tilespmem:v11+s6+$0x0], $0xffff;
	[tilespmem:s10+$0xFA10] =	vst v17  }
0x57e: {  	v60 =	vld.idx.msk [tilespmem:v12+s6+$0x0], $0xffff;
	[tilespmem:s10+$0xFA20] =	vst v18  }
0x57f: {  	[tilespmem:s10+$0xFA30] =	vst v19;
	v8 =	vld.idx.msk [tilespmem:v0+s9+$0x0], $0xffff  }
0x580: {  	v61 =	vld.idx.msk [tilespmem:v14+s6+$0x0], $0xffff;
	[tilespmem:s10+$0xFA40] =	vst v20  }
0x581: {  	v62 =	vld.idx.msk [tilespmem:v15+s6+$0x0], $0xffff;
	[tilespmem:s10+$0xFA60] =	vst v56  }
0x582: {  	[tilespmem:s10+$0xFA70] =	vst v57;
	v0 =	vld [tilespmem:s10+$0x96E0]  }
0x583: {  	[tilespmem:s10+$0xFA80] =	vst v58;
	v1 =	vld.idx.msk [tilespmem:v1+s9+$0x0], $0xffff  }
0x584: {  	[tilespmem:s10+$0x15EF0] =	vst v8;
	v8 =	vld.idx.msk [tilespmem:v6+s6+$0x0], $0xffff  }
0x585: {  	[tilespmem:s10+$0xFA90] =	vst v59;
	v2 =	vld.idx.msk [tilespmem:v2+s9+$0x0], $0xffff  }
0x586: {  	[tilespmem:s10+$0xFAA0] =	vst v60;
	v3 =	vld.idx.msk [tilespmem:v3+s9+$0x0], $0xffff  }
0x587: {  	[tilespmem:s10+$0xFAC0] =	vst v61;
	v4 =	vld.idx.msk [tilespmem:v4+s9+$0x0], $0xffff  }
0x588: {  	[tilespmem:s10+$0xFAD0] =	vst v62;
	v5 =	vld.idx.msk [tilespmem:v5+s9+$0x0], $0xffff  }
0x589: {  	[tilespmem:s10+$0xFA50] =	vst v8;
	v8 =	vld.idx.msk [tilespmem:v13+s6+$0x0], $0xffff  }
0x58a: {  	v7 =	vld.idx.msk [tilespmem:v7+s9+$0x0], $0xffff;
	[tilespmem:s10+$0x15E00] =	vst v1  }
0x58b: {  	[tilespmem:s10+$0x15E20] =	vst v3;
	v3 =	vld.idx.msk [tilespmem:v10+s9+$0x0], $0xffff  }
0x58c: {  	[tilespmem:s10+$0x15E10] =	vst v2;
	v63 =	vld.idx.msk [tilespmem:v0+s6+$0x0], $0xffff  }
0x58d: {  	[tilespmem:s10+$0x15E30] =	vst v4;
	v6 =	vld.idx.msk [tilespmem:v6+s9+$0x0], $0xffff  }
0x58e: {  	[tilespmem:s10+$0xFAB0] =	vst v8;
	v8 =	vld.idx.msk [tilespmem:v9+s9+$0x0], $0xffff  }
0x58f: {  	v1 =	vld.idx.msk [tilespmem:v11+s9+$0x0], $0xffff;
	[tilespmem:s10+$0x15E40] =	vst v5  }
0x590: {  	v2 =	vld.idx.msk [tilespmem:v12+s9+$0x0], $0xffff;
	[tilespmem:s10+$0x15E60] =	vst v7  }
0x591: {  	v5 =	vld.idx.msk [tilespmem:v14+s9+$0x0], $0xffff;
	[tilespmem:s10+$0xFAE0] =	vst v63  }
0x592: {  	[tilespmem:s10+$0x15E50] =	vst v6;
	v4 =	vld.idx.msk [tilespmem:v13+s9+$0x0], $0xffff  }
0x593: {  	s5 =	simm.s32 $0x400;
	s3 =	simm.s32 $0x0;
	v6 =	vld.idx.msk [tilespmem:v15+s9+$0x0], $0xffff;
	[tilespmem:s10+$0x15E70] =	vst v8  }
.LBB2_38:
0x594: {  	s7 =	sshra.s32 s5, $0x2;
	s3 =	sadd.s32 $0x100, s3;
	[tilespmem:s10+$0x15E80] =	vst v3;
	v0 =	vld.idx.msk [tilespmem:v0+s9+$0x0], $0xffff  }
0x595: {  	v3 =	vld [tilespmem:s7+$0x96F0];
	p1 =	slt.u32 s3, $0x3100;
	[tilespmem:s10+$0x15E90] =	vst v1  }
0x596: {  	v1 =	vld [tilespmem:s7+$0x9600];
	[tilespmem:s10+$0x15EA0] =	vst v2  }
0x597: {  	v2 =	vld [tilespmem:s7+$0x9610];
	[tilespmem:s10+$0x15EB0] =	vst v4  }
0x598: {  	v4 =	vld [tilespmem:s7+$0x9620];
	[tilespmem:s10+$0x15EC0] =	vst v5  }
0x599: {  	v5 =	vld [tilespmem:s7+$0x9630];
	[tilespmem:s10+$0x15ED0] =	vst v6  }
0x59a: {  	v6 =	vld [tilespmem:s7+$0x9640];
	[tilespmem:s10+$0x15EE0] =	vst v0;
	s10 =	smov.u32 s7  }
0x59b: {  	v7 =	vld [tilespmem:s10+$0x9650]  }
0x59c: {  	v8 =	vld [tilespmem:s10+$0x9660]  }
0x59d: {  	v0 =	vld.idx.msk [tilespmem:v3+s6+$0x0], $0xffff  }
0x59e: {  	v9 =	vld [tilespmem:s10+$0x9670]  }
0x59f: {  	v10 =	vld [tilespmem:s10+$0x9680]  }
0x5a0: {  	v11 =	vld [tilespmem:s10+$0x9690]  }
0x5a1: {  	v12 =	vld [tilespmem:s10+$0x96A0]  }
0x5a2: {  	v13 =	vld [tilespmem:s10+$0x96B0]  }
0x5a3: {  	v14 =	vld [tilespmem:s10+$0x96C0];
	[tilespmem:s10+$0xFAF0] =	vst v0  }
0x5a4: {  	v3 =	vld.idx.msk [tilespmem:v3+s9+$0x0], $0xffff  }
0x5a5: {  	v15 =	vld [tilespmem:s10+$0x96D0]  }
0x5a6: {  	v0 =	vld [tilespmem:s10+$0x96E0]  }
0x5a7: {  	v16 =	vld.idx.msk [tilespmem:v1+s6+$0x0], $0xffff  }
0x5a8: {  	v17 =	vld.idx.msk [tilespmem:v2+s6+$0x0], $0xffff  }
0x5a9: {  	v18 =	vld.idx.msk [tilespmem:v4+s6+$0x0], $0xffff  }
0x5aa: {  	v19 =	vld.idx.msk [tilespmem:v5+s6+$0x0], $0xffff;
	[tilespmem:s10+$0x15EF0] =	vst v3  }
0x5ab: {  	v3 =	vld.idx.msk [tilespmem:v6+s6+$0x0], $0xffff  }
0x5ac: {  	v20 =	vld.idx.msk [tilespmem:v7+s6+$0x0], $0xffff  }
0x5ad: {  	[tilespmem:s10+$0xFA00] =	vst v16;
	v16 =	vld.idx.msk [tilespmem:v8+s6+$0x0], $0xffff  }
0x5ae: {  	[tilespmem:s10+$0xFA10] =	vst v17;
	v17 =	vld.idx.msk [tilespmem:v9+s6+$0x0], $0xffff  }
0x5af: {  	[tilespmem:s10+$0xFA20] =	vst v18;
	v18 =	vld.idx.msk [tilespmem:v10+s6+$0x0], $0xffff  }
0x5b0: {  	[tilespmem:s10+$0xFA30] =	vst v19;
	v19 =	vld.idx.msk [tilespmem:v11+s6+$0x0], $0xffff  }
0x5b1: {  	[tilespmem:s10+$0xFA40] =	vst v3;
	v3 =	vld.idx.msk [tilespmem:v12+s6+$0x0], $0xffff  }
0x5b2: {  	[tilespmem:s10+$0xFA50] =	vst v20;
	v20 =	vld.idx.msk [tilespmem:v13+s6+$0x0], $0xffff  }
0x5b3: {  	[tilespmem:s10+$0xFA60] =	vst v16;
	v16 =	vld.idx.msk [tilespmem:v14+s6+$0x0], $0xffff  }
0x5b4: {  	[tilespmem:s10+$0xFA70] =	vst v17;
	v17 =	vld.idx.msk [tilespmem:v15+s6+$0x0], $0xffff  }
0x5b5: {  	[tilespmem:s10+$0xFA80] =	vst v18;
	v18 =	vld.idx.msk [tilespmem:v0+s6+$0x0], $0xffff  }
0x5b6: {  	v1 =	vld.idx.msk [tilespmem:v1+s9+$0x0], $0xffff;
	[tilespmem:s10+$0xFA90] =	vst v19  }
0x5b7: {  	v2 =	vld.idx.msk [tilespmem:v2+s9+$0x0], $0xffff;
	[tilespmem:s10+$0xFAA0] =	vst v3  }
0x5b8: {  	v3 =	vld.idx.msk [tilespmem:v4+s9+$0x0], $0xffff;
	[tilespmem:s10+$0xFAB0] =	vst v20  }
0x5b9: {  	v4 =	vld.idx.msk [tilespmem:v5+s9+$0x0], $0xffff;
	[tilespmem:s10+$0xFAC0] =	vst v16  }
0x5ba: {  	v5 =	vld.idx.msk [tilespmem:v6+s9+$0x0], $0xffff;
	[tilespmem:s10+$0xFAD0] =	vst v17  }
0x5bb: {  	v6 =	vld.idx.msk [tilespmem:v7+s9+$0x0], $0xffff;
	[tilespmem:s10+$0xFAE0] =	vst v18  }
0x5bc: {  	[tilespmem:s10+$0x15E00] =	vst v1;
	v7 =	vld.idx.msk [tilespmem:v8+s9+$0x0], $0xffff  }
0x5bd: {  	[tilespmem:s10+$0x15E10] =	vst v2;
	v8 =	vld.idx.msk [tilespmem:v9+s9+$0x0], $0xffff  }
0x5be: {  	[tilespmem:s10+$0x15E20] =	vst v3;
	v3 =	vld.idx.msk [tilespmem:v10+s9+$0x0], $0xffff  }
.Ltmp14:
0x5bf: {  	[tilespmem:s10+$0x15E30] =	vst v4;
	v1 =	vld.idx.msk [tilespmem:v11+s9+$0x0], $0xffff;
	(pc) =	sbr.rel @p1 .LBB2_38-.Ltmp14, $4  }
0x5c0: {  	[tilespmem:s10+$0x15E40] =	vst v5;
	v2 =	vld.idx.msk [tilespmem:v12+s9+$0x0], $0xffff  }
0x5c1: {  	[tilespmem:s10+$0x15E50] =	vst v6;
	v4 =	vld.idx.msk [tilespmem:v13+s9+$0x0], $0xffff  }
0x5c2: {  	[tilespmem:s10+$0x15E60] =	vst v7;
	v5 =	vld.idx.msk [tilespmem:v14+s9+$0x0], $0xffff  }
0x5c3: {  	s5 =	sadd.s32 $0x400, s5;
	[tilespmem:s10+$0x15E70] =	vst v8;
	v6 =	vld.idx.msk [tilespmem:v15+s9+$0x0], $0xffff  }
0x5c4: {  	_ =	sdelay $0x2  }
0x5c5: {  	[tilespmem:s10+$0x15E80] =	vst v3  }
0x5c6: {  	v0 =	vld.idx.msk [tilespmem:v0+s9+$0x0], $0xffff;
	[tilespmem:s10+$0x15E90] =	vst v1  }
0x5c7: {  	[tilespmem:s10+$0x15EA0] =	vst v2  }
0x5c8: {  	[tilespmem:s10+$0x15EB0] =	vst v4  }
0x5c9: {  	[tilespmem:s10+$0x15EC0] =	vst v5  }
0x5ca: {  	[tilespmem:s10+$0x15ED0] =	vst v6  }
.Ltmp15:
0x5cb: {  	[tilespmem:s10+$0x15EE0] =	vst v0;
	(pc) =	sbr.rel .LBB2_40-.Ltmp15, $4  }
0x5cc: {  	s3 =	rddreg [dreg:$0x1b]  }
0x5cd: {  	[hbm4b:s3+s15] =	stream.strided.scatter [tilespmem:s19], [sflag:$0x4], $0x3200, s16, s15, $0x38;
	[tilespmem:$0x1B000] =	vst v63  }
0x5ce: {  	s23 =	rddreg [dreg:$0x1c]  }
0x5cf: {  	[hbm4b:s23+s15] =	stream.strided.scatter [tilespmem:s20], [sflag:$0x6], $0x3200, s16, s15, $0x38;
	[tilespmem:$0x1B000] =	vst v63  }
.LBB2_22:
0x5d0: {  	s5 =	simm.s32 $0x80  }
0x5d1: {  	v0 =	vld [tilespmem:s5+$0x70]  }
0x5d2: {  	v1 =	vld [tilespmem:s5+$0xFFFFFF90]  }
0x5d3: {  	v2 =	vld [tilespmem:s5+$0xFFFFFFA0]  }
0x5d4: {  	v3 =	vld [tilespmem:s5+$0xFFFFFFB0]  }
0x5d5: {  	v4 =	vld [tilespmem:s5+$0xFFFFFFC0]  }
0x5d6: {  	v5 =	vld [tilespmem:s5+$0xFFFFFFD0]  }
0x5d7: {  	v6 =	vld [tilespmem:s5+$0xFFFFFFE0]  }
0x5d8: {  	v7 =	vld [tilespmem:s5+$0xFFFFFFF0]  }
0x5d9: {  	v8 =	vld [tilespmem:s5+$0x0]  }
0x5da: {  	v9 =	vld [tilespmem:s5+$0x10]  }
0x5db: {  	v10 =	vld [tilespmem:s5+$0x20]  }
0x5dc: {  	v11 =	vld [tilespmem:s5+$0x30]  }
0x5dd: {  	v12 =	vld [tilespmem:s5+$0x40]  }
0x5de: {  	v13 =	vld [tilespmem:s5+$0x50]  }
0x5df: {  	v14 =	vld [tilespmem:s5+$0x60]  }
0x5e0: {  	v15 =	vld [tilespmem:s5+$0xFFFFFF80]  }
0x5e1: {  	v0 =	vld.idx.msk [tilespmem:v0+s6+$0x0], $0xffff  }
0x5e2: {  	v1 =	vld.idx.msk [tilespmem:v1+s6+$0x0], $0xffff  }
0x5e3: {  	v2 =	vld.idx.msk [tilespmem:v2+s6+$0x0], $0xffff  }
0x5e4: {  	v3 =	vld.idx.msk [tilespmem:v3+s6+$0x0], $0xffff  }
0x5e5: {  	v4 =	vld.idx.msk [tilespmem:v4+s6+$0x0], $0xffff  }
0x5e6: {  	s3 =	simm.s32 $0xC880;
	v5 =	vld.idx.msk [tilespmem:v5+s6+$0x0], $0xffff  }
0x5e7: {  	v6 =	vld.idx.msk [tilespmem:v6+s6+$0x0], $0xffff;
	[tilespmem:s3+$0x70] =	vst v0  }
0x5e8: {  	v7 =	vld.idx.msk [tilespmem:v7+s6+$0x0], $0xffff;
	[tilespmem:s3+$0xFFFFFF90] =	vst v1  }
0x5e9: {  	v15 =	vld.idx.msk [tilespmem:v15+s6+$0x0], $0xffff;
	[tilespmem:s3+$0xFFFFFFA0] =	vst v2  }
0x5ea: {  	v8 =	vld.idx.msk [tilespmem:v8+s6+$0x0], $0xffff;
	[tilespmem:s3+$0xFFFFFFB0] =	vst v3  }
0x5eb: {  	[tilespmem:s3+$0xFFFFFFC0] =	vst v4;
	v0 =	vld.idx.msk [tilespmem:v9+s6+$0x0], $0xffff  }
0x5ec: {  	[tilespmem:s3+$0xFFFFFFD0] =	vst v5;
	v1 =	vld.idx.msk [tilespmem:v10+s6+$0x0], $0xffff  }
0x5ed: {  	[tilespmem:s3+$0xFFFFFFE0] =	vst v6;
	v2 =	vld.idx.msk [tilespmem:v11+s6+$0x0], $0xffff  }
0x5ee: {  	[tilespmem:s3+$0xFFFFFFF0] =	vst v7;
	v3 =	vld.idx.msk [tilespmem:v12+s6+$0x0], $0xffff  }
0x5ef: {  	[tilespmem:s3+$0xFFFFFF80] =	vst v15;
	v4 =	vld.idx.msk [tilespmem:v13+s6+$0x0], $0xffff  }
0x5f0: {  	s7 =	simm.s32 $0x180;
	s5 =	simm.s32 $0x0;
	[tilespmem:s3+$0x0] =	vst v8;
	v5 =	vld.idx.msk [tilespmem:v14+s6+$0x0], $0xffff  }
.LBB2_23:
0x5f1: {  	v6 =	vld [tilespmem:s7+$0x70];
	s5 =	sadd.s32 $0x100, s5;
	[tilespmem:s3+$0x10] =	vst v0  }
0x5f2: {  	v0 =	vld [tilespmem:s7+$0xFFFFFF90];
	p1 =	slt.u32 s5, $0x3100;
	[tilespmem:s3+$0x20] =	vst v1  }
0x5f3: {  	v1 =	vld [tilespmem:s7+$0xFFFFFFA0];
	[tilespmem:s3+$0x30] =	vst v2  }
0x5f4: {  	v2 =	vld [tilespmem:s7+$0xFFFFFFB0];
	[tilespmem:s3+$0x40] =	vst v3  }
0x5f5: {  	v3 =	vld [tilespmem:s7+$0xFFFFFFC0];
	[tilespmem:s3+$0x50] =	vst v4  }
0x5f6: {  	v4 =	vld [tilespmem:s7+$0xFFFFFFD0];
	[tilespmem:s3+$0x60] =	vst v5  }
0x5f7: {  	v5 =	vld [tilespmem:s7+$0xFFFFFFE0]  }
0x5f8: {  	v7 =	vld [tilespmem:s7+$0xFFFFFFF0]  }
0x5f9: {  	v6 =	vld.idx.msk [tilespmem:v6+s6+$0x0], $0xffff  }
0x5fa: {  	v8 =	vld [tilespmem:s7+$0x0]  }
0x5fb: {  	v9 =	vld [tilespmem:s7+$0x10]  }
0x5fc: {  	v10 =	vld [tilespmem:s7+$0x20]  }
0x5fd: {  	v11 =	vld [tilespmem:s7+$0x30]  }
0x5fe: {  	s3 =	sadd.s32 $0x100, s3;
	v12 =	vld [tilespmem:s7+$0x40]  }
0x5ff: {  	v13 =	vld [tilespmem:s7+$0x50];
	[tilespmem:s3+$0x70] =	vst v6  }
0x600: {  	v6 =	vld [tilespmem:s7+$0x60]  }
0x601: {  	v14 =	vld [tilespmem:s7+$0xFFFFFF80]  }
0x602: {  	v0 =	vld.idx.msk [tilespmem:v0+s6+$0x0], $0xffff  }
0x603: {  	v1 =	vld.idx.msk [tilespmem:v1+s6+$0x0], $0xffff  }
0x604: {  	v2 =	vld.idx.msk [tilespmem:v2+s6+$0x0], $0xffff  }
0x605: {  	v3 =	vld.idx.msk [tilespmem:v3+s6+$0x0], $0xffff  }
0x606: {  	v4 =	vld.idx.msk [tilespmem:v4+s6+$0x0], $0xffff  }
0x607: {  	v5 =	vld.idx.msk [tilespmem:v5+s6+$0x0], $0xffff  }
0x608: {  	[tilespmem:s3+$0xFFFFFF90] =	vst v0;
	v7 =	vld.idx.msk [tilespmem:v7+s6+$0x0], $0xffff  }
0x609: {  	v14 =	vld.idx.msk [tilespmem:v14+s6+$0x0], $0xffff;
	[tilespmem:s3+$0xFFFFFFA0] =	vst v1  }
0x60a: {  	[tilespmem:s3+$0xFFFFFFB0] =	vst v2;
	v8 =	vld.idx.msk [tilespmem:v8+s6+$0x0], $0xffff  }
0x60b: {  	[tilespmem:s3+$0xFFFFFFC0] =	vst v3;
	v0 =	vld.idx.msk [tilespmem:v9+s6+$0x0], $0xffff  }
.Ltmp16:
0x60c: {  	[tilespmem:s3+$0xFFFFFFD0] =	vst v4;
	v1 =	vld.idx.msk [tilespmem:v10+s6+$0x0], $0xffff;
	(pc) =	sbr.rel @p1 .LBB2_23-.Ltmp16, $4  }
0x60d: {  	[tilespmem:s3+$0xFFFFFFE0] =	vst v5;
	v2 =	vld.idx.msk [tilespmem:v11+s6+$0x0], $0xffff  }
0x60e: {  	[tilespmem:s3+$0xFFFFFFF0] =	vst v7;
	v3 =	vld.idx.msk [tilespmem:v12+s6+$0x0], $0xffff  }
0x60f: {  	[tilespmem:s3+$0xFFFFFF80] =	vst v14;
	v4 =	vld.idx.msk [tilespmem:v13+s6+$0x0], $0xffff  }
0x610: {  	s7 =	sadd.s32 $0x100, s7;
	[tilespmem:s3+$0x0] =	vst v8;
	v5 =	vld.idx.msk [tilespmem:v6+s6+$0x0], $0xffff  }
0x611: {  	[tilespmem:s3+$0x10] =	vst v0  }
0x612: {  	[tilespmem:s3+$0x20] =	vst v1  }
0x613: {  	[tilespmem:s3+$0x30] =	vst v2  }
0x614: {  	[tilespmem:s3+$0x40] =	vst v3  }
0x615: {  	[tilespmem:s3+$0x50] =	vst v4  }
0x616: {  	[tilespmem:s3+$0x60] =	vst v5  }
0x617: {  	s3 =	rddreg [dreg:$0x11]  }
0x618: {  	[hbm4b:s3+s15] =	stream.strided.scatter [tilespmem:s17], [sflag:$0x3], $0x3200, s16, s15, $0x38;
	[tilespmem:$0x1B000] =	vst v63  }
0x619: {  	_ =	swait.ge [sflag:s24], $0x3200  }
0x61a: {  	[sflag:s24] =	ssyncset.done $0x0  }
0x61b: {  	s23 =	simm.s32 $0x32F0;
	[sflag:s24] =	ssyncadd.s32 $0xFFFFCE00  }
0x61c: {  	v0 =	vld [tilespmem:s23+$0x0]  }
0x61d: {  	v1 =	vld [tilespmem:s23+$0xFFFFFF20]  }
0x61e: {  	v2 =	vld [tilespmem:s23+$0xFFFFFF30]  }
0x61f: {  	v3 =	vld [tilespmem:s23+$0xFFFFFF40]  }
0x620: {  	v4 =	vld [tilespmem:s23+$0xFFFFFF50]  }
0x621: {  	v5 =	vld [tilespmem:s23+$0xFFFFFF60]  }
0x622: {  	v6 =	vld [tilespmem:s23+$0xFFFFFF70]  }
0x623: {  	v7 =	vld [tilespmem:s23+$0xFFFFFF80]  }
0x624: {  	v8 =	vld [tilespmem:s23+$0xFFFFFF90]  }
0x625: {  	v9 =	vld [tilespmem:s23+$0xFFFFFFA0]  }
0x626: {  	v10 =	vld [tilespmem:s23+$0xFFFFFFB0]  }
0x627: {  	v11 =	vld [tilespmem:s23+$0xFFFFFFC0]  }
0x628: {  	v12 =	vld [tilespmem:s23+$0xFFFFFFD0]  }
0x629: {  	v13 =	vld [tilespmem:s23+$0xFFFFFFE0]  }
0x62a: {  	v14 =	vld [tilespmem:s23+$0xFFFFFFF0]  }
0x62b: {  	v15 =	vld [tilespmem:s23+$0xFFFFFF10]  }
0x62c: {  	v0 =	vld.idx.msk [tilespmem:v0+s6+$0x0], $0xffff  }
0x62d: {  	v1 =	vld.idx.msk [tilespmem:v1+s6+$0x0], $0xffff  }
0x62e: {  	v2 =	vld.idx.msk [tilespmem:v2+s6+$0x0], $0xffff  }
0x62f: {  	v3 =	vld.idx.msk [tilespmem:v3+s6+$0x0], $0xffff  }
0x630: {  	v4 =	vld.idx.msk [tilespmem:v4+s6+$0x0], $0xffff  }
0x631: {  	s3 =	simm.s32 $0xFA80;
	v5 =	vld.idx.msk [tilespmem:v5+s6+$0x0], $0xffff  }
0x632: {  	v6 =	vld.idx.msk [tilespmem:v6+s6+$0x0], $0xffff;
	[tilespmem:s3+$0x70] =	vst v0  }
0x633: {  	v7 =	vld.idx.msk [tilespmem:v7+s6+$0x0], $0xffff;
	[tilespmem:s3+$0xFFFFFF90] =	vst v1  }
0x634: {  	v15 =	vld.idx.msk [tilespmem:v15+s6+$0x0], $0xffff;
	[tilespmem:s3+$0xFFFFFFA0] =	vst v2  }
0x635: {  	v8 =	vld.idx.msk [tilespmem:v8+s6+$0x0], $0xffff;
	[tilespmem:s3+$0xFFFFFFB0] =	vst v3  }
0x636: {  	[tilespmem:s3+$0xFFFFFFC0] =	vst v4;
	v0 =	vld.idx.msk [tilespmem:v9+s6+$0x0], $0xffff  }
0x637: {  	[tilespmem:s3+$0xFFFFFFD0] =	vst v5;
	v1 =	vld.idx.msk [tilespmem:v10+s6+$0x0], $0xffff  }
0x638: {  	[tilespmem:s3+$0xFFFFFFE0] =	vst v6;
	v2 =	vld.idx.msk [tilespmem:v11+s6+$0x0], $0xffff  }
0x639: {  	[tilespmem:s3+$0xFFFFFFF0] =	vst v7;
	v3 =	vld.idx.msk [tilespmem:v12+s6+$0x0], $0xffff  }
0x63a: {  	[tilespmem:s3+$0xFFFFFF80] =	vst v15;
	v4 =	vld.idx.msk [tilespmem:v13+s6+$0x0], $0xffff  }
0x63b: {  	s5 =	simm.s32 $0x0;
	s7 =	simm.s32 $0x33F0;
	[tilespmem:s3+$0x0] =	vst v8;
	v5 =	vld.idx.msk [tilespmem:v14+s6+$0x0], $0xffff  }
.LBB2_25:
0x63c: {  	v6 =	vld [tilespmem:s7+$0x0];
	s5 =	sadd.s32 $0x100, s5;
	[tilespmem:s3+$0x10] =	vst v0  }
0x63d: {  	v0 =	vld [tilespmem:s7+$0xFFFFFF20];
	p1 =	slt.u32 s5, $0x3100;
	[tilespmem:s3+$0x20] =	vst v1  }
0x63e: {  	v1 =	vld [tilespmem:s7+$0xFFFFFF30];
	[tilespmem:s3+$0x30] =	vst v2  }
0x63f: {  	v2 =	vld [tilespmem:s7+$0xFFFFFF40];
	[tilespmem:s3+$0x40] =	vst v3  }
0x640: {  	v3 =	vld [tilespmem:s7+$0xFFFFFF50];
	[tilespmem:s3+$0x50] =	vst v4  }
0x641: {  	v4 =	vld [tilespmem:s7+$0xFFFFFF60];
	[tilespmem:s3+$0x60] =	vst v5  }
0x642: {  	v5 =	vld [tilespmem:s7+$0xFFFFFF70]  }
0x643: {  	v7 =	vld [tilespmem:s7+$0xFFFFFF80]  }
0x644: {  	v6 =	vld.idx.msk [tilespmem:v6+s6+$0x0], $0xffff  }
0x645: {  	v8 =	vld [tilespmem:s7+$0xFFFFFF90]  }
0x646: {  	v9 =	vld [tilespmem:s7+$0xFFFFFFA0]  }
0x647: {  	v10 =	vld [tilespmem:s7+$0xFFFFFFB0]  }
0x648: {  	v11 =	vld [tilespmem:s7+$0xFFFFFFC0]  }
0x649: {  	s3 =	sadd.s32 $0x100, s3;
	v12 =	vld [tilespmem:s7+$0xFFFFFFD0]  }
0x64a: {  	v13 =	vld [tilespmem:s7+$0xFFFFFFE0];
	[tilespmem:s3+$0x70] =	vst v6  }
0x64b: {  	v6 =	vld [tilespmem:s7+$0xFFFFFFF0]  }
0x64c: {  	v14 =	vld [tilespmem:s7+$0xFFFFFF10]  }
0x64d: {  	v0 =	vld.idx.msk [tilespmem:v0+s6+$0x0], $0xffff  }
0x64e: {  	v1 =	vld.idx.msk [tilespmem:v1+s6+$0x0], $0xffff  }
0x64f: {  	v2 =	vld.idx.msk [tilespmem:v2+s6+$0x0], $0xffff  }
0x650: {  	v3 =	vld.idx.msk [tilespmem:v3+s6+$0x0], $0xffff  }
0x651: {  	v4 =	vld.idx.msk [tilespmem:v4+s6+$0x0], $0xffff  }
0x652: {  	v5 =	vld.idx.msk [tilespmem:v5+s6+$0x0], $0xffff  }
0x653: {  	[tilespmem:s3+$0xFFFFFF90] =	vst v0;
	v7 =	vld.idx.msk [tilespmem:v7+s6+$0x0], $0xffff  }
0x654: {  	v14 =	vld.idx.msk [tilespmem:v14+s6+$0x0], $0xffff;
	[tilespmem:s3+$0xFFFFFFA0] =	vst v1  }
0x655: {  	[tilespmem:s3+$0xFFFFFFB0] =	vst v2;
	v8 =	vld.idx.msk [tilespmem:v8+s6+$0x0], $0xffff  }
0x656: {  	[tilespmem:s3+$0xFFFFFFC0] =	vst v3;
	v0 =	vld.idx.msk [tilespmem:v9+s6+$0x0], $0xffff  }
.Ltmp17:
0x657: {  	[tilespmem:s3+$0xFFFFFFD0] =	vst v4;
	v1 =	vld.idx.msk [tilespmem:v10+s6+$0x0], $0xffff;
	(pc) =	sbr.rel @p1 .LBB2_25-.Ltmp17, $4  }
0x658: {  	[tilespmem:s3+$0xFFFFFFE0] =	vst v5;
	v2 =	vld.idx.msk [tilespmem:v11+s6+$0x0], $0xffff  }
0x659: {  	[tilespmem:s3+$0xFFFFFFF0] =	vst v7;
	v3 =	vld.idx.msk [tilespmem:v12+s6+$0x0], $0xffff  }
0x65a: {  	[tilespmem:s3+$0xFFFFFF80] =	vst v14;
	v4 =	vld.idx.msk [tilespmem:v13+s6+$0x0], $0xffff  }
0x65b: {  	s7 =	sadd.s32 $0x100, s7;
	[tilespmem:s3+$0x0] =	vst v8;
	v5 =	vld.idx.msk [tilespmem:v6+s6+$0x0], $0xffff  }
0x65c: {  	[tilespmem:s3+$0x10] =	vst v0  }
0x65d: {  	[tilespmem:s3+$0x20] =	vst v1  }
0x65e: {  	[tilespmem:s3+$0x30] =	vst v2  }
0x65f: {  	[tilespmem:s3+$0x40] =	vst v3  }
0x660: {  	[tilespmem:s3+$0x50] =	vst v4  }
0x661: {  	[tilespmem:s3+$0x60] =	vst v5  }
0x662: {  	s3 =	rddreg [dreg:$0x12]  }
0x663: {  	[hbm4b:s3+s15] =	stream.strided.scatter [tilespmem:s19], [sflag:$0x4], $0x3200, s16, s15, $0x38;
	[tilespmem:$0x1B000] =	vst v63  }
0x664: {  	_ =	swait.ge [sflag:s21], $0x3200  }
0x665: {  	[sflag:s21] =	ssyncset.done $0x0  }
0x666: {  	s3 =	simm.s32 $0x0;
	[sflag:s21] =	ssyncadd.s32 $0xFFFFCE00  }
0x667: {  	v0 =	vld [tilespmem:s3+$0x64F0]  }
0x668: {  	v1 =	vld [tilespmem:s3+$0x6400]  }
0x669: {  	v2 =	vld [tilespmem:s3+$0x6410]  }
0x66a: {  	v3 =	vld [tilespmem:s3+$0x6420]  }
0x66b: {  	v4 =	vld [tilespmem:s3+$0x6430]  }
0x66c: {  	v5 =	vld [tilespmem:s3+$0x6440]  }
0x66d: {  	v6 =	vld [tilespmem:s3+$0x6450]  }
0x66e: {  	v7 =	vld [tilespmem:s3+$0x6460]  }
0x66f: {  	v9 =	vld [tilespmem:s3+$0x6470]  }
0x670: {  	v10 =	vld [tilespmem:s3+$0x6480]  }
0x671: {  	v11 =	vld [tilespmem:s3+$0x6490]  }
0x672: {  	v12 =	vld [tilespmem:s3+$0x64A0]  }
0x673: {  	v13 =	vld [tilespmem:s3+$0x64B0]  }
0x674: {  	v14 =	vld [tilespmem:s3+$0x64C0]  }
0x675: {  	v15 =	vld [tilespmem:s3+$0x64D0]  }
0x676: {  	v8 =	vld.idx.msk [tilespmem:v0+s6+$0x0], $0xffff  }
0x677: {  	v0 =	vld [tilespmem:s3+$0x64E0]  }
0x678: {  	v1 =	vld.idx.msk [tilespmem:v1+s6+$0x0], $0xffff  }
0x679: {  	v2 =	vld.idx.msk [tilespmem:v2+s6+$0x0], $0xffff  }
0x67a: {  	v3 =	vld.idx.msk [tilespmem:v3+s6+$0x0], $0xffff  }
0x67b: {  	v4 =	vld.idx.msk [tilespmem:v4+s6+$0x0], $0xffff  }
0x67c: {  	v5 =	vld.idx.msk [tilespmem:v5+s6+$0x0], $0xffff  }
0x67d: {  	v6 =	vld.idx.msk [tilespmem:v6+s6+$0x0], $0xffff;
	[tilespmem:s3+$0xC8F0] =	vst v8  }
0x67e: {  	v7 =	vld.idx.msk [tilespmem:v7+s6+$0x0], $0xffff;
	[tilespmem:s3+$0xC800] =	vst v1  }
0x67f: {  	[tilespmem:s3+$0xC810] =	vst v2;
	v8 =	vld.idx.msk [tilespmem:v9+s6+$0x0], $0xffff  }
0x680: {  	[tilespmem:s3+$0xC820] =	vst v3;
	v3 =	vld.idx.msk [tilespmem:v10+s6+$0x0], $0xffff  }
0x681: {  	[tilespmem:s3+$0xC830] =	vst v4;
	v1 =	vld.idx.msk [tilespmem:v11+s6+$0x0], $0xffff  }
0x682: {  	[tilespmem:s3+$0xC840] =	vst v5;
	v2 =	vld.idx.msk [tilespmem:v12+s6+$0x0], $0xffff  }
0x683: {  	[tilespmem:s3+$0xC850] =	vst v6;
	v4 =	vld.idx.msk [tilespmem:v13+s6+$0x0], $0xffff  }
0x684: {  	[tilespmem:s3+$0xC860] =	vst v7;
	v5 =	vld.idx.msk [tilespmem:v14+s6+$0x0], $0xffff  }
0x685: {  	s5 =	simm.s32 $0x0;
	s7 =	simm.s32 $0x400;
	v6 =	vld.idx.msk [tilespmem:v15+s6+$0x0], $0xffff;
	[tilespmem:s3+$0xC870] =	vst v8  }
.LBB2_27:
0x686: {  	s10 =	sshra.s32 s7, $0x2;
	s5 =	sadd.s32 $0x100, s5;
	[tilespmem:s3+$0xC880] =	vst v3;
	v0 =	vld.idx.msk [tilespmem:v0+s6+$0x0], $0xffff  }
0x687: {  	v3 =	vld [tilespmem:s10+$0x64F0];
	p1 =	slt.u32 s5, $0x3100;
	[tilespmem:s3+$0xC890] =	vst v1  }
0x688: {  	v1 =	vld [tilespmem:s10+$0x6400];
	[tilespmem:s3+$0xC8A0] =	vst v2  }
0x689: {  	v2 =	vld [tilespmem:s10+$0x6410];
	[tilespmem:s3+$0xC8B0] =	vst v4  }
0x68a: {  	v4 =	vld [tilespmem:s10+$0x6420];
	[tilespmem:s3+$0xC8C0] =	vst v5  }
0x68b: {  	v5 =	vld [tilespmem:s10+$0x6430];
	[tilespmem:s3+$0xC8D0] =	vst v6  }
0x68c: {  	v6 =	vld [tilespmem:s10+$0x6440];
	[tilespmem:s3+$0xC8E0] =	vst v0;
	s3 =	smov.u32 s10  }
0x68d: {  	v7 =	vld [tilespmem:s3+$0x6450]  }
0x68e: {  	v8 =	vld [tilespmem:s3+$0x6460]  }
0x68f: {  	v0 =	vld.idx.msk [tilespmem:v3+s6+$0x0], $0xffff  }
0x690: {  	v3 =	vld [tilespmem:s3+$0x6470]  }
0x691: {  	v9 =	vld [tilespmem:s3+$0x6480]  }
0x692: {  	v10 =	vld [tilespmem:s3+$0x6490]  }
0x693: {  	v11 =	vld [tilespmem:s3+$0x64A0]  }
0x694: {  	v12 =	vld [tilespmem:s3+$0x64B0]  }
0x695: {  	v13 =	vld [tilespmem:s3+$0x64C0];
	[tilespmem:s3+$0xC8F0] =	vst v0  }
0x696: {  	v14 =	vld [tilespmem:s3+$0x64D0]  }
0x697: {  	v0 =	vld [tilespmem:s3+$0x64E0]  }
0x698: {  	v1 =	vld.idx.msk [tilespmem:v1+s6+$0x0], $0xffff  }
0x699: {  	v2 =	vld.idx.msk [tilespmem:v2+s6+$0x0], $0xffff  }
0x69a: {  	v4 =	vld.idx.msk [tilespmem:v4+s6+$0x0], $0xffff  }
0x69b: {  	v5 =	vld.idx.msk [tilespmem:v5+s6+$0x0], $0xffff  }
0x69c: {  	v6 =	vld.idx.msk [tilespmem:v6+s6+$0x0], $0xffff  }
0x69d: {  	v7 =	vld.idx.msk [tilespmem:v7+s6+$0x0], $0xffff  }
0x69e: {  	[tilespmem:s3+$0xC800] =	vst v1;
	v8 =	vld.idx.msk [tilespmem:v8+s6+$0x0], $0xffff  }
0x69f: {  	[tilespmem:s3+$0xC810] =	vst v2;
	v15 =	vld.idx.msk [tilespmem:v3+s6+$0x0], $0xffff  }
0x6a0: {  	[tilespmem:s3+$0xC820] =	vst v4;
	v3 =	vld.idx.msk [tilespmem:v9+s6+$0x0], $0xffff  }
.Ltmp18:
0x6a1: {  	[tilespmem:s3+$0xC830] =	vst v5;
	v1 =	vld.idx.msk [tilespmem:v10+s6+$0x0], $0xffff;
	(pc) =	sbr.rel @p1 .LBB2_27-.Ltmp18, $4  }
0x6a2: {  	[tilespmem:s3+$0xC840] =	vst v6;
	v2 =	vld.idx.msk [tilespmem:v11+s6+$0x0], $0xffff  }
0x6a3: {  	[tilespmem:s3+$0xC850] =	vst v7;
	v4 =	vld.idx.msk [tilespmem:v12+s6+$0x0], $0xffff  }
0x6a4: {  	[tilespmem:s3+$0xC860] =	vst v8;
	v5 =	vld.idx.msk [tilespmem:v13+s6+$0x0], $0xffff  }
0x6a5: {  	s7 =	sadd.s32 $0x400, s7;
	[tilespmem:s3+$0xC870] =	vst v15;
	v6 =	vld.idx.msk [tilespmem:v14+s6+$0x0], $0xffff  }
0x6a6: {  	_ =	sdelay $0x2  }
0x6a7: {  	[tilespmem:s3+$0xC880] =	vst v3  }
0x6a8: {  	v0 =	vld.idx.msk [tilespmem:v0+s6+$0x0], $0xffff;
	[tilespmem:s3+$0xC890] =	vst v1  }
0x6a9: {  	[tilespmem:s3+$0xC8A0] =	vst v2  }
0x6aa: {  	[tilespmem:s3+$0xC8B0] =	vst v4  }
0x6ab: {  	[tilespmem:s3+$0xC8C0] =	vst v5  }
0x6ac: {  	[tilespmem:s3+$0xC8D0] =	vst v6  }
0x6ad: {  	[tilespmem:s3+$0xC8E0] =	vst v0  }
0x6ae: {  	s3 =	rddreg [dreg:$0x13]  }
0x6af: {  	[hbm4b:s3+s15] =	stream.strided.scatter [tilespmem:s17], [sflag:$0x3], $0x3200, s16, s15, $0x38;
	[tilespmem:$0x1B000] =	vst v63  }
0x6b0: {  	_ =	swait.ge [sflag:s24], $0x3200  }
0x6b1: {  	[sflag:s24] =	ssyncset.done $0x0  }
0x6b2: {  	s3 =	simm.s32 $0x0;
	[sflag:s24] =	ssyncadd.s32 $0xFFFFCE00  }
0x6b3: {  	v0 =	vld [tilespmem:s3+$0x96F0]  }
0x6b4: {  	v1 =	vld [tilespmem:s3+$0x9600]  }
0x6b5: {  	v2 =	vld [tilespmem:s3+$0x9610]  }
0x6b6: {  	v3 =	vld [tilespmem:s3+$0x9620]  }
0x6b7: {  	v4 =	vld [tilespmem:s3+$0x9630]  }
0x6b8: {  	v5 =	vld [tilespmem:s3+$0x9640]  }
0x6b9: {  	v6 =	vld [tilespmem:s3+$0x9650]  }
0x6ba: {  	v7 =	vld [tilespmem:s3+$0x9660]  }
0x6bb: {  	v9 =	vld [tilespmem:s3+$0x9670]  }
0x6bc: {  	v10 =	vld [tilespmem:s3+$0x9680]  }
0x6bd: {  	v11 =	vld [tilespmem:s3+$0x9690]  }
0x6be: {  	v12 =	vld [tilespmem:s3+$0x96A0]  }
0x6bf: {  	v13 =	vld [tilespmem:s3+$0x96B0]  }
0x6c0: {  	v14 =	vld [tilespmem:s3+$0x96C0]  }
0x6c1: {  	v15 =	vld [tilespmem:s3+$0x96D0]  }
0x6c2: {  	v8 =	vld.idx.msk [tilespmem:v0+s6+$0x0], $0xffff  }
0x6c3: {  	v0 =	vld [tilespmem:s3+$0x96E0]  }
0x6c4: {  	v1 =	vld.idx.msk [tilespmem:v1+s6+$0x0], $0xffff  }
0x6c5: {  	v2 =	vld.idx.msk [tilespmem:v2+s6+$0x0], $0xffff  }
0x6c6: {  	v3 =	vld.idx.msk [tilespmem:v3+s6+$0x0], $0xffff  }
0x6c7: {  	v4 =	vld.idx.msk [tilespmem:v4+s6+$0x0], $0xffff  }
0x6c8: {  	v5 =	vld.idx.msk [tilespmem:v5+s6+$0x0], $0xffff  }
0x6c9: {  	v6 =	vld.idx.msk [tilespmem:v6+s6+$0x0], $0xffff;
	[tilespmem:s3+$0xFAF0] =	vst v8  }
0x6ca: {  	v7 =	vld.idx.msk [tilespmem:v7+s6+$0x0], $0xffff;
	[tilespmem:s3+$0xFA00] =	vst v1  }
0x6cb: {  	[tilespmem:s3+$0xFA10] =	vst v2;
	v8 =	vld.idx.msk [tilespmem:v9+s6+$0x0], $0xffff  }
0x6cc: {  	[tilespmem:s3+$0xFA20] =	vst v3;
	v3 =	vld.idx.msk [tilespmem:v10+s6+$0x0], $0xffff  }
0x6cd: {  	[tilespmem:s3+$0xFA30] =	vst v4;
	v1 =	vld.idx.msk [tilespmem:v11+s6+$0x0], $0xffff  }
0x6ce: {  	[tilespmem:s3+$0xFA40] =	vst v5;
	v2 =	vld.idx.msk [tilespmem:v12+s6+$0x0], $0xffff  }
0x6cf: {  	[tilespmem:s3+$0xFA50] =	vst v6;
	v4 =	vld.idx.msk [tilespmem:v13+s6+$0x0], $0xffff  }
0x6d0: {  	[tilespmem:s3+$0xFA60] =	vst v7;
	v5 =	vld.idx.msk [tilespmem:v14+s6+$0x0], $0xffff  }
0x6d1: {  	s5 =	simm.s32 $0x0;
	s7 =	simm.s32 $0x400;
	v6 =	vld.idx.msk [tilespmem:v15+s6+$0x0], $0xffff;
	[tilespmem:s3+$0xFA70] =	vst v8  }
.LBB2_29:
0x6d2: {  	s10 =	sshra.s32 s7, $0x2;
	s5 =	sadd.s32 $0x100, s5;
	[tilespmem:s3+$0xFA80] =	vst v3;
	v0 =	vld.idx.msk [tilespmem:v0+s6+$0x0], $0xffff  }
0x6d3: {  	v3 =	vld [tilespmem:s10+$0x96F0];
	p1 =	slt.u32 s5, $0x3100;
	[tilespmem:s3+$0xFA90] =	vst v1  }
0x6d4: {  	v1 =	vld [tilespmem:s10+$0x9600];
	[tilespmem:s3+$0xFAA0] =	vst v2  }
0x6d5: {  	v2 =	vld [tilespmem:s10+$0x9610];
	[tilespmem:s3+$0xFAB0] =	vst v4  }
0x6d6: {  	v4 =	vld [tilespmem:s10+$0x9620];
	[tilespmem:s3+$0xFAC0] =	vst v5  }
0x6d7: {  	v5 =	vld [tilespmem:s10+$0x9630];
	[tilespmem:s3+$0xFAD0] =	vst v6  }
0x6d8: {  	v6 =	vld [tilespmem:s10+$0x9640];
	[tilespmem:s3+$0xFAE0] =	vst v0;
	s3 =	smov.u32 s10  }
0x6d9: {  	v7 =	vld [tilespmem:s3+$0x9650]  }
0x6da: {  	v8 =	vld [tilespmem:s3+$0x9660]  }
0x6db: {  	v0 =	vld.idx.msk [tilespmem:v3+s6+$0x0], $0xffff  }
0x6dc: {  	v3 =	vld [tilespmem:s3+$0x9670]  }
0x6dd: {  	v9 =	vld [tilespmem:s3+$0x9680]  }
0x6de: {  	v10 =	vld [tilespmem:s3+$0x9690]  }
0x6df: {  	v11 =	vld [tilespmem:s3+$0x96A0]  }
0x6e0: {  	v12 =	vld [tilespmem:s3+$0x96B0]  }
0x6e1: {  	v13 =	vld [tilespmem:s3+$0x96C0];
	[tilespmem:s3+$0xFAF0] =	vst v0  }
0x6e2: {  	v14 =	vld [tilespmem:s3+$0x96D0]  }
0x6e3: {  	v0 =	vld [tilespmem:s3+$0x96E0]  }
0x6e4: {  	v1 =	vld.idx.msk [tilespmem:v1+s6+$0x0], $0xffff  }
0x6e5: {  	v2 =	vld.idx.msk [tilespmem:v2+s6+$0x0], $0xffff  }
0x6e6: {  	v4 =	vld.idx.msk [tilespmem:v4+s6+$0x0], $0xffff  }
0x6e7: {  	v5 =	vld.idx.msk [tilespmem:v5+s6+$0x0], $0xffff  }
0x6e8: {  	v6 =	vld.idx.msk [tilespmem:v6+s6+$0x0], $0xffff  }
0x6e9: {  	v7 =	vld.idx.msk [tilespmem:v7+s6+$0x0], $0xffff  }
0x6ea: {  	[tilespmem:s3+$0xFA00] =	vst v1;
	v8 =	vld.idx.msk [tilespmem:v8+s6+$0x0], $0xffff  }
0x6eb: {  	[tilespmem:s3+$0xFA10] =	vst v2;
	v15 =	vld.idx.msk [tilespmem:v3+s6+$0x0], $0xffff  }
0x6ec: {  	[tilespmem:s3+$0xFA20] =	vst v4;
	v3 =	vld.idx.msk [tilespmem:v9+s6+$0x0], $0xffff  }
.Ltmp19:
0x6ed: {  	[tilespmem:s3+$0xFA30] =	vst v5;
	v1 =	vld.idx.msk [tilespmem:v10+s6+$0x0], $0xffff;
	(pc) =	sbr.rel @p1 .LBB2_29-.Ltmp19, $4  }
0x6ee: {  	[tilespmem:s3+$0xFA40] =	vst v6;
	v2 =	vld.idx.msk [tilespmem:v11+s6+$0x0], $0xffff  }
0x6ef: {  	[tilespmem:s3+$0xFA50] =	vst v7;
	v4 =	vld.idx.msk [tilespmem:v12+s6+$0x0], $0xffff  }
0x6f0: {  	[tilespmem:s3+$0xFA60] =	vst v8;
	v5 =	vld.idx.msk [tilespmem:v13+s6+$0x0], $0xffff  }
0x6f1: {  	s7 =	sadd.s32 $0x400, s7;
	[tilespmem:s3+$0xFA70] =	vst v15;
	v6 =	vld.idx.msk [tilespmem:v14+s6+$0x0], $0xffff  }
0x6f2: {  	_ =	sdelay $0x2  }
0x6f3: {  	[tilespmem:s3+$0xFA80] =	vst v3  }
0x6f4: {  	v0 =	vld.idx.msk [tilespmem:v0+s6+$0x0], $0xffff;
	[tilespmem:s3+$0xFA90] =	vst v1  }
0x6f5: {  	[tilespmem:s3+$0xFAA0] =	vst v2  }
0x6f6: {  	[tilespmem:s3+$0xFAB0] =	vst v4  }
0x6f7: {  	[tilespmem:s3+$0xFAC0] =	vst v5  }
0x6f8: {  	[tilespmem:s3+$0xFAD0] =	vst v6  }
0x6f9: {  	[tilespmem:s3+$0xFAE0] =	vst v0  }
0x6fa: {  	s3 =	rddreg [dreg:$0x18]  }
0x6fb: {  	[hbm4b:s3+s15] =	stream.strided.scatter [tilespmem:s19], [sflag:$0x4], $0x3200, s16, s15, $0x38;
	[tilespmem:$0x1B000] =	vst v63  }
.LBB2_40:
0x6fc: {  	_ =	swait.ge [sflag:s21], $0x3200  }
0x6fd: {  	[sflag:s21] =	ssyncset.done $0x0  }
0x6fe: {  	[sflag:s21] =	ssyncadd.s32 $0xFFFFCE00  }
0x6ff: {  	_ =	swait.ge [sflag:s24], $0x3200  }
0x700: {  	[sflag:s24] =	ssyncset.done $0x0  }
0x701: {  	[sflag:s24] =	ssyncadd.s32 $0xFFFFCE00  }
0x702: {  	_ =	swait.ge [sflag:s22], $0x3200  }
0x703: {  	[sflag:s22] =	ssyncset.done $0x0  }
0x704: {  	[sflag:s22] =	ssyncadd.s32 $0xFFFFCE00  }
0x705: {  	_ =	swait.ge [sflag:s25], $0x3200  }
0x706: {  	[sflag:s25] =	ssyncset.done $0x0  }
0x707: {  	s3 =	simm.s32 $0x7;
	[sflag:s25] =	ssyncadd.s32 $0xFFFFCE00  }
0x708: {  	_ =	swait.ge [sflag:s3], $0x640  }
0x709: {  	[sflag:s3] =	ssyncset.done $0x0  }
0x70a: {  	s10 =	rddreg [dreg:$0x1f];
	[sflag:s3] =	ssyncadd.s32 $0xFFFFF9C0  }
0x70b: {  	v4 =	vld [tilespmem:s10+$0xFFFFFFE0]  }
0x70c: {  	v8 =	vld [tilespmem:s10+$0xFFFFFFF0];
	_ =	sdelay $0x1  }
0x70d: {  	s3 =	simm.s32 $0x1A920;
	v2 =	vld [tilespmem:s10+$0x0]  }
0x70e: {  	v0 =	vld [tilespmem:s3+$0x0]  }
0x70f: {  	v3 =	vld [tilespmem:s10+$0x10]  }
0x710: {  	v1 =	vld [tilespmem:s3+$0xFFFFFFF0]  }
0x711: {  	v7 =	vld [tilespmem:s3+$0xFFFFFFE0]  }
0x712: {  	v5 =	vld.idx.msk [tilespmem:v4+s12+$0x0], $0xffff  }
0x713: {  	v6 =	vimm.f32 $0.0e+00;
	s5 =	simm.s32 $0x0;
	s7 =	sadd.s32 $0x40, s10;
	v4 =	vld.idx.msk [tilespmem:v8+s12+$0x0], $0xffff  }
.LBB2_41:
0x714: {  	v8 =	vld [tilespmem:s7+$0xFFFFFFE0]  }
0x715: {  	s5 =	sadd.s32 $0x40, s5;
	v9 =	vld.idx.msk [tilespmem:v2+s12+$0x0], $0xffff  }
0x716: {  	p1 =	slt.u32 s5, $0x600;
	v10 =	vld [tilespmem:s7+$0xFFFFFFF0]  }
0x717: {  	v5 =	vsub.f32 v5, v7;
	v7 =	vld.idx.msk [tilespmem:v3+s12+$0x0], $0xffff  }
0x718: {  	v11 =	vld [tilespmem:s3+$0x10]  }
0x719: {  	v1 =	vsub.f32 v4, v1;
	s3 =	sadd.s32 $0x40, s3;
	v2 =	vld [tilespmem:s7+$0x0];
	v5 =	vadd.f32 v5, v6  }
0x71a: {  	v12 =	vld [tilespmem:s3+$0x0]  }
.Ltmp20:
0x71b: {  	v0 =	vsub.f32 v9, v0;
	v3 =	vld [tilespmem:s7+$0x10];
	v4 =	vadd.f32 v1, v5;
	(pc) =	sbr.rel @p1 .LBB2_41-.Ltmp20, $4  }
0x71c: {  	v1 =	vld [tilespmem:s3+$0xFFFFFFF0]  }
0x71d: {  	v5 =	vld.idx.msk [tilespmem:v8+s12+$0x0], $0xffff;
	v8 =	vadd.f32 v0, v4;
	v6 =	vsub.f32 v7, v11  }
0x71e: {  	v7 =	vld [tilespmem:s3+$0xFFFFFFE0]  }
0x71f: {  	s7 =	sadd.s32 $0x40, s7;
	v4 =	vld.idx.msk [tilespmem:v10+s12+$0x0], $0xffff;
	v6 =	vadd.f32 v6, v8;
	v0 =	vmov v12  }
0x720: {  	_ =	sdelay $0x3  }
0x721: {  	v2 =	vld.idx.msk [tilespmem:v2+s12+$0x0], $0xffff  }
0x722: {  	v3 =	vld.idx.msk [tilespmem:v3+s12+$0x0], $0xffff;
	v5 =	vsub.f32 v5, v7  }
0x723: {  	v62 =	vld [tilespmem:s3+$0x10]  }
0x724: {  	v1 =	vsub.f32 v4, v1;
	v5 =	vadd.f32 v5, v6;
	_ =	sdelay $0x1  }
0x725: {  	v0 =	vsub.f32 v2, v0;
	v1 =	vadd.f32 v1, v5;
	_ =	sdelay $0x1  }
0x726: {  	v63 =	vsub.f32 v3, v62;
	v0 =	vadd.f32 v0, v1;
	_ =	sdelay $0x1  }
0x727: {  	v0 =	vadd.f32 v63, v0;
	_ =	sdelay $0x1  }
0x728: {  	s11 =	rddreg [dreg:$0x1d];
	s5 =	simm.s32 $0x1AF80;
	[tilespmem:$0x1AF80] =	vst v0  }
0x729: {  	[hbm4b:s11+s4] =	stream.linear.scatter [tilespmem:s5], [sflag:$0x8], $0x80, $0x38;
	[tilespmem:$0x1B000] =	vst v63  }
0x72a: {  	s5 =	simm.s32 $0x8  }
0x72b: {  	_ =	swait.ge [sflag:s5], $0x80  }
0x72c: {  	s7 =	sld [smem:$0x7F9];
	_ =	sdelay $0x2  }
0x72d: {  	s23 =	rddreg [dreg:$0x1e];
	s7 =	sadd.s32 $0x1, s7  }
0x72e: {  	p1 =	sne.s32 s7, s23  }
.Ltmp21:
0x72f: {  	_ = 	snop;
	(pc) =	sbr.rel @p1 .LBB2_1-.Ltmp21, $3  }
0x730: {  	_ =	sdelay $0x1  }
0x731: {  	[sflag:s5] =	ssyncset.done $0x0  }
0x732: {  	[sflag:s5] =	ssyncadd.s32 $0xFFFFFF80  }
0x733: {  	_ =	sfence.sel $0x180000  }
0x734: {  	[bflag:$0x0] =	sbarrier.arrive $0xFFFF  }
0x735: {  	_ =	strace $0x90000047  }
0x736: {  	s0 =	stileid.u32;
	[bflag:$0x2] =	sbarrier.arrive $0xFFFF  }
0x737: {  	p0 =	sne.s32 s0, $0x0;
	s0 =	rddreg [dreg:$0x2]  }
0x738: {  	s0 =	sadd.s32 @!p0 $0x100000, s0  }
0x739: {  	[sflag:s0] =	ssyncadd.tile.s32 @!p0 $0x1;
	_ =	shalt  }
.Lfunc_end2:
_tile_overlayer_lowered:
.L_overlay_start_2:
0x73a: {  	(tag) =	ssettag $0x2  }
0x73b: {  	s0 =	rddreg [dreg:$0x0];
	s2 =	stileid.u32  }
0x73c: {  	s1 =	rddreg [dreg:$0x1];
	p0 =	sne.s32 s2, $0x0  }
0x73d: {  	s3 =	rddreg [dreg:$0x2];
	[bflag:$0x3] =	sbarrier.arrive $0xFFFF;
	s2 =	simm.s32 @!p0 $0x1C08  }
0x73e: {  	[timem:s3], [sflag:s2] =	dma.local @!p0 [hbm:s0], s1  }
0x73f: {  	s0 =	simm.s32 @!p0 $0x8  }
0x740: {  	_ =	swait.ge @!p0 [sflag:s0], s1  }
0x741: {  	s1 =	ssub.s32 @!p0 $0x0, s1;
	[sflag:s0] =	ssyncset.done @!p0 $0x0  }
0x742: {  	[sflag:s0] =	ssyncadd.s32 @!p0 s1  }
0x743: {  	[bflag:$0x3] =	sbarrier.arrive $0xFFFF  }
0x744: {  	_ =	shalt  }

</sc_bundles>
